<compile_context>
chip_gen: v7x
topology: tpu7x:2x2x1
jax: 0.10.2.dev20260603
libtpu: 0.0.44.dev20260713+nightly
codegen_flags: <defaults>
</compile_context>

<pallas_src>
import functools

import jax
import jax.numpy as jnp
from jax import lax
from jax.experimental import pallas as pl
from jax.experimental.pallas import tpu as pltpu
from jax.experimental.pallas import tpu_sc as plsc

_B = 1024
_D_IN = 1024
_N_EMB = 512
_D_OUT = 1024
_D_CAT = _D_IN + _N_EMB

_NNZ_E = 8192
_NNZ_M = 32768

_NS = 16
_L = 16
_ZLEN = 8192

_E_CHUNK = _NNZ_E // _NS
_M_CHUNK = _NNZ_M // _NS
_C_CHUNK = _E_CHUNK + _M_CHUNK
_NCHUNK = _C_CHUNK // 128

_E_HALF_ROWS = _N_EMB // 2
_M_HALF_ROWS = _D_OUT // 2
_E_HALF_EL = _E_HALF_ROWS * _D_IN
_M_HALF_EL = _M_HALF_ROWS * _D_CAT
_M_OFF = _E_HALF_EL
_TRASH = _E_HALF_EL + _M_HALF_EL
_ACC_EL = _TRASH + _L
_ZSLICE = (_E_HALF_EL + _M_HALF_EL) // _NS

_E_ROWS_PER_TILE = _E_HALF_ROWS // _NS
_M_ROWS_PER_TILE = _M_HALF_ROWS // _NS


def _make_densify_both():
  mesh = plsc.VectorSubcoreMesh(core_axis_name="c", subcore_axis_name="s")

  @functools.partial(
      pl.kernel,
      mesh=mesh,
      out_type=(jax.ShapeDtypeStruct((_N_EMB, _D_IN), jnp.float32),
                jax.ShapeDtypeStruct((_D_OUT, _D_CAT), jnp.float32)),
      scratch_types=[
          pltpu.VMEM((_C_CHUNK,), jnp.int32),
          pltpu.VMEM((_C_CHUNK,), jnp.int32),
          pltpu.VMEM((_C_CHUNK,), jnp.float32),
          pltpu.VMEM((_NCHUNK, 128), jnp.int32),
          pltpu.VMEM((_ZLEN,), jnp.float32),
          pltpu.VMEM_SHARED((_ACC_EL,), jnp.float32),
          pltpu.SemaphoreType.DMA,
          pltpu.SemaphoreType.DMA,
          pltpu.SemaphoreType.DMA,
      ],
  )
  def dens(erows_hbm, ecols_hbm, evals_hbm, mrows_hbm, mcols_hbm, mvals_hbm,
           eout_hbm, mout_hbm,
           rows_v, cols_v, vals_v, idx_v, z_v, acc_s, sem, zsem, ssem):
    cid = lax.axis_index("c")
    sid = lax.axis_index("s")
    ebase = sid * _E_CHUNK
    mbase = sid * _M_CHUNK

    zvec = jnp.zeros((_L,), jnp.float32)

    def zfill(i, carry):
      for u in range(8):
        z_v[pl.ds((i * 8 + u) * _L, _L)] = zvec
      return carry

    lax.fori_loop(0, _ZLEN // (8 * _L), zfill, 0)

    zeros = [
        pltpu.async_copy(
            z_v, acc_s.at[pl.ds(sid * _ZSLICE + i * _ZLEN, _ZLEN)], zsem)
        for i in range(_ZSLICE // _ZLEN)
    ]

    loads = [
        pltpu.async_copy(erows_hbm.at[pl.ds(ebase, _E_CHUNK)],
                         rows_v.at[pl.ds(0, _E_CHUNK)], sem),
        pltpu.async_copy(ecols_hbm.at[pl.ds(ebase, _E_CHUNK)],
                         cols_v.at[pl.ds(0, _E_CHUNK)], sem),
        pltpu.async_copy(evals_hbm.at[pl.ds(ebase, _E_CHUNK)],
                         vals_v.at[pl.ds(0, _E_CHUNK)], sem),
        pltpu.async_copy(mrows_hbm.at[pl.ds(mbase, _M_CHUNK)],
                         rows_v.at[pl.ds(_E_CHUNK, _M_CHUNK)], sem),
        pltpu.async_copy(mcols_hbm.at[pl.ds(mbase, _M_CHUNK)],
                         cols_v.at[pl.ds(_E_CHUNK, _M_CHUNK)], sem),
        pltpu.async_copy(mvals_hbm.at[pl.ds(mbase, _M_CHUNK)],
                         vals_v.at[pl.ds(_E_CHUNK, _M_CHUNK)], sem),
    ]
    for h in loads:
      h.wait()

    iota = lax.iota(jnp.int32, _L)
    e_row0 = cid * _E_HALF_ROWS
    m_row0 = cid * _M_HALF_ROWS

    def build_e(k, carry):
      for u in range(8):
        j = k * 8 + u
        sl = pl.ds(j * _L, _L)
        r = rows_v[sl]
        c = cols_v[sl]
        mine = (r >= e_row0) & (r < e_row0 + _E_HALF_ROWS)
        loc = (r - e_row0) * _D_IN + c
        idx_v[k, pl.ds(u * _L, _L)] = jnp.where(mine, loc, _TRASH + iota)
      return carry

    lax.fori_loop(0, _E_CHUNK // 128, build_e, 0)

    def build_m(k, carry):
      for u in range(8):
        j = k * 8 + u
        sl = pl.ds(_E_CHUNK + j * _L, _L)
        r = rows_v[sl]
        c = cols_v[sl]
        mine = (r >= m_row0) & (r < m_row0 + _M_HALF_ROWS)
        loc = _M_OFF + (r - m_row0) * _D_CAT + c
        idx_v[_E_CHUNK // 128 + k, pl.ds(u * _L, _L)] = (
            jnp.where(mine, loc, _TRASH + iota))
      return carry

    lax.fori_loop(0, _M_CHUNK // 128, build_m, 0)

    for h in zeros:
      h.wait()
    plsc.subcore_barrier()

    escats = [
        pltpu.async_copy(vals_v.at[pl.ds(k * 128, 128)],
                         acc_s.at[idx_v.at[k]], ssem, add=True)
        for k in range(_E_CHUNK // 128)
    ]
    for h in escats:
      h.wait()
    plsc.subcore_barrier()

    ecopies = []
    for r in range(_E_ROWS_PER_TILE):
      lrow = sid * _E_ROWS_PER_TILE + r
      ecopies.append(pltpu.async_copy(
          acc_s.at[pl.ds(lrow * _D_IN, _D_IN)],
          eout_hbm.at[e_row0 + lrow], sem))

    mscats = [
        pltpu.async_copy(vals_v.at[pl.ds(k * 128, 128)],
                         acc_s.at[idx_v.at[k]], ssem, add=True)
        for k in range(_E_CHUNK // 128, _NCHUNK)
    ]
    for h in mscats:
      h.wait()
    plsc.subcore_barrier()

    mcopies = []
    for r in range(_M_ROWS_PER_TILE):
      lrow = sid * _M_ROWS_PER_TILE + r
      mcopies.append(pltpu.async_copy(
          acc_s.at[pl.ds(_M_OFF + lrow * _D_CAT, _D_CAT)],
          mout_hbm.at[m_row0 + lrow], sem))
    for h in ecopies:
      h.wait()
    for h in mcopies:
      h.wait()

  return dens


_densify_both = _make_densify_both()


def _tc_body(x_ref, e_ref, m_ref, o_ref):
  xb = x_ref[...]
  emb = lax.dot_general(xb, e_ref[...], (((1,), (1,)), ((), ())),
                        preferred_element_type=jnp.float32)
  cat = jnp.concatenate([xb, emb], axis=1)
  o_ref[...] = lax.dot_general(cat, m_ref[...], (((1,), (1,)), ((), ())),
                               preferred_element_type=jnp.float32)


_BB = 256


def _tc_forward(x, e_dense, m_dense):
  return pl.pallas_call(
      _tc_body,
      grid=(_B // _BB,),
      in_specs=[
          pl.BlockSpec((_BB, _D_IN), lambda i: (i, 0)),
          pl.BlockSpec((_N_EMB, _D_IN), lambda i: (0, 0)),
          pl.BlockSpec((_D_OUT, _D_CAT), lambda i: (0, 0)),
      ],
      out_specs=pl.BlockSpec((_BB, _D_OUT), lambda i: (i, 0)),
      out_shape=jax.ShapeDtypeStruct((_B, _D_OUT), jnp.float32),
  )(x, e_dense, m_dense)


def kernel(input, emb_vals, main_vals, emb_rows, emb_cols, main_rows, main_cols):
  e, m = _densify_both(
      emb_rows.astype(jnp.int32), emb_cols.astype(jnp.int32), emb_vals,
      main_rows.astype(jnp.int32), main_cols.astype(jnp.int32), main_vals)
  return _tc_forward(input, e, m)

# --- scband reference (transcript-rebuilt; emitter-appended) ---
"""Pipeline reference for scband-sparse-recursive-linear-11175504904589 (READ-ONLY COPY).

The authoritative reference and input builder live on the scoring server;
editing this copy changes nothing except your own understanding.
"""

import jax, jax.numpy as jnp
import numpy as np

B = 1024
D_IN = 1024
N_EMB = 512
D_OUT = 1024
D_CAT = D_IN + N_EMB
NNZ_E = 8192
NNZ_M = 32768


def setup_inputs(seed: int = 0) -> dict:
    key = jax.random.key(seed)
    k1, k2, k3, k4, k5, k6, k7 = jax.random.split(key, 7)
    x = jax.random.normal(k1, (B, D_IN), dtype=jnp.float32)
    # embed sparse weight: COO [N_EMB, D_IN]
    emb_rows = jax.random.randint(k2, (NNZ_E,), 0, N_EMB)
    emb_cols = jax.random.randint(k3, (NNZ_E,), 0, D_IN)
    emb_vals = jax.random.normal(k4, (NNZ_E,), dtype=jnp.float32) * 0.05
    # MAIN sparse weight: COO [D_OUT, D_CAT]
    main_rows = jax.random.randint(k5, (NNZ_M,), 0, D_OUT)
    main_cols = jax.random.randint(k6, (NNZ_M,), 0, D_CAT)
    main_vals = jax.random.normal(k7, (NNZ_M,), dtype=jnp.float32) * 0.05
    return {
        "input": x,
        "emb_vals": emb_vals,
        "main_vals": main_vals,
        "emb_rows": emb_rows,
        "emb_cols": emb_cols,
        "main_rows": main_rows,
        "main_cols": main_cols,
    }


def _spmm_t(rows, cols, vals, x, n_rows):
    # computes (sparse[n_rows, d] @ x.T).T = [B, n_rows]
    xT = x.T  # [d, B]
    contrib = vals[:, None] * xT[cols]  # gather: [nnz, B]
    out = jax.ops.segment_sum(contrib, rows, num_segments=n_rows)  # scatter-add: [n_rows, B]
    return out.T


def reference(input, emb_vals, main_vals, emb_rows, emb_cols, main_rows, main_cols):
    # previous is None -> skip recursion
    # 1) sparse embed mm: torch.sparse.mm(embed_w, input.t()).t()
    emb_out = _spmm_t(emb_rows, emb_cols, emb_vals, input, N_EMB)  # [B, N_EMB]
    # 2) concat input with embed output
    cat = jnp.concatenate([input, emb_out], axis=1)  # [B, D_CAT]
    # 3) is_last=True -> pass through MAIN sparse linear
    out = _spmm_t(main_rows, main_cols, main_vals, cat, D_OUT)  # [B, D_OUT]
    return out

if __name__ == "__main__":
    import jax
    _d = setup_inputs()
    print(jax.jit(kernel)(*tuple(_d.values())))

</pallas_src>

<mosaic_0001>
#map = affine_map<(d0, d1) -> (0)>
#map1 = affine_map<(d0, d1) -> (0, 0)>
module attributes {stable_mosaic.version = 14 : i64} {
  func.func @dens(%arg0: i32, %arg1: i32, %arg2: memref<8192xi32, #tpu.memory_space<hbm>>, %arg3: memref<8192xi32, #tpu.memory_space<hbm>>, %arg4: memref<8192xf32, #tpu.memory_space<hbm>>, %arg5: memref<32768xi32, #tpu.memory_space<hbm>>, %arg6: memref<32768xi32, #tpu.memory_space<hbm>>, %arg7: memref<32768xf32, #tpu.memory_space<hbm>>, %arg8: memref<512x1024xf32, #tpu.memory_space<hbm>>, %arg9: memref<1024x1536xf32, #tpu.memory_space<hbm>>, %arg10: memref<2560xi32, #tpu.memory_space<vmem>>, %arg11: memref<2560xi32, #tpu.memory_space<vmem>>, %arg12: memref<2560xf32, #tpu.memory_space<vmem>>, %arg13: memref<20x128xi32, #tpu.memory_space<vmem>>, %arg14: memref<8192xf32, #tpu.memory_space<vmem>>, %arg15: memref<1048592xf32, #tpu.memory_space<vmem_shared>>, %arg16: memref<!tpu.dma_semaphore, #tpu.memory_space<semaphore_mem>>, %arg17: memref<!tpu.dma_semaphore, #tpu.memory_space<semaphore_mem>>, %arg18: memref<!tpu.dma_semaphore, #tpu.memory_space<semaphore_mem>>) attributes {dimension_semantics = [#tpu.dimension_semantics<core_parallel>, #tpu.dimension_semantics<subcore_parallel>], iteration_bounds = array<i64: 2, 16>, scalar_prefetch = 0 : i64, scratch_operands = 9 : i64, tpu.core_type = #tpu.core_type<sc_vector_subcore>, window_params = [{transform_indices = #map}, {transform_indices = #map}, {transform_indices = #map}, {transform_indices = #map}, {transform_indices = #map}, {transform_indices = #map}, {transform_indices = #map1}, {transform_indices = #map1}]} {
    %mul3A = arith.constant 512 : i32
    %mul3A_0 = arith.muli %arg1, %mul3A : i32
    %mul3A_1 = arith.constant 2048 : i32
    %mul3A_2 = arith.muli %arg1, %mul3A_1 : i32
    %broadcast_in_dim3A = arith.constant 0.000000e+00 : f32
    %broadcast_in_dim3A_3 = vector.broadcast %broadcast_in_dim3A : f32 to vector<16xf32>
    %scan3A = arith.constant 0 : i32
    %scan3A_4 = arith.constant 0 : i32
    %scan3A_5 = arith.constant 64 : i32
    %scan3A_6 = arith.addi %scan3A_4, %scan3A_5 : i32
    %scan3A_7 = arith.constant 1 : i32
    scf.for %scan3A_1264 = %scan3A_4 to %scan3A_6 step %scan3A_7  : i32 {
      %mul3A_1265 = arith.constant 8 : i32
      %mul3A_1266 = arith.muli %scan3A_1264, %mul3A_1265 : i32
      %add3A_1267 = arith.constant 0 : i32
      %add3A_1268 = arith.addi %mul3A_1266, %add3A_1267 : i32
      %mul3A_1269 = arith.constant 16 : i32
      %mul3A_1270 = arith.muli %add3A_1268, %mul3A_1269 : i32
      %swap3A = arith.index_cast %mul3A_1270 : i32 to index
      %swap3A_1271 = tpu.vector_load %arg14[%swap3A] {strides = array<i32>} : memref<8192xf32, #tpu.memory_space<vmem>>, vector<16xf32>,
      %swap3A_1272 = vector.shape_cast %swap3A_1271 : vector<16xf32> to vector<16xf32>
      %swap3A_1273 = vector.shape_cast %broadcast_in_dim3A_3 : vector<16xf32> to vector<16xf32>
      tpu.vector_store %arg14[%swap3A], %swap3A_1273 {strides = array<i32>} : memref<8192xf32, #tpu.memory_space<vmem>>, vector<16xf32>,
      %mul3A_1274 = arith.constant 8 : i32
      %mul3A_1275 = arith.muli %scan3A_1264, %mul3A_1274 : i32
      %add3A_1276 = arith.constant 1 : i32
      %add3A_1277 = arith.addi %mul3A_1275, %add3A_1276 : i32
      %mul3A_1278 = arith.constant 16 : i32
      %mul3A_1279 = arith.muli %add3A_1277, %mul3A_1278 : i32
      %swap3A_1280 = arith.index_cast %mul3A_1279 : i32 to index
      %swap3A_1281 = tpu.vector_load %arg14[%swap3A_1280] {strides = array<i32>} : memref<8192xf32, #tpu.memory_space<vmem>>, vector<16xf32>,
      %swap3A_1282 = vector.shape_cast %swap3A_1281 : vector<16xf32> to vector<16xf32>
      %swap3A_1283 = vector.shape_cast %broadcast_in_dim3A_3 : vector<16xf32> to vector<16xf32>
      tpu.vector_store %arg14[%swap3A_1280], %swap3A_1283 {strides = array<i32>} : memref<8192xf32, #tpu.memory_space<vmem>>, vector<16xf32>,
      %mul3A_1284 = arith.constant 8 : i32
      %mul3A_1285 = arith.muli %scan3A_1264, %mul3A_1284 : i32
      %add3A_1286 = arith.constant 2 : i32
      %add3A_1287 = arith.addi %mul3A_1285, %add3A_1286 : i32
      %mul3A_1288 = arith.constant 16 : i32
      %mul3A_1289 = arith.muli %add3A_1287, %mul3A_1288 : i32
      %swap3A_1290 = arith.index_cast %mul3A_1289 : i32 to index
      %swap3A_1291 = tpu.vector_load %arg14[%swap3A_1290] {strides = array<i32>} : memref<8192xf32, #tpu.memory_space<vmem>>, vector<16xf32>,
      %swap3A_1292 = vector.shape_cast %swap3A_1291 : vector<16xf32> to vector<16xf32>
      %swap3A_1293 = vector.shape_cast %broadcast_in_dim3A_3 : vector<16xf32> to vector<16xf32>
      tpu.vector_store %arg14[%swap3A_1290], %swap3A_1293 {strides = array<i32>} : memref<8192xf32, #tpu.memory_space<vmem>>, vector<16xf32>,
      %mul3A_1294 = arith.constant 8 : i32
      %mul3A_1295 = arith.muli %scan3A_1264, %mul3A_1294 : i32
      %add3A_1296 = arith.constant 3 : i32
      %add3A_1297 = arith.addi %mul3A_1295, %add3A_1296 : i32
      %mul3A_1298 = arith.constant 16 : i32
      %mul3A_1299 = arith.muli %add3A_1297, %mul3A_1298 : i32
      %swap3A_1300 = arith.index_cast %mul3A_1299 : i32 to index
      %swap3A_1301 = tpu.vector_load %arg14[%swap3A_1300] {strides = array<i32>} : memref<8192xf32, #tpu.memory_space<vmem>>, vector<16xf32>,
      %swap3A_1302 = vector.shape_cast %swap3A_1301 : vector<16xf32> to vector<16xf32>
      %swap3A_1303 = vector.shape_cast %broadcast_in_dim3A_3 : vector<16xf32> to vector<16xf32>
      tpu.vector_store %arg14[%swap3A_1300], %swap3A_1303 {strides = array<i32>} : memref<8192xf32, #tpu.memory_space<vmem>>, vector<16xf32>,
      %mul3A_1304 = arith.constant 8 : i32
      %mul3A_1305 = arith.muli %scan3A_1264, %mul3A_1304 : i32
      %add3A_1306 = arith.constant 4 : i32
      %add3A_1307 = arith.addi %mul3A_1305, %add3A_1306 : i32
      %mul3A_1308 = arith.constant 16 : i32
      %mul3A_1309 = arith.muli %add3A_1307, %mul3A_1308 : i32
      %swap3A_1310 = arith.index_cast %mul3A_1309 : i32 to index
      %swap3A_1311 = tpu.vector_load %arg14[%swap3A_1310] {strides = array<i32>} : memref<8192xf32, #tpu.memory_space<vmem>>, vector<16xf32>,
      %swap3A_1312 = vector.shape_cast %swap3A_1311 : vector<16xf32> to vector<16xf32>
      %swap3A_1313 = vector.shape_cast %broadcast_in_dim3A_3 : vector<16xf32> to vector<16xf32>
      tpu.vector_store %arg14[%swap3A_1310], %swap3A_1313 {strides = array<i32>} : memref<8192xf32, #tpu.memory_space<vmem>>, vector<16xf32>,
      %mul3A_1314 = arith.constant 8 : i32
      %mul3A_1315 = arith.muli %scan3A_1264, %mul3A_1314 : i32
      %add3A_1316 = arith.constant 5 : i32
      %add3A_1317 = arith.addi %mul3A_1315, %add3A_1316 : i32
      %mul3A_1318 = arith.constant 16 : i32
      %mul3A_1319 = arith.muli %add3A_1317, %mul3A_1318 : i32
      %swap3A_1320 = arith.index_cast %mul3A_1319 : i32 to index
      %swap3A_1321 = tpu.vector_load %arg14[%swap3A_1320] {strides = array<i32>} : memref<8192xf32, #tpu.memory_space<vmem>>, vector<16xf32>,
      %swap3A_1322 = vector.shape_cast %swap3A_1321 : vector<16xf32> to vector<16xf32>
      %swap3A_1323 = vector.shape_cast %broadcast_in_dim3A_3 : vector<16xf32> to vector<16xf32>
      tpu.vector_store %arg14[%swap3A_1320], %swap3A_1323 {strides = array<i32>} : memref<8192xf32, #tpu.memory_space<vmem>>, vector<16xf32>,
      %mul3A_1324 = arith.constant 8 : i32
      %mul3A_1325 = arith.muli %scan3A_1264, %mul3A_1324 : i32
      %add3A_1326 = arith.constant 6 : i32
      %add3A_1327 = arith.addi %mul3A_1325, %add3A_1326 : i32
      %mul3A_1328 = arith.constant 16 : i32
      %mul3A_1329 = arith.muli %add3A_1327, %mul3A_1328 : i32
      %swap3A_1330 = arith.index_cast %mul3A_1329 : i32 to index
      %swap3A_1331 = tpu.vector_load %arg14[%swap3A_1330] {strides = array<i32>} : memref<8192xf32, #tpu.memory_space<vmem>>, vector<16xf32>,
      %swap3A_1332 = vector.shape_cast %swap3A_1331 : vector<16xf32> to vector<16xf32>
      %swap3A_1333 = vector.shape_cast %broadcast_in_dim3A_3 : vector<16xf32> to vector<16xf32>
      tpu.vector_store %arg14[%swap3A_1330], %swap3A_1333 {strides = array<i32>} : memref<8192xf32, #tpu.memory_space<vmem>>, vector<16xf32>,
      %mul3A_1334 = arith.constant 8 : i32
      %mul3A_1335 = arith.muli %scan3A_1264, %mul3A_1334 : i32
      %add3A_1336 = arith.constant 7 : i32
      %add3A_1337 = arith.addi %mul3A_1335, %add3A_1336 : i32
      %mul3A_1338 = arith.constant 16 : i32
      %mul3A_1339 = arith.muli %add3A_1337, %mul3A_1338 : i32
      %swap3A_1340 = arith.index_cast %mul3A_1339 : i32 to index
      %swap3A_1341 = tpu.vector_load %arg14[%swap3A_1340] {strides = array<i32>} : memref<8192xf32, #tpu.memory_space<vmem>>, vector<16xf32>,
      %swap3A_1342 = vector.shape_cast %swap3A_1341 : vector<16xf32> to vector<16xf32>
      %swap3A_1343 = vector.shape_cast %broadcast_in_dim3A_3 : vector<16xf32> to vector<16xf32>
      tpu.vector_store %arg14[%swap3A_1340], %swap3A_1343 {strides = array<i32>} : memref<8192xf32, #tpu.memory_space<vmem>>, vector<16xf32>,
    }
    %scan3A_8 = arith.constant 64 : i32
    %mul3A_9 = arith.constant 65536 : i32
    %mul3A_10 = arith.muli %arg1, %mul3A_9 : i32
    %add3A = arith.constant 0 : i32
    %add3A_11 = arith.addi %mul3A_10, %add3A : i32
    %dma_start3A = tpu.memref_slice %arg15[%add3A_11] : memref<1048592xf32, #tpu.memory_space<vmem_shared>> -> memref<8192xf32, #tpu.memory_space<vmem_shared>>
    %dma_start3A_12 = tpu.memref_slice %arg15[%add3A_11] : memref<1048592xf32, #tpu.memory_space<vmem_shared>> -> memref<8192xf32, #tpu.memory_space<vmem_shared>>
    tpu.enqueue_dma source(%arg14 : memref<8192xf32, #tpu.memory_space<vmem>>) target(%dma_start3A_12 : memref<8192xf32, #tpu.memory_space<vmem_shared>>) target_semaphore(%arg17 : memref<!tpu.dma_semaphore, #tpu.memory_space<semaphore_mem>>)
    %mul3A_13 = arith.constant 65536 : i32
    %mul3A_14 = arith.muli %arg1, %mul3A_13 : i32
    %add3A_15 = arith.constant 8192 : i32
    %add3A_16 = arith.addi %mul3A_14, %add3A_15 : i32
    %dma_start3A_17 = tpu.memref_slice %arg15[%add3A_16] : memref<1048592xf32, #tpu.memory_space<vmem_shared>> -> memref<8192xf32, #tpu.memory_space<vmem_shared>>
    %dma_start3A_18 = tpu.memref_slice %arg15[%add3A_16] : memref<1048592xf32, #tpu.memory_space<vmem_shared>> -> memref<8192xf32, #tpu.memory_space<vmem_shared>>
    tpu.enqueue_dma source(%arg14 : memref<8192xf32, #tpu.memory_space<vmem>>) target(%dma_start3A_18 : memref<8192xf32, #tpu.memory_space<vmem_shared>>) target_semaphore(%arg17 : memref<!tpu.dma_semaphore, #tpu.memory_space<semaphore_mem>>)
    %mul3A_19 = arith.constant 65536 : i32
    %mul3A_20 = arith.muli %arg1, %mul3A_19 : i32
    %add3A_21 = arith.constant 16384 : i32
    %add3A_22 = arith.addi %mul3A_20, %add3A_21 : i32
    %dma_start3A_23 = tpu.memref_slice %arg15[%add3A_22] : memref<1048592xf32, #tpu.memory_space<vmem_shared>> -> memref<8192xf32, #tpu.memory_space<vmem_shared>>
    %dma_start3A_24 = tpu.memref_slice %arg15[%add3A_22] : memref<1048592xf32, #tpu.memory_space<vmem_shared>> -> memref<8192xf32, #tpu.memory_space<vmem_shared>>
    tpu.enqueue_dma source(%arg14 : memref<8192xf32, #tpu.memory_space<vmem>>) target(%dma_start3A_24 : memref<8192xf32, #tpu.memory_space<vmem_shared>>) target_semaphore(%arg17 : memref<!tpu.dma_semaphore, #tpu.memory_space<semaphore_mem>>)
    %mul3A_25 = arith.constant 65536 : i32
    %mul3A_26 = arith.muli %arg1, %mul3A_25 : i32
    %add3A_27 = arith.constant 24576 : i32
    %add3A_28 = arith.addi %mul3A_26, %add3A_27 : i32
    %dma_start3A_29 = tpu.memref_slice %arg15[%add3A_28] : memref<1048592xf32, #tpu.memory_space<vmem_shared>> -> memref<8192xf32, #tpu.memory_space<vmem_shared>>
    %dma_start3A_30 = tpu.memref_slice %arg15[%add3A_28] : memref<1048592xf32, #tpu.memory_space<vmem_shared>> -> memref<8192xf32, #tpu.memory_space<vmem_shared>>
    tpu.enqueue_dma source(%arg14 : memref<8192xf32, #tpu.memory_space<vmem>>) target(%dma_start3A_30 : memref<8192xf32, #tpu.memory_space<vmem_shared>>) target_semaphore(%arg17 : memref<!tpu.dma_semaphore, #tpu.memory_space<semaphore_mem>>)
    %mul3A_31 = arith.constant 65536 : i32
    %mul3A_32 = arith.muli %arg1, %mul3A_31 : i32
    %add3A_33 = arith.constant 32768 : i32
    %add3A_34 = arith.addi %mul3A_32, %add3A_33 : i32
    %dma_start3A_35 = tpu.memref_slice %arg15[%add3A_34] : memref<1048592xf32, #tpu.memory_space<vmem_shared>> -> memref<8192xf32, #tpu.memory_space<vmem_shared>>
    %dma_start3A_36 = tpu.memref_slice %arg15[%add3A_34] : memref<1048592xf32, #tpu.memory_space<vmem_shared>> -> memref<8192xf32, #tpu.memory_space<vmem_shared>>
    tpu.enqueue_dma source(%arg14 : memref<8192xf32, #tpu.memory_space<vmem>>) target(%dma_start3A_36 : memref<8192xf32, #tpu.memory_space<vmem_shared>>) target_semaphore(%arg17 : memref<!tpu.dma_semaphore, #tpu.memory_space<semaphore_mem>>)
    %mul3A_37 = arith.constant 65536 : i32
    %mul3A_38 = arith.muli %arg1, %mul3A_37 : i32
    %add3A_39 = arith.constant 40960 : i32
    %add3A_40 = arith.addi %mul3A_38, %add3A_39 : i32
    %dma_start3A_41 = tpu.memref_slice %arg15[%add3A_40] : memref<1048592xf32, #tpu.memory_space<vmem_shared>> -> memref<8192xf32, #tpu.memory_space<vmem_shared>>
    %dma_start3A_42 = tpu.memref_slice %arg15[%add3A_40] : memref<1048592xf32, #tpu.memory_space<vmem_shared>> -> memref<8192xf32, #tpu.memory_space<vmem_shared>>
    tpu.enqueue_dma source(%arg14 : memref<8192xf32, #tpu.memory_space<vmem>>) target(%dma_start3A_42 : memref<8192xf32, #tpu.memory_space<vmem_shared>>) target_semaphore(%arg17 : memref<!tpu.dma_semaphore, #tpu.memory_space<semaphore_mem>>)
    %mul3A_43 = arith.constant 65536 : i32
    %mul3A_44 = arith.muli %arg1, %mul3A_43 : i32
    %add3A_45 = arith.constant 49152 : i32
    %add3A_46 = arith.addi %mul3A_44, %add3A_45 : i32
    %dma_start3A_47 = tpu.memref_slice %arg15[%add3A_46] : memref<1048592xf32, #tpu.memory_space<vmem_shared>> -> memref<8192xf32, #tpu.memory_space<vmem_shared>>
    %dma_start3A_48 = tpu.memref_slice %arg15[%add3A_46] : memref<1048592xf32, #tpu.memory_space<vmem_shared>> -> memref<8192xf32, #tpu.memory_space<vmem_shared>>
    tpu.enqueue_dma source(%arg14 : memref<8192xf32, #tpu.memory_space<vmem>>) target(%dma_start3A_48 : memref<8192xf32, #tpu.memory_space<vmem_shared>>) target_semaphore(%arg17 : memref<!tpu.dma_semaphore, #tpu.memory_space<semaphore_mem>>)
    %mul3A_49 = arith.constant 65536 : i32
    %mul3A_50 = arith.muli %arg1, %mul3A_49 : i32
    %add3A_51 = arith.constant 57344 : i32
    %add3A_52 = arith.addi %mul3A_50, %add3A_51 : i32
    %dma_start3A_53 = tpu.memref_slice %arg15[%add3A_52] : memref<1048592xf32, #tpu.memory_space<vmem_shared>> -> memref<8192xf32, #tpu.memory_space<vmem_shared>>
    %dma_start3A_54 = tpu.memref_slice %arg15[%add3A_52] : memref<1048592xf32, #tpu.memory_space<vmem_shared>> -> memref<8192xf32, #tpu.memory_space<vmem_shared>>
    tpu.enqueue_dma source(%arg14 : memref<8192xf32, #tpu.memory_space<vmem>>) target(%dma_start3A_54 : memref<8192xf32, #tpu.memory_space<vmem_shared>>) target_semaphore(%arg17 : memref<!tpu.dma_semaphore, #tpu.memory_space<semaphore_mem>>)
    %dma_start3A_55 = arith.constant 0 : i32
    %dma_start3A_56 = tpu.memref_slice %arg10[%dma_start3A_55] : memref<2560xi32, #tpu.memory_space<vmem>> -> memref<512xi32, #tpu.memory_space<vmem>>
    %dma_start3A_57 = tpu.memref_slice %arg2[%mul3A_0] : memref<8192xi32, #tpu.memory_space<hbm>> -> memref<512xi32, #tpu.memory_space<hbm>>
    %dma_start3A_58 = arith.constant 0 : i32
    %dma_start3A_59 = tpu.memref_slice %arg10[%dma_start3A_58] : memref<2560xi32, #tpu.memory_space<vmem>> -> memref<512xi32, #tpu.memory_space<vmem>>
    %dma_start3A_60 = tpu.memref_slice %arg2[%mul3A_0] : memref<8192xi32, #tpu.memory_space<hbm>> -> memref<512xi32, #tpu.memory_space<hbm>>
    tpu.enqueue_dma source(%dma_start3A_60 : memref<512xi32, #tpu.memory_space<hbm>>) target(%dma_start3A_59 : memref<512xi32, #tpu.memory_space<vmem>>) target_semaphore(%arg16 : memref<!tpu.dma_semaphore, #tpu.memory_space<semaphore_mem>>)
    %dma_start3A_61 = arith.constant 0 : i32
    %dma_start3A_62 = tpu.memref_slice %arg11[%dma_start3A_61] : memref<2560xi32, #tpu.memory_space<vmem>> -> memref<512xi32, #tpu.memory_space<vmem>>
    %dma_start3A_63 = tpu.memref_slice %arg3[%mul3A_0] : memref<8192xi32, #tpu.memory_space<hbm>> -> memref<512xi32, #tpu.memory_space<hbm>>
    %dma_start3A_64 = arith.constant 0 : i32
    %dma_start3A_65 = tpu.memref_slice %arg11[%dma_start3A_64] : memref<2560xi32, #tpu.memory_space<vmem>> -> memref<512xi32, #tpu.memory_space<vmem>>
    %dma_start3A_66 = tpu.memref_slice %arg3[%mul3A_0] : memref<8192xi32, #tpu.memory_space<hbm>> -> memref<512xi32, #tpu.memory_space<hbm>>
    tpu.enqueue_dma source(%dma_start3A_66 : memref<512xi32, #tpu.memory_space<hbm>>) target(%dma_start3A_65 : memref<512xi32, #tpu.memory_space<vmem>>) target_semaphore(%arg16 : memref<!tpu.dma_semaphore, #tpu.memory_space<semaphore_mem>>)
    %dma_start3A_67 = arith.constant 0 : i32
    %dma_start3A_68 = tpu.memref_slice %arg12[%dma_start3A_67] : memref<2560xf32, #tpu.memory_space<vmem>> -> memref<512xf32, #tpu.memory_space<vmem>>
    %dma_start3A_69 = tpu.memref_slice %arg4[%mul3A_0] : memref<8192xf32, #tpu.memory_space<hbm>> -> memref<512xf32, #tpu.memory_space<hbm>>
    %dma_start3A_70 = arith.constant 0 : i32
    %dma_start3A_71 = tpu.memref_slice %arg12[%dma_start3A_70] : memref<2560xf32, #tpu.memory_space<vmem>> -> memref<512xf32, #tpu.memory_space<vmem>>
    %dma_start3A_72 = tpu.memref_slice %arg4[%mul3A_0] : memref<8192xf32, #tpu.memory_space<hbm>> -> memref<512xf32, #tpu.memory_space<hbm>>
    tpu.enqueue_dma source(%dma_start3A_72 : memref<512xf32, #tpu.memory_space<hbm>>) target(%dma_start3A_71 : memref<512xf32, #tpu.memory_space<vmem>>) target_semaphore(%arg16 : memref<!tpu.dma_semaphore, #tpu.memory_space<semaphore_mem>>)
    %dma_start3A_73 = arith.constant 512 : i32
    %dma_start3A_74 = tpu.memref_slice %arg10[%dma_start3A_73] : memref<2560xi32, #tpu.memory_space<vmem>> -> memref<2048xi32, #tpu.memory_space<vmem>>
    %dma_start3A_75 = tpu.memref_slice %arg5[%mul3A_2] : memref<32768xi32, #tpu.memory_space<hbm>> -> memref<2048xi32, #tpu.memory_space<hbm>>
    %dma_start3A_76 = arith.constant 512 : i32
    %dma_start3A_77 = tpu.memref_slice %arg10[%dma_start3A_76] : memref<2560xi32, #tpu.memory_space<vmem>> -> memref<2048xi32, #tpu.memory_space<vmem>>
    %dma_start3A_78 = tpu.memref_slice %arg5[%mul3A_2] : memref<32768xi32, #tpu.memory_space<hbm>> -> memref<2048xi32, #tpu.memory_space<hbm>>
    tpu.enqueue_dma source(%dma_start3A_78 : memref<2048xi32, #tpu.memory_space<hbm>>) target(%dma_start3A_77 : memref<2048xi32, #tpu.memory_space<vmem>>) target_semaphore(%arg16 : memref<!tpu.dma_semaphore, #tpu.memory_space<semaphore_mem>>)
    %dma_start3A_79 = arith.constant 512 : i32
    %dma_start3A_80 = tpu.memref_slice %arg11[%dma_start3A_79] : memref<2560xi32, #tpu.memory_space<vmem>> -> memref<2048xi32, #tpu.memory_space<vmem>>
    %dma_start3A_81 = tpu.memref_slice %arg6[%mul3A_2] : memref<32768xi32, #tpu.memory_space<hbm>> -> memref<2048xi32, #tpu.memory_space<hbm>>
    %dma_start3A_82 = arith.constant 512 : i32
    %dma_start3A_83 = tpu.memref_slice %arg11[%dma_start3A_82] : memref<2560xi32, #tpu.memory_space<vmem>> -> memref<2048xi32, #tpu.memory_space<vmem>>
    %dma_start3A_84 = tpu.memref_slice %arg6[%mul3A_2] : memref<32768xi32, #tpu.memory_space<hbm>> -> memref<2048xi32, #tpu.memory_space<hbm>>
    tpu.enqueue_dma source(%dma_start3A_84 : memref<2048xi32, #tpu.memory_space<hbm>>) target(%dma_start3A_83 : memref<2048xi32, #tpu.memory_space<vmem>>) target_semaphore(%arg16 : memref<!tpu.dma_semaphore, #tpu.memory_space<semaphore_mem>>)
    %dma_start3A_85 = arith.constant 512 : i32
    %dma_start3A_86 = tpu.memref_slice %arg12[%dma_start3A_85] : memref<2560xf32, #tpu.memory_space<vmem>> -> memref<2048xf32, #tpu.memory_space<vmem>>
    %dma_start3A_87 = tpu.memref_slice %arg7[%mul3A_2] : memref<32768xf32, #tpu.memory_space<hbm>> -> memref<2048xf32, #tpu.memory_space<hbm>>
    %dma_start3A_88 = arith.constant 512 : i32
    %dma_start3A_89 = tpu.memref_slice %arg12[%dma_start3A_88] : memref<2560xf32, #tpu.memory_space<vmem>> -> memref<2048xf32, #tpu.memory_space<vmem>>
    %dma_start3A_90 = tpu.memref_slice %arg7[%mul3A_2] : memref<32768xf32, #tpu.memory_space<hbm>> -> memref<2048xf32, #tpu.memory_space<hbm>>
    tpu.enqueue_dma source(%dma_start3A_90 : memref<2048xf32, #tpu.memory_space<hbm>>) target(%dma_start3A_89 : memref<2048xf32, #tpu.memory_space<vmem>>) target_semaphore(%arg16 : memref<!tpu.dma_semaphore, #tpu.memory_space<semaphore_mem>>)
    %dma_wait3A = arith.constant 0 : i32
    %dma_wait3A_91 = tpu.memref_slice %arg10[%dma_wait3A] : memref<2560xi32, #tpu.memory_space<vmem>> -> memref<512xi32, #tpu.memory_space<vmem>>
    %dma_wait3A_92 = tpu.memref_slice %arg2[%mul3A_0] : memref<8192xi32, #tpu.memory_space<hbm>> -> memref<512xi32, #tpu.memory_space<hbm>>
    %dma_wait3A_93 = arith.constant 0 : i32
    %dma_wait3A_94 = tpu.memref_slice %arg10[%dma_wait3A_93] : memref<2560xi32, #tpu.memory_space<vmem>> -> memref<512xi32, #tpu.memory_space<vmem>>
    %dma_wait3A_95 = tpu.memref_slice %arg2[%mul3A_0] : memref<8192xi32, #tpu.memory_space<hbm>> -> memref<512xi32, #tpu.memory_space<hbm>>
    tpu.wait_dma2 semaphore(%arg16 : memref<!tpu.dma_semaphore, #tpu.memory_space<semaphore_mem>>) src(%dma_wait3A_95 : memref<512xi32, #tpu.memory_space<hbm>>) dst(%dma_wait3A_94 : memref<512xi32, #tpu.memory_space<vmem>>)
    %dma_wait3A_96 = arith.constant 0 : i32
    %dma_wait3A_97 = tpu.memref_slice %arg11[%dma_wait3A_96] : memref<2560xi32, #tpu.memory_space<vmem>> -> memref<512xi32, #tpu.memory_space<vmem>>
    %dma_wait3A_98 = tpu.memref_slice %arg3[%mul3A_0] : memref<8192xi32, #tpu.memory_space<hbm>> -> memref<512xi32, #tpu.memory_space<hbm>>
    %dma_wait3A_99 = arith.constant 0 : i32
    %dma_wait3A_100 = tpu.memref_slice %arg11[%dma_wait3A_99] : memref<2560xi32, #tpu.memory_space<vmem>> -> memref<512xi32, #tpu.memory_space<vmem>>
    %dma_wait3A_101 = tpu.memref_slice %arg3[%mul3A_0] : memref<8192xi32, #tpu.memory_space<hbm>> -> memref<512xi32, #tpu.memory_space<hbm>>
    tpu.wait_dma2 semaphore(%arg16 : memref<!tpu.dma_semaphore, #tpu.memory_space<semaphore_mem>>) src(%dma_wait3A_101 : memref<512xi32, #tpu.memory_space<hbm>>) dst(%dma_wait3A_100 : memref<512xi32, #tpu.memory_space<vmem>>)
    %dma_wait3A_102 = arith.constant 0 : i32
    %dma_wait3A_103 = tpu.memref_slice %arg12[%dma_wait3A_102] : memref<2560xf32, #tpu.memory_space<vmem>> -> memref<512xf32, #tpu.memory_space<vmem>>
    %dma_wait3A_104 = tpu.memref_slice %arg4[%mul3A_0] : memref<8192xf32, #tpu.memory_space<hbm>> -> memref<512xf32, #tpu.memory_space<hbm>>
    %dma_wait3A_105 = arith.constant 0 : i32
    %dma_wait3A_106 = tpu.memref_slice %arg12[%dma_wait3A_105] : memref<2560xf32, #tpu.memory_space<vmem>> -> memref<512xf32, #tpu.memory_space<vmem>>
    %dma_wait3A_107 = tpu.memref_slice %arg4[%mul3A_0] : memref<8192xf32, #tpu.memory_space<hbm>> -> memref<512xf32, #tpu.memory_space<hbm>>
    tpu.wait_dma2 semaphore(%arg16 : memref<!tpu.dma_semaphore, #tpu.memory_space<semaphore_mem>>) src(%dma_wait3A_107 : memref<512xf32, #tpu.memory_space<hbm>>) dst(%dma_wait3A_106 : memref<512xf32, #tpu.memory_space<vmem>>)
    %dma_wait3A_108 = arith.constant 512 : i32
    %dma_wait3A_109 = tpu.memref_slice %arg10[%dma_wait3A_108] : memref<2560xi32, #tpu.memory_space<vmem>> -> memref<2048xi32, #tpu.memory_space<vmem>>
    %dma_wait3A_110 = tpu.memref_slice %arg5[%mul3A_2] : memref<32768xi32, #tpu.memory_space<hbm>> -> memref<2048xi32, #tpu.memory_space<hbm>>
    %dma_wait3A_111 = arith.constant 512 : i32
    %dma_wait3A_112 = tpu.memref_slice %arg10[%dma_wait3A_111] : memref<2560xi32, #tpu.memory_space<vmem>> -> memref<2048xi32, #tpu.memory_space<vmem>>
    %dma_wait3A_113 = tpu.memref_slice %arg5[%mul3A_2] : memref<32768xi32, #tpu.memory_space<hbm>> -> memref<2048xi32, #tpu.memory_space<hbm>>
    tpu.wait_dma2 semaphore(%arg16 : memref<!tpu.dma_semaphore, #tpu.memory_space<semaphore_mem>>) src(%dma_wait3A_113 : memref<2048xi32, #tpu.memory_space<hbm>>) dst(%dma_wait3A_112 : memref<2048xi32, #tpu.memory_space<vmem>>)
    %dma_wait3A_114 = arith.constant 512 : i32
    %dma_wait3A_115 = tpu.memref_slice %arg11[%dma_wait3A_114] : memref<2560xi32, #tpu.memory_space<vmem>> -> memref<2048xi32, #tpu.memory_space<vmem>>
    %dma_wait3A_116 = tpu.memref_slice %arg6[%mul3A_2] : memref<32768xi32, #tpu.memory_space<hbm>> -> memref<2048xi32, #tpu.memory_space<hbm>>
    %dma_wait3A_117 = arith.constant 512 : i32
    %dma_wait3A_118 = tpu.memref_slice %arg11[%dma_wait3A_117] : memref<2560xi32, #tpu.memory_space<vmem>> -> memref<2048xi32, #tpu.memory_space<vmem>>
    %dma_wait3A_119 = tpu.memref_slice %arg6[%mul3A_2] : memref<32768xi32, #tpu.memory_space<hbm>> -> memref<2048xi32, #tpu.memory_space<hbm>>
    tpu.wait_dma2 semaphore(%arg16 : memref<!tpu.dma_semaphore, #tpu.memory_space<semaphore_mem>>) src(%dma_wait3A_119 : memref<2048xi32, #tpu.memory_space<hbm>>) dst(%dma_wait3A_118 : memref<2048xi32, #tpu.memory_space<vmem>>)
    %dma_wait3A_120 = arith.constant 512 : i32
    %dma_wait3A_121 = tpu.memref_slice %arg12[%dma_wait3A_120] : memref<2560xf32, #tpu.memory_space<vmem>> -> memref<2048xf32, #tpu.memory_space<vmem>>
    %dma_wait3A_122 = tpu.memref_slice %arg7[%mul3A_2] : memref<32768xf32, #tpu.memory_space<hbm>> -> memref<2048xf32, #tpu.memory_space<hbm>>
    %dma_wait3A_123 = arith.constant 512 : i32
    %dma_wait3A_124 = tpu.memref_slice %arg12[%dma_wait3A_123] : memref<2560xf32, #tpu.memory_space<vmem>> -> memref<2048xf32, #tpu.memory_space<vmem>>
    %dma_wait3A_125 = tpu.memref_slice %arg7[%mul3A_2] : memref<32768xf32, #tpu.memory_space<hbm>> -> memref<2048xf32, #tpu.memory_space<hbm>>
    tpu.wait_dma2 semaphore(%arg16 : memref<!tpu.dma_semaphore, #tpu.memory_space<semaphore_mem>>) src(%dma_wait3A_125 : memref<2048xf32, #tpu.memory_space<hbm>>) dst(%dma_wait3A_124 : memref<2048xf32, #tpu.memory_space<vmem>>)
    %iota3A = tpu.iota {dimensions = array<i32: 0>} : vector<16xi32>
    %mul3A_126 = arith.constant 256 : i32
    %mul3A_127 = arith.muli %arg0, %mul3A_126 : i32
    %mul3A_128 = arith.constant 512 : i32
    %mul3A_129 = arith.muli %arg0, %mul3A_128 : i32
    %scan3A_130 = arith.constant 0 : i32
    %scan3A_131 = arith.constant 0 : i32
    %scan3A_132 = arith.constant 4 : i32
    %scan3A_133 = arith.addi %scan3A_131, %scan3A_132 : i32
    %scan3A_134 = arith.constant 1 : i32
    scf.for %scan3A_1264 = %scan3A_131 to %scan3A_133 step %scan3A_134  : i32 {
      %mul3A_1265 = arith.constant 8 : i32
      %mul3A_1266 = arith.muli %scan3A_1264, %mul3A_1265 : i32
      %add3A_1267 = arith.constant 0 : i32
      %add3A_1268 = arith.addi %mul3A_1266, %add3A_1267 : i32
      %mul3A_1269 = arith.constant 16 : i32
      %mul3A_1270 = arith.muli %add3A_1268, %mul3A_1269 : i32
      %get3A = arith.index_cast %mul3A_1270 : i32 to index
      %get3A_1271 = tpu.vector_load %arg10[%get3A] {strides = array<i32>} : memref<2560xi32, #tpu.memory_space<vmem>>, vector<16xi32>,
      %get3A_1272 = vector.shape_cast %get3A_1271 : vector<16xi32> to vector<16xi32>
      %get3A_1273 = arith.index_cast %mul3A_1270 : i32 to index
      %get3A_1274 = tpu.vector_load %arg11[%get3A_1273] {strides = array<i32>} : memref<2560xi32, #tpu.memory_space<vmem>>, vector<16xi32>,
      %get3A_1275 = vector.shape_cast %get3A_1274 : vector<16xi32> to vector<16xi32>
      %ge3A = vector.broadcast %mul3A_127 : i32 to vector<16xi32>
      %ge3A_1276 = arith.cmpi sge, %get3A_1272, %ge3A : vector<16xi32>
      %add3A_1277 = arith.constant 256 : i32
      %add3A_1278 = arith.addi %mul3A_127, %add3A_1277 : i32
      %lt3A = vector.broadcast %add3A_1278 : i32 to vector<16xi32>
      %lt3A_1279 = arith.cmpi slt, %get3A_1272, %lt3A : vector<16xi32>
      %and3A = arith.andi %ge3A_1276, %lt3A_1279 : vector<16xi1>
      %sub3A = vector.broadcast %mul3A_127 : i32 to vector<16xi32>
      %sub3A_1280 = arith.subi %get3A_1272, %sub3A : vector<16xi32>
      %mul3A_1281 = arith.constant 1024 : i32
      %mul3A_1282 = vector.broadcast %mul3A_1281 : i32 to vector<16xi32>
      %mul3A_1283 = arith.muli %sub3A_1280, %mul3A_1282 : vector<16xi32>
      %add3A_1284 = arith.addi %mul3A_1283, %get3A_1275 : vector<16xi32>
      %add3A_1285 = arith.constant 1048576 : i32
      %add3A_1286 = vector.broadcast %add3A_1285 : i32 to vector<16xi32>
      %add3A_1287 = arith.addi %add3A_1286, %iota3A : vector<16xi32>
      %select_n3A = arith.select %and3A, %add3A_1284, %add3A_1287 : vector<16xi1>, vector<16xi32>
      %swap3A = arith.index_cast %scan3A_1264 : i32 to index
      %swap3A_1288 = arith.constant 0 : index
      %swap3A_1289 = tpu.vector_load %arg13[%swap3A, %swap3A_1288] {strides = array<i32>} : memref<20x128xi32, #tpu.memory_space<vmem>>, vector<1x16xi32>,
      %swap3A_1290 = vector.shape_cast %swap3A_1289 : vector<1x16xi32> to vector<16xi32>
      %swap3A_1291 = vector.shape_cast %select_n3A : vector<16xi32> to vector<1x16xi32>
      tpu.vector_store %arg13[%swap3A, %swap3A_1288], %swap3A_1291 {strides = array<i32>} : memref<20x128xi32, #tpu.memory_space<vmem>>, vector<1x16xi32>,
      %mul3A_1292 = arith.constant 8 : i32
      %mul3A_1293 = arith.muli %scan3A_1264, %mul3A_1292 : i32
      %add3A_1294 = arith.constant 1 : i32
      %add3A_1295 = arith.addi %mul3A_1293, %add3A_1294 : i32
      %mul3A_1296 = arith.constant 16 : i32
      %mul3A_1297 = arith.muli %add3A_1295, %mul3A_1296 : i32
      %get3A_1298 = arith.index_cast %mul3A_1297 : i32 to index
      %get3A_1299 = tpu.vector_load %arg10[%get3A_1298] {strides = array<i32>} : memref<2560xi32, #tpu.memory_space<vmem>>, vector<16xi32>,
      %get3A_1300 = vector.shape_cast %get3A_1299 : vector<16xi32> to vector<16xi32>
      %get3A_1301 = arith.index_cast %mul3A_1297 : i32 to index
      %get3A_1302 = tpu.vector_load %arg11[%get3A_1301] {strides = array<i32>} : memref<2560xi32, #tpu.memory_space<vmem>>, vector<16xi32>,
      %get3A_1303 = vector.shape_cast %get3A_1302 : vector<16xi32> to vector<16xi32>
      %ge3A_1304 = vector.broadcast %mul3A_127 : i32 to vector<16xi32>
      %ge3A_1305 = arith.cmpi sge, %get3A_1300, %ge3A_1304 : vector<16xi32>
      %add3A_1306 = arith.constant 256 : i32
      %add3A_1307 = arith.addi %mul3A_127, %add3A_1306 : i32
      %lt3A_1308 = vector.broadcast %add3A_1307 : i32 to vector<16xi32>
      %lt3A_1309 = arith.cmpi slt, %get3A_1300, %lt3A_1308 : vector<16xi32>
      %and3A_1310 = arith.andi %ge3A_1305, %lt3A_1309 : vector<16xi1>
      %sub3A_1311 = vector.broadcast %mul3A_127 : i32 to vector<16xi32>
      %sub3A_1312 = arith.subi %get3A_1300, %sub3A_1311 : vector<16xi32>
      %mul3A_1313 = arith.constant 1024 : i32
      %mul3A_1314 = vector.broadcast %mul3A_1313 : i32 to vector<16xi32>
      %mul3A_1315 = arith.muli %sub3A_1312, %mul3A_1314 : vector<16xi32>
      %add3A_1316 = arith.addi %mul3A_1315, %get3A_1303 : vector<16xi32>
      %add3A_1317 = arith.constant 1048576 : i32
      %add3A_1318 = vector.broadcast %add3A_1317 : i32 to vector<16xi32>
      %add3A_1319 = arith.addi %add3A_1318, %iota3A : vector<16xi32>
      %select_n3A_1320 = arith.select %and3A_1310, %add3A_1316, %add3A_1319 : vector<16xi1>, vector<16xi32>
      %swap3A_1321 = arith.index_cast %scan3A_1264 : i32 to index
      %swap3A_1322 = arith.constant 16 : index
      %swap3A_1323 = tpu.vector_load %arg13[%swap3A_1321, %swap3A_1322] {strides = array<i32>} : memref<20x128xi32, #tpu.memory_space<vmem>>, vector<1x16xi32>,
      %swap3A_1324 = vector.shape_cast %swap3A_1323 : vector<1x16xi32> to vector<16xi32>
      %swap3A_1325 = vector.shape_cast %select_n3A_1320 : vector<16xi32> to vector<1x16xi32>
      tpu.vector_store %arg13[%swap3A_1321, %swap3A_1322], %swap3A_1325 {strides = array<i32>} : memref<20x128xi32, #tpu.memory_space<vmem>>, vector<1x16xi32>,
      %mul3A_1326 = arith.constant 8 : i32
      %mul3A_1327 = arith.muli %scan3A_1264, %mul3A_1326 : i32
      %add3A_1328 = arith.constant 2 : i32
      %add3A_1329 = arith.addi %mul3A_1327, %add3A_1328 : i32
      %mul3A_1330 = arith.constant 16 : i32
      %mul3A_1331 = arith.muli %add3A_1329, %mul3A_1330 : i32
      %get3A_1332 = arith.index_cast %mul3A_1331 : i32 to index
      %get3A_1333 = tpu.vector_load %arg10[%get3A_1332] {strides = array<i32>} : memref<2560xi32, #tpu.memory_space<vmem>>, vector<16xi32>,
      %get3A_1334 = vector.shape_cast %get3A_1333 : vector<16xi32> to vector<16xi32>
      %get3A_1335 = arith.index_cast %mul3A_1331 : i32 to index
      %get3A_1336 = tpu.vector_load %arg11[%get3A_1335] {strides = array<i32>} : memref<2560xi32, #tpu.memory_space<vmem>>, vector<16xi32>,
      %get3A_1337 = vector.shape_cast %get3A_1336 : vector<16xi32> to vector<16xi32>
      %ge3A_1338 = vector.broadcast %mul3A_127 : i32 to vector<16xi32>
      %ge3A_1339 = arith.cmpi sge, %get3A_1334, %ge3A_1338 : vector<16xi32>
      %add3A_1340 = arith.constant 256 : i32
      %add3A_1341 = arith.addi %mul3A_127, %add3A_1340 : i32
      %lt3A_1342 = vector.broadcast %add3A_1341 : i32 to vector<16xi32>
      %lt3A_1343 = arith.cmpi slt, %get3A_1334, %lt3A_1342 : vector<16xi32>
      %and3A_1344 = arith.andi %ge3A_1339, %lt3A_1343 : vector<16xi1>
      %sub3A_1345 = vector.broadcast %mul3A_127 : i32 to vector<16xi32>
      %sub3A_1346 = arith.subi %get3A_1334, %sub3A_1345 : vector<16xi32>
      %mul3A_1347 = arith.constant 1024 : i32
      %mul3A_1348 = vector.broadcast %mul3A_1347 : i32 to vector<16xi32>
      %mul3A_1349 = arith.muli %sub3A_1346, %mul3A_1348 : vector<16xi32>
      %add3A_1350 = arith.addi %mul3A_1349, %get3A_1337 : vector<16xi32>
      %add3A_1351 = arith.constant 1048576 : i32
      %add3A_1352 = vector.broadcast %add3A_1351 : i32 to vector<16xi32>
      %add3A_1353 = arith.addi %add3A_1352, %iota3A : vector<16xi32>
      %select_n3A_1354 = arith.select %and3A_1344, %add3A_1350, %add3A_1353 : vector<16xi1>, vector<16xi32>
      %swap3A_1355 = arith.index_cast %scan3A_1264 : i32 to index
      %swap3A_1356 = arith.constant 32 : index
      %swap3A_1357 = tpu.vector_load %arg13[%swap3A_1355, %swap3A_1356] {strides = array<i32>} : memref<20x128xi32, #tpu.memory_space<vmem>>, vector<1x16xi32>,
      %swap3A_1358 = vector.shape_cast %swap3A_1357 : vector<1x16xi32> to vector<16xi32>
      %swap3A_1359 = vector.shape_cast %select_n3A_1354 : vector<16xi32> to vector<1x16xi32>
      tpu.vector_store %arg13[%swap3A_1355, %swap3A_1356], %swap3A_1359 {strides = array<i32>} : memref<20x128xi32, #tpu.memory_space<vmem>>, vector<1x16xi32>,
      %mul3A_1360 = arith.constant 8 : i32
      %mul3A_1361 = arith.muli %scan3A_1264, %mul3A_1360 : i32
      %add3A_1362 = arith.constant 3 : i32
      %add3A_1363 = arith.addi %mul3A_1361, %add3A_1362 : i32
      %mul3A_1364 = arith.constant 16 : i32
      %mul3A_1365 = arith.muli %add3A_1363, %mul3A_1364 : i32
      %get3A_1366 = arith.index_cast %mul3A_1365 : i32 to index
      %get3A_1367 = tpu.vector_load %arg10[%get3A_1366] {strides = array<i32>} : memref<2560xi32, #tpu.memory_space<vmem>>, vector<16xi32>,
      %get3A_1368 = vector.shape_cast %get3A_1367 : vector<16xi32> to vector<16xi32>
      %get3A_1369 = arith.index_cast %mul3A_1365 : i32 to index
      %get3A_1370 = tpu.vector_load %arg11[%get3A_1369] {strides = array<i32>} : memref<2560xi32, #tpu.memory_space<vmem>>, vector<16xi32>,
      %get3A_1371 = vector.shape_cast %get3A_1370 : vector<16xi32> to vector<16xi32>
      %ge3A_1372 = vector.broadcast %mul3A_127 : i32 to vector<16xi32>
      %ge3A_1373 = arith.cmpi sge, %get3A_1368, %ge3A_1372 : vector<16xi32>
      %add3A_1374 = arith.constant 256 : i32
      %add3A_1375 = arith.addi %mul3A_127, %add3A_1374 : i32
      %lt3A_1376 = vector.broadcast %add3A_1375 : i32 to vector<16xi32>
      %lt3A_1377 = arith.cmpi slt, %get3A_1368, %lt3A_1376 : vector<16xi32>
      %and3A_1378 = arith.andi %ge3A_1373, %lt3A_1377 : vector<16xi1>
      %sub3A_1379 = vector.broadcast %mul3A_127 : i32 to vector<16xi32>
      %sub3A_1380 = arith.subi %get3A_1368, %sub3A_1379 : vector<16xi32>
      %mul3A_1381 = arith.constant 1024 : i32
      %mul3A_1382 = vector.broadcast %mul3A_1381 : i32 to vector<16xi32>
      %mul3A_1383 = arith.muli %sub3A_1380, %mul3A_1382 : vector<16xi32>
      %add3A_1384 = arith.addi %mul3A_1383, %get3A_1371 : vector<16xi32>
      %add3A_1385 = arith.constant 1048576 : i32
      %add3A_1386 = vector.broadcast %add3A_1385 : i32 to vector<16xi32>
      %add3A_1387 = arith.addi %add3A_1386, %iota3A : vector<16xi32>
      %select_n3A_1388 = arith.select %and3A_1378, %add3A_1384, %add3A_1387 : vector<16xi1>, vector<16xi32>
      %swap3A_1389 = arith.index_cast %scan3A_1264 : i32 to index
      %swap3A_1390 = arith.constant 48 : index
      %swap3A_1391 = tpu.vector_load %arg13[%swap3A_1389, %swap3A_1390] {strides = array<i32>} : memref<20x128xi32, #tpu.memory_space<vmem>>, vector<1x16xi32>,
      %swap3A_1392 = vector.shape_cast %swap3A_1391 : vector<1x16xi32> to vector<16xi32>
      %swap3A_1393 = vector.shape_cast %select_n3A_1388 : vector<16xi32> to vector<1x16xi32>
      tpu.vector_store %arg13[%swap3A_1389, %swap3A_1390], %swap3A_1393 {strides = array<i32>} : memref<20x128xi32, #tpu.memory_space<vmem>>, vector<1x16xi32>,
      %mul3A_1394 = arith.constant 8 : i32
      %mul3A_1395 = arith.muli %scan3A_1264, %mul3A_1394 : i32
      %add3A_1396 = arith.constant 4 : i32
      %add3A_1397 = arith.addi %mul3A_1395, %add3A_1396 : i32
      %mul3A_1398 = arith.constant 16 : i32
      %mul3A_1399 = arith.muli %add3A_1397, %mul3A_1398 : i32
      %get3A_1400 = arith.index_cast %mul3A_1399 : i32 to index
      %get3A_1401 = tpu.vector_load %arg10[%get3A_1400] {strides = array<i32>} : memref<2560xi32, #tpu.memory_space<vmem>>, vector<16xi32>,
      %get3A_1402 = vector.shape_cast %get3A_1401 : vector<16xi32> to vector<16xi32>
      %get3A_1403 = arith.index_cast %mul3A_1399 : i32 to index
      %get3A_1404 = tpu.vector_load %arg11[%get3A_1403] {strides = array<i32>} : memref<2560xi32, #tpu.memory_space<vmem>>, vector<16xi32>,
      %get3A_1405 = vector.shape_cast %get3A_1404 : vector<16xi32> to vector<16xi32>
      %ge3A_1406 = vector.broadcast %mul3A_127 : i32 to vector<16xi32>
      %ge3A_1407 = arith.cmpi sge, %get3A_1402, %ge3A_1406 : vector<16xi32>
      %add3A_1408 = arith.constant 256 : i32
      %add3A_1409 = arith.addi %mul3A_127, %add3A_1408 : i32
      %lt3A_1410 = vector.broadcast %add3A_1409 : i32 to vector<16xi32>
      %lt3A_1411 = arith.cmpi slt, %get3A_1402, %lt3A_1410 : vector<16xi32>
      %and3A_1412 = arith.andi %ge3A_1407, %lt3A_1411 : vector<16xi1>
      %sub3A_1413 = vector.broadcast %mul3A_127 : i32 to vector<16xi32>
      %sub3A_1414 = arith.subi %get3A_1402, %sub3A_1413 : vector<16xi32>
      %mul3A_1415 = arith.constant 1024 : i32
      %mul3A_1416 = vector.broadcast %mul3A_1415 : i32 to vector<16xi32>
      %mul3A_1417 = arith.muli %sub3A_1414, %mul3A_1416 : vector<16xi32>
      %add3A_1418 = arith.addi %mul3A_1417, %get3A_1405 : vector<16xi32>
      %add3A_1419 = arith.constant 1048576 : i32
      %add3A_1420 = vector.broadcast %add3A_1419 : i32 to vector<16xi32>
      %add3A_1421 = arith.addi %add3A_1420, %iota3A : vector<16xi32>
      %select_n3A_1422 = arith.select %and3A_1412, %add3A_1418, %add3A_1421 : vector<16xi1>, vector<16xi32>
      %swap3A_1423 = arith.index_cast %scan3A_1264 : i32 to index
      %swap3A_1424 = arith.constant 64 : index
      %swap3A_1425 = tpu.vector_load %arg13[%swap3A_1423, %swap3A_1424] {strides = array<i32>} : memref<20x128xi32, #tpu.memory_space<vmem>>, vector<1x16xi32>,
      %swap3A_1426 = vector.shape_cast %swap3A_1425 : vector<1x16xi32> to vector<16xi32>
      %swap3A_1427 = vector.shape_cast %select_n3A_1422 : vector<16xi32> to vector<1x16xi32>
      tpu.vector_store %arg13[%swap3A_1423, %swap3A_1424], %swap3A_1427 {strides = array<i32>} : memref<20x128xi32, #tpu.memory_space<vmem>>, vector<1x16xi32>,
      %mul3A_1428 = arith.constant 8 : i32
      %mul3A_1429 = arith.muli %scan3A_1264, %mul3A_1428 : i32
      %add3A_1430 = arith.constant 5 : i32
      %add3A_1431 = arith.addi %mul3A_1429, %add3A_1430 : i32
      %mul3A_1432 = arith.constant 16 : i32
      %mul3A_1433 = arith.muli %add3A_1431, %mul3A_1432 : i32
      %get3A_1434 = arith.index_cast %mul3A_1433 : i32 to index
      %get3A_1435 = tpu.vector_load %arg10[%get3A_1434] {strides = array<i32>} : memref<2560xi32, #tpu.memory_space<vmem>>, vector<16xi32>,
      %get3A_1436 = vector.shape_cast %get3A_1435 : vector<16xi32> to vector<16xi32>
      %get3A_1437 = arith.index_cast %mul3A_1433 : i32 to index
      %get3A_1438 = tpu.vector_load %arg11[%get3A_1437] {strides = array<i32>} : memref<2560xi32, #tpu.memory_space<vmem>>, vector<16xi32>,
      %get3A_1439 = vector.shape_cast %get3A_1438 : vector<16xi32> to vector<16xi32>
      %ge3A_1440 = vector.broadcast %mul3A_127 : i32 to vector<16xi32>
      %ge3A_1441 = arith.cmpi sge, %get3A_1436, %ge3A_1440 : vector<16xi32>
      %add3A_1442 = arith.constant 256 : i32
      %add3A_1443 = arith.addi %mul3A_127, %add3A_1442 : i32
      %lt3A_1444 = vector.broadcast %add3A_1443 : i32 to vector<16xi32>
      %lt3A_1445 = arith.cmpi slt, %get3A_1436, %lt3A_1444 : vector<16xi32>
      %and3A_1446 = arith.andi %ge3A_1441, %lt3A_1445 : vector<16xi1>
      %sub3A_1447 = vector.broadcast %mul3A_127 : i32 to vector<16xi32>
      %sub3A_1448 = arith.subi %get3A_1436, %sub3A_1447 : vector<16xi32>
      %mul3A_1449 = arith.constant 1024 : i32
      %mul3A_1450 = vector.broadcast %mul3A_1449 : i32 to vector<16xi32>
      %mul3A_1451 = arith.muli %sub3A_1448, %mul3A_1450 : vector<16xi32>
      %add3A_1452 = arith.addi %mul3A_1451, %get3A_1439 : vector<16xi32>
      %add3A_1453 = arith.constant 1048576 : i32
      %add3A_1454 = vector.broadcast %add3A_1453 : i32 to vector<16xi32>
      %add3A_1455 = arith.addi %add3A_1454, %iota3A : vector<16xi32>
      %select_n3A_1456 = arith.select %and3A_1446, %add3A_1452, %add3A_1455 : vector<16xi1>, vector<16xi32>
      %swap3A_1457 = arith.index_cast %scan3A_1264 : i32 to index
      %swap3A_1458 = arith.constant 80 : index
      %swap3A_1459 = tpu.vector_load %arg13[%swap3A_1457, %swap3A_1458] {strides = array<i32>} : memref<20x128xi32, #tpu.memory_space<vmem>>, vector<1x16xi32>,
      %swap3A_1460 = vector.shape_cast %swap3A_1459 : vector<1x16xi32> to vector<16xi32>
      %swap3A_1461 = vector.shape_cast %select_n3A_1456 : vector<16xi32> to vector<1x16xi32>
      tpu.vector_store %arg13[%swap3A_1457, %swap3A_1458], %swap3A_1461 {strides = array<i32>} : memref<20x128xi32, #tpu.memory_space<vmem>>, vector<1x16xi32>,
      %mul3A_1462 = arith.constant 8 : i32
      %mul3A_1463 = arith.muli %scan3A_1264, %mul3A_1462 : i32
      %add3A_1464 = arith.constant 6 : i32
      %add3A_1465 = arith.addi %mul3A_1463, %add3A_1464 : i32
      %mul3A_1466 = arith.constant 16 : i32
      %mul3A_1467 = arith.muli %add3A_1465, %mul3A_1466 : i32
      %get3A_1468 = arith.index_cast %mul3A_1467 : i32 to index
      %get3A_1469 = tpu.vector_load %arg10[%get3A_1468] {strides = array<i32>} : memref<2560xi32, #tpu.memory_space<vmem>>, vector<16xi32>,
      %get3A_1470 = vector.shape_cast %get3A_1469 : vector<16xi32> to vector<16xi32>
      %get3A_1471 = arith.index_cast %mul3A_1467 : i32 to index
      %get3A_1472 = tpu.vector_load %arg11[%get3A_1471] {strides = array<i32>} : memref<2560xi32, #tpu.memory_space<vmem>>, vector<16xi32>,
      %get3A_1473 = vector.shape_cast %get3A_1472 : vector<16xi32> to vector<16xi32>
      %ge3A_1474 = vector.broadcast %mul3A_127 : i32 to vector<16xi32>
      %ge3A_1475 = arith.cmpi sge, %get3A_1470, %ge3A_1474 : vector<16xi32>
      %add3A_1476 = arith.constant 256 : i32
      %add3A_1477 = arith.addi %mul3A_127, %add3A_1476 : i32
      %lt3A_1478 = vector.broadcast %add3A_1477 : i32 to vector<16xi32>
      %lt3A_1479 = arith.cmpi slt, %get3A_1470, %lt3A_1478 : vector<16xi32>
      %and3A_1480 = arith.andi %ge3A_1475, %lt3A_1479 : vector<16xi1>
      %sub3A_1481 = vector.broadcast %mul3A_127 : i32 to vector<16xi32>
      %sub3A_1482 = arith.subi %get3A_1470, %sub3A_1481 : vector<16xi32>
      %mul3A_1483 = arith.constant 1024 : i32
      %mul3A_1484 = vector.broadcast %mul3A_1483 : i32 to vector<16xi32>
      %mul3A_1485 = arith.muli %sub3A_1482, %mul3A_1484 : vector<16xi32>
      %add3A_1486 = arith.addi %mul3A_1485, %get3A_1473 : vector<16xi32>
      %add3A_1487 = arith.constant 1048576 : i32
      %add3A_1488 = vector.broadcast %add3A_1487 : i32 to vector<16xi32>
      %add3A_1489 = arith.addi %add3A_1488, %iota3A : vector<16xi32>
      %select_n3A_1490 = arith.select %and3A_1480, %add3A_1486, %add3A_1489 : vector<16xi1>, vector<16xi32>
      %swap3A_1491 = arith.index_cast %scan3A_1264 : i32 to index
      %swap3A_1492 = arith.constant 96 : index
      %swap3A_1493 = tpu.vector_load %arg13[%swap3A_1491, %swap3A_1492] {strides = array<i32>} : memref<20x128xi32, #tpu.memory_space<vmem>>, vector<1x16xi32>,
      %swap3A_1494 = vector.shape_cast %swap3A_1493 : vector<1x16xi32> to vector<16xi32>
      %swap3A_1495 = vector.shape_cast %select_n3A_1490 : vector<16xi32> to vector<1x16xi32>
      tpu.vector_store %arg13[%swap3A_1491, %swap3A_1492], %swap3A_1495 {strides = array<i32>} : memref<20x128xi32, #tpu.memory_space<vmem>>, vector<1x16xi32>,
      %mul3A_1496 = arith.constant 8 : i32
      %mul3A_1497 = arith.muli %scan3A_1264, %mul3A_1496 : i32
      %add3A_1498 = arith.constant 7 : i32
      %add3A_1499 = arith.addi %mul3A_1497, %add3A_1498 : i32
      %mul3A_1500 = arith.constant 16 : i32
      %mul3A_1501 = arith.muli %add3A_1499, %mul3A_1500 : i32
      %get3A_1502 = arith.index_cast %mul3A_1501 : i32 to index
      %get3A_1503 = tpu.vector_load %arg10[%get3A_1502] {strides = array<i32>} : memref<2560xi32, #tpu.memory_space<vmem>>, vector<16xi32>,
      %get3A_1504 = vector.shape_cast %get3A_1503 : vector<16xi32> to vector<16xi32>
      %get3A_1505 = arith.index_cast %mul3A_1501 : i32 to index
      %get3A_1506 = tpu.vector_load %arg11[%get3A_1505] {strides = array<i32>} : memref<2560xi32, #tpu.memory_space<vmem>>, vector<16xi32>,
      %get3A_1507 = vector.shape_cast %get3A_1506 : vector<16xi32> to vector<16xi32>
      %ge3A_1508 = vector.broadcast %mul3A_127 : i32 to vector<16xi32>
      %ge3A_1509 = arith.cmpi sge, %get3A_1504, %ge3A_1508 : vector<16xi32>
      %add3A_1510 = arith.constant 256 : i32
      %add3A_1511 = arith.addi %mul3A_127, %add3A_1510 : i32
      %lt3A_1512 = vector.broadcast %add3A_1511 : i32 to vector<16xi32>
      %lt3A_1513 = arith.cmpi slt, %get3A_1504, %lt3A_1512 : vector<16xi32>
      %and3A_1514 = arith.andi %ge3A_1509, %lt3A_1513 : vector<16xi1>
      %sub3A_1515 = vector.broadcast %mul3A_127 : i32 to vector<16xi32>
      %sub3A_1516 = arith.subi %get3A_1504, %sub3A_1515 : vector<16xi32>
      %mul3A_1517 = arith.constant 1024 : i32
      %mul3A_1518 = vector.broadcast %mul3A_1517 : i32 to vector<16xi32>
      %mul3A_1519 = arith.muli %sub3A_1516, %mul3A_1518 : vector<16xi32>
      %add3A_1520 = arith.addi %mul3A_1519, %get3A_1507 : vector<16xi32>
      %add3A_1521 = arith.constant 1048576 : i32
      %add3A_1522 = vector.broadcast %add3A_1521 : i32 to vector<16xi32>
      %add3A_1523 = arith.addi %add3A_1522, %iota3A : vector<16xi32>
      %select_n3A_1524 = arith.select %and3A_1514, %add3A_1520, %add3A_1523 : vector<16xi1>, vector<16xi32>
      %swap3A_1525 = arith.index_cast %scan3A_1264 : i32 to index
      %swap3A_1526 = arith.constant 112 : index
      %swap3A_1527 = tpu.vector_load %arg13[%swap3A_1525, %swap3A_1526] {strides = array<i32>} : memref<20x128xi32, #tpu.memory_space<vmem>>, vector<1x16xi32>,
      %swap3A_1528 = vector.shape_cast %swap3A_1527 : vector<1x16xi32> to vector<16xi32>
      %swap3A_1529 = vector.shape_cast %select_n3A_1524 : vector<16xi32> to vector<1x16xi32>
      tpu.vector_store %arg13[%swap3A_1525, %swap3A_1526], %swap3A_1529 {strides = array<i32>} : memref<20x128xi32, #tpu.memory_space<vmem>>, vector<1x16xi32>,
    }
    %scan3A_135 = arith.constant 4 : i32
    %scan3A_136 = arith.constant 0 : i32
    %scan3A_137 = arith.constant 0 : i32
    %scan3A_138 = arith.constant 16 : i32
    %scan3A_139 = arith.addi %scan3A_137, %scan3A_138 : i32
    %scan3A_140 = arith.constant 1 : i32
    scf.for %scan3A_1264 = %scan3A_137 to %scan3A_139 step %scan3A_140  : i32 {
      %mul3A_1265 = arith.constant 8 : i32
      %mul3A_1266 = arith.muli %scan3A_1264, %mul3A_1265 : i32
      %add3A_1267 = arith.constant 0 : i32
      %add3A_1268 = arith.addi %mul3A_1266, %add3A_1267 : i32
      %mul3A_1269 = arith.constant 16 : i32
      %mul3A_1270 = arith.muli %add3A_1268, %mul3A_1269 : i32
      %add3A_1271 = arith.constant 512 : i32
      %add3A_1272 = arith.addi %add3A_1271, %mul3A_1270 : i32
      %get3A = arith.index_cast %add3A_1272 : i32 to index
      %get3A_1273 = tpu.vector_load %arg10[%get3A] {strides = array<i32>} : memref<2560xi32, #tpu.memory_space<vmem>>, vector<16xi32>,
      %get3A_1274 = vector.shape_cast %get3A_1273 : vector<16xi32> to vector<16xi32>
      %get3A_1275 = arith.index_cast %add3A_1272 : i32 to index
      %get3A_1276 = tpu.vector_load %arg11[%get3A_1275] {strides = array<i32>} : memref<2560xi32, #tpu.memory_space<vmem>>, vector<16xi32>,
      %get3A_1277 = vector.shape_cast %get3A_1276 : vector<16xi32> to vector<16xi32>
      %ge3A = vector.broadcast %mul3A_129 : i32 to vector<16xi32>
      %ge3A_1278 = arith.cmpi sge, %get3A_1274, %ge3A : vector<16xi32>
      %add3A_1279 = arith.constant 512 : i32
      %add3A_1280 = arith.addi %mul3A_129, %add3A_1279 : i32
      %lt3A = vector.broadcast %add3A_1280 : i32 to vector<16xi32>
      %lt3A_1281 = arith.cmpi slt, %get3A_1274, %lt3A : vector<16xi32>
      %and3A = arith.andi %ge3A_1278, %lt3A_1281 : vector<16xi1>
      %sub3A = vector.broadcast %mul3A_129 : i32 to vector<16xi32>
      %sub3A_1282 = arith.subi %get3A_1274, %sub3A : vector<16xi32>
      %mul3A_1283 = arith.constant 1536 : i32
      %mul3A_1284 = vector.broadcast %mul3A_1283 : i32 to vector<16xi32>
      %mul3A_1285 = arith.muli %sub3A_1282, %mul3A_1284 : vector<16xi32>
      %add3A_1286 = arith.constant 262144 : i32
      %add3A_1287 = vector.broadcast %add3A_1286 : i32 to vector<16xi32>
      %add3A_1288 = arith.addi %add3A_1287, %mul3A_1285 : vector<16xi32>
      %add3A_1289 = arith.addi %add3A_1288, %get3A_1277 : vector<16xi32>
      %add3A_1290 = arith.constant 1048576 : i32
      %add3A_1291 = vector.broadcast %add3A_1290 : i32 to vector<16xi32>
      %add3A_1292 = arith.addi %add3A_1291, %iota3A : vector<16xi32>
      %select_n3A = arith.select %and3A, %add3A_1289, %add3A_1292 : vector<16xi1>, vector<16xi32>
      %add3A_1293 = arith.constant 4 : i32
      %add3A_1294 = arith.addi %add3A_1293, %scan3A_1264 : i32
      %swap3A = arith.index_cast %add3A_1294 : i32 to index
      %swap3A_1295 = arith.constant 0 : index
      %swap3A_1296 = tpu.vector_load %arg13[%swap3A, %swap3A_1295] {strides = array<i32>} : memref<20x128xi32, #tpu.memory_space<vmem>>, vector<1x16xi32>,
      %swap3A_1297 = vector.shape_cast %swap3A_1296 : vector<1x16xi32> to vector<16xi32>
      %swap3A_1298 = vector.shape_cast %select_n3A : vector<16xi32> to vector<1x16xi32>
      tpu.vector_store %arg13[%swap3A, %swap3A_1295], %swap3A_1298 {strides = array<i32>} : memref<20x128xi32, #tpu.memory_space<vmem>>, vector<1x16xi32>,
      %mul3A_1299 = arith.constant 8 : i32
      %mul3A_1300 = arith.muli %scan3A_1264, %mul3A_1299 : i32
      %add3A_1301 = arith.constant 1 : i32
      %add3A_1302 = arith.addi %mul3A_1300, %add3A_1301 : i32
      %mul3A_1303 = arith.constant 16 : i32
      %mul3A_1304 = arith.muli %add3A_1302, %mul3A_1303 : i32
      %add3A_1305 = arith.constant 512 : i32
      %add3A_1306 = arith.addi %add3A_1305, %mul3A_1304 : i32
      %get3A_1307 = arith.index_cast %add3A_1306 : i32 to index
      %get3A_1308 = tpu.vector_load %arg10[%get3A_1307] {strides = array<i32>} : memref<2560xi32, #tpu.memory_space<vmem>>, vector<16xi32>,
      %get3A_1309 = vector.shape_cast %get3A_1308 : vector<16xi32> to vector<16xi32>
      %get3A_1310 = arith.index_cast %add3A_1306 : i32 to index
      %get3A_1311 = tpu.vector_load %arg11[%get3A_1310] {strides = array<i32>} : memref<2560xi32, #tpu.memory_space<vmem>>, vector<16xi32>,
      %get3A_1312 = vector.shape_cast %get3A_1311 : vector<16xi32> to vector<16xi32>
      %ge3A_1313 = vector.broadcast %mul3A_129 : i32 to vector<16xi32>
      %ge3A_1314 = arith.cmpi sge, %get3A_1309, %ge3A_1313 : vector<16xi32>
      %add3A_1315 = arith.constant 512 : i32
      %add3A_1316 = arith.addi %mul3A_129, %add3A_1315 : i32
      %lt3A_1317 = vector.broadcast %add3A_1316 : i32 to vector<16xi32>
      %lt3A_1318 = arith.cmpi slt, %get3A_1309, %lt3A_1317 : vector<16xi32>
      %and3A_1319 = arith.andi %ge3A_1314, %lt3A_1318 : vector<16xi1>
      %sub3A_1320 = vector.broadcast %mul3A_129 : i32 to vector<16xi32>
      %sub3A_1321 = arith.subi %get3A_1309, %sub3A_1320 : vector<16xi32>
      %mul3A_1322 = arith.constant 1536 : i32
      %mul3A_1323 = vector.broadcast %mul3A_1322 : i32 to vector<16xi32>
      %mul3A_1324 = arith.muli %sub3A_1321, %mul3A_1323 : vector<16xi32>
      %add3A_1325 = arith.constant 262144 : i32
      %add3A_1326 = vector.broadcast %add3A_1325 : i32 to vector<16xi32>
      %add3A_1327 = arith.addi %add3A_1326, %mul3A_1324 : vector<16xi32>
      %add3A_1328 = arith.addi %add3A_1327, %get3A_1312 : vector<16xi32>
      %add3A_1329 = arith.constant 1048576 : i32
      %add3A_1330 = vector.broadcast %add3A_1329 : i32 to vector<16xi32>
      %add3A_1331 = arith.addi %add3A_1330, %iota3A : vector<16xi32>
      %select_n3A_1332 = arith.select %and3A_1319, %add3A_1328, %add3A_1331 : vector<16xi1>, vector<16xi32>
      %add3A_1333 = arith.constant 4 : i32
      %add3A_1334 = arith.addi %add3A_1333, %scan3A_1264 : i32
      %swap3A_1335 = arith.index_cast %add3A_1334 : i32 to index
      %swap3A_1336 = arith.constant 16 : index
      %swap3A_1337 = tpu.vector_load %arg13[%swap3A_1335, %swap3A_1336] {strides = array<i32>} : memref<20x128xi32, #tpu.memory_space<vmem>>, vector<1x16xi32>,
      %swap3A_1338 = vector.shape_cast %swap3A_1337 : vector<1x16xi32> to vector<16xi32>
      %swap3A_1339 = vector.shape_cast %select_n3A_1332 : vector<16xi32> to vector<1x16xi32>
      tpu.vector_store %arg13[%swap3A_1335, %swap3A_1336], %swap3A_1339 {strides = array<i32>} : memref<20x128xi32, #tpu.memory_space<vmem>>, vector<1x16xi32>,
      %mul3A_1340 = arith.constant 8 : i32
      %mul3A_1341 = arith.muli %scan3A_1264, %mul3A_1340 : i32
      %add3A_1342 = arith.constant 2 : i32
      %add3A_1343 = arith.addi %mul3A_1341, %add3A_1342 : i32
      %mul3A_1344 = arith.constant 16 : i32
      %mul3A_1345 = arith.muli %add3A_1343, %mul3A_1344 : i32
      %add3A_1346 = arith.constant 512 : i32
      %add3A_1347 = arith.addi %add3A_1346, %mul3A_1345 : i32
      %get3A_1348 = arith.index_cast %add3A_1347 : i32 to index
      %get3A_1349 = tpu.vector_load %arg10[%get3A_1348] {strides = array<i32>} : memref<2560xi32, #tpu.memory_space<vmem>>, vector<16xi32>,
      %get3A_1350 = vector.shape_cast %get3A_1349 : vector<16xi32> to vector<16xi32>
      %get3A_1351 = arith.index_cast %add3A_1347 : i32 to index
      %get3A_1352 = tpu.vector_load %arg11[%get3A_1351] {strides = array<i32>} : memref<2560xi32, #tpu.memory_space<vmem>>, vector<16xi32>,
      %get3A_1353 = vector.shape_cast %get3A_1352 : vector<16xi32> to vector<16xi32>
      %ge3A_1354 = vector.broadcast %mul3A_129 : i32 to vector<16xi32>
      %ge3A_1355 = arith.cmpi sge, %get3A_1350, %ge3A_1354 : vector<16xi32>
      %add3A_1356 = arith.constant 512 : i32
      %add3A_1357 = arith.addi %mul3A_129, %add3A_1356 : i32
      %lt3A_1358 = vector.broadcast %add3A_1357 : i32 to vector<16xi32>
      %lt3A_1359 = arith.cmpi slt, %get3A_1350, %lt3A_1358 : vector<16xi32>
      %and3A_1360 = arith.andi %ge3A_1355, %lt3A_1359 : vector<16xi1>
      %sub3A_1361 = vector.broadcast %mul3A_129 : i32 to vector<16xi32>
      %sub3A_1362 = arith.subi %get3A_1350, %sub3A_1361 : vector<16xi32>
      %mul3A_1363 = arith.constant 1536 : i32
      %mul3A_1364 = vector.broadcast %mul3A_1363 : i32 to vector<16xi32>
      %mul3A_1365 = arith.muli %sub3A_1362, %mul3A_1364 : vector<16xi32>
      %add3A_1366 = arith.constant 262144 : i32
      %add3A_1367 = vector.broadcast %add3A_1366 : i32 to vector<16xi32>
      %add3A_1368 = arith.addi %add3A_1367, %mul3A_1365 : vector<16xi32>
      %add3A_1369 = arith.addi %add3A_1368, %get3A_1353 : vector<16xi32>
      %add3A_1370 = arith.constant 1048576 : i32
      %add3A_1371 = vector.broadcast %add3A_1370 : i32 to vector<16xi32>
      %add3A_1372 = arith.addi %add3A_1371, %iota3A : vector<16xi32>
      %select_n3A_1373 = arith.select %and3A_1360, %add3A_1369, %add3A_1372 : vector<16xi1>, vector<16xi32>
      %add3A_1374 = arith.constant 4 : i32
      %add3A_1375 = arith.addi %add3A_1374, %scan3A_1264 : i32
      %swap3A_1376 = arith.index_cast %add3A_1375 : i32 to index
      %swap3A_1377 = arith.constant 32 : index
      %swap3A_1378 = tpu.vector_load %arg13[%swap3A_1376, %swap3A_1377] {strides = array<i32>} : memref<20x128xi32, #tpu.memory_space<vmem>>, vector<1x16xi32>,
      %swap3A_1379 = vector.shape_cast %swap3A_1378 : vector<1x16xi32> to vector<16xi32>
      %swap3A_1380 = vector.shape_cast %select_n3A_1373 : vector<16xi32> to vector<1x16xi32>
      tpu.vector_store %arg13[%swap3A_1376, %swap3A_1377], %swap3A_1380 {strides = array<i32>} : memref<20x128xi32, #tpu.memory_space<vmem>>, vector<1x16xi32>,
      %mul3A_1381 = arith.constant 8 : i32
      %mul3A_1382 = arith.muli %scan3A_1264, %mul3A_1381 : i32
      %add3A_1383 = arith.constant 3 : i32
      %add3A_1384 = arith.addi %mul3A_1382, %add3A_1383 : i32
      %mul3A_1385 = arith.constant 16 : i32
      %mul3A_1386 = arith.muli %add3A_1384, %mul3A_1385 : i32
      %add3A_1387 = arith.constant 512 : i32
      %add3A_1388 = arith.addi %add3A_1387, %mul3A_1386 : i32
      %get3A_1389 = arith.index_cast %add3A_1388 : i32 to index
      %get3A_1390 = tpu.vector_load %arg10[%get3A_1389] {strides = array<i32>} : memref<2560xi32, #tpu.memory_space<vmem>>, vector<16xi32>,
      %get3A_1391 = vector.shape_cast %get3A_1390 : vector<16xi32> to vector<16xi32>
      %get3A_1392 = arith.index_cast %add3A_1388 : i32 to index
      %get3A_1393 = tpu.vector_load %arg11[%get3A_1392] {strides = array<i32>} : memref<2560xi32, #tpu.memory_space<vmem>>, vector<16xi32>,
      %get3A_1394 = vector.shape_cast %get3A_1393 : vector<16xi32> to vector<16xi32>
      %ge3A_1395 = vector.broadcast %mul3A_129 : i32 to vector<16xi32>
      %ge3A_1396 = arith.cmpi sge, %get3A_1391, %ge3A_1395 : vector<16xi32>
      %add3A_1397 = arith.constant 512 : i32
      %add3A_1398 = arith.addi %mul3A_129, %add3A_1397 : i32
      %lt3A_1399 = vector.broadcast %add3A_1398 : i32 to vector<16xi32>
      %lt3A_1400 = arith.cmpi slt, %get3A_1391, %lt3A_1399 : vector<16xi32>
      %and3A_1401 = arith.andi %ge3A_1396, %lt3A_1400 : vector<16xi1>
      %sub3A_1402 = vector.broadcast %mul3A_129 : i32 to vector<16xi32>
      %sub3A_1403 = arith.subi %get3A_1391, %sub3A_1402 : vector<16xi32>
      %mul3A_1404 = arith.constant 1536 : i32
      %mul3A_1405 = vector.broadcast %mul3A_1404 : i32 to vector<16xi32>
      %mul3A_1406 = arith.muli %sub3A_1403, %mul3A_1405 : vector<16xi32>
      %add3A_1407 = arith.constant 262144 : i32
      %add3A_1408 = vector.broadcast %add3A_1407 : i32 to vector<16xi32>
      %add3A_1409 = arith.addi %add3A_1408, %mul3A_1406 : vector<16xi32>
      %add3A_1410 = arith.addi %add3A_1409, %get3A_1394 : vector<16xi32>
      %add3A_1411 = arith.constant 1048576 : i32
      %add3A_1412 = vector.broadcast %add3A_1411 : i32 to vector<16xi32>
      %add3A_1413 = arith.addi %add3A_1412, %iota3A : vector<16xi32>
      %select_n3A_1414 = arith.select %and3A_1401, %add3A_1410, %add3A_1413 : vector<16xi1>, vector<16xi32>
      %add3A_1415 = arith.constant 4 : i32
      %add3A_1416 = arith.addi %add3A_1415, %scan3A_1264 : i32
      %swap3A_1417 = arith.index_cast %add3A_1416 : i32 to index
      %swap3A_1418 = arith.constant 48 : index
      %swap3A_1419 = tpu.vector_load %arg13[%swap3A_1417, %swap3A_1418] {strides = array<i32>} : memref<20x128xi32, #tpu.memory_space<vmem>>, vector<1x16xi32>,
      %swap3A_1420 = vector.shape_cast %swap3A_1419 : vector<1x16xi32> to vector<16xi32>
      %swap3A_1421 = vector.shape_cast %select_n3A_1414 : vector<16xi32> to vector<1x16xi32>
      tpu.vector_store %arg13[%swap3A_1417, %swap3A_1418], %swap3A_1421 {strides = array<i32>} : memref<20x128xi32, #tpu.memory_space<vmem>>, vector<1x16xi32>,
      %mul3A_1422 = arith.constant 8 : i32
      %mul3A_1423 = arith.muli %scan3A_1264, %mul3A_1422 : i32
      %add3A_1424 = arith.constant 4 : i32
      %add3A_1425 = arith.addi %mul3A_1423, %add3A_1424 : i32
      %mul3A_1426 = arith.constant 16 : i32
      %mul3A_1427 = arith.muli %add3A_1425, %mul3A_1426 : i32
      %add3A_1428 = arith.constant 512 : i32
      %add3A_1429 = arith.addi %add3A_1428, %mul3A_1427 : i32
      %get3A_1430 = arith.index_cast %add3A_1429 : i32 to index
      %get3A_1431 = tpu.vector_load %arg10[%get3A_1430] {strides = array<i32>} : memref<2560xi32, #tpu.memory_space<vmem>>, vector<16xi32>,
      %get3A_1432 = vector.shape_cast %get3A_1431 : vector<16xi32> to vector<16xi32>
      %get3A_1433 = arith.index_cast %add3A_1429 : i32 to index
      %get3A_1434 = tpu.vector_load %arg11[%get3A_1433] {strides = array<i32>} : memref<2560xi32, #tpu.memory_space<vmem>>, vector<16xi32>,
      %get3A_1435 = vector.shape_cast %get3A_1434 : vector<16xi32> to vector<16xi32>
      %ge3A_1436 = vector.broadcast %mul3A_129 : i32 to vector<16xi32>
      %ge3A_1437 = arith.cmpi sge, %get3A_1432, %ge3A_1436 : vector<16xi32>
      %add3A_1438 = arith.constant 512 : i32
      %add3A_1439 = arith.addi %mul3A_129, %add3A_1438 : i32
      %lt3A_1440 = vector.broadcast %add3A_1439 : i32 to vector<16xi32>
      %lt3A_1441 = arith.cmpi slt, %get3A_1432, %lt3A_1440 : vector<16xi32>
      %and3A_1442 = arith.andi %ge3A_1437, %lt3A_1441 : vector<16xi1>
      %sub3A_1443 = vector.broadcast %mul3A_129 : i32 to vector<16xi32>
      %sub3A_1444 = arith.subi %get3A_1432, %sub3A_1443 : vector<16xi32>
      %mul3A_1445 = arith.constant 1536 : i32
      %mul3A_1446 = vector.broadcast %mul3A_1445 : i32 to vector<16xi32>
      %mul3A_1447 = arith.muli %sub3A_1444, %mul3A_1446 : vector<16xi32>
      %add3A_1448 = arith.constant 262144 : i32
      %add3A_1449 = vector.broadcast %add3A_1448 : i32 to vector<16xi32>
      %add3A_1450 = arith.addi %add3A_1449, %mul3A_1447 : vector<16xi32>
      %add3A_1451 = arith.addi %add3A_1450, %get3A_1435 : vector<16xi32>
      %add3A_1452 = arith.constant 1048576 : i32
      %add3A_1453 = vector.broadcast %add3A_1452 : i32 to vector<16xi32>
      %add3A_1454 = arith.addi %add3A_1453, %iota3A : vector<16xi32>
      %select_n3A_1455 = arith.select %and3A_1442, %add3A_1451, %add3A_1454 : vector<16xi1>, vector<16xi32>
      %add3A_1456 = arith.constant 4 : i32
      %add3A_1457 = arith.addi %add3A_1456, %scan3A_1264 : i32
      %swap3A_1458 = arith.index_cast %add3A_1457 : i32 to index
      %swap3A_1459 = arith.constant 64 : index
      %swap3A_1460 = tpu.vector_load %arg13[%swap3A_1458, %swap3A_1459] {strides = array<i32>} : memref<20x128xi32, #tpu.memory_space<vmem>>, vector<1x16xi32>,
      %swap3A_1461 = vector.shape_cast %swap3A_1460 : vector<1x16xi32> to vector<16xi32>
      %swap3A_1462 = vector.shape_cast %select_n3A_1455 : vector<16xi32> to vector<1x16xi32>
      tpu.vector_store %arg13[%swap3A_1458, %swap3A_1459], %swap3A_1462 {strides = array<i32>} : memref<20x128xi32, #tpu.memory_space<vmem>>, vector<1x16xi32>,
      %mul3A_1463 = arith.constant 8 : i32
      %mul3A_1464 = arith.muli %scan3A_1264, %mul3A_1463 : i32
      %add3A_1465 = arith.constant 5 : i32
      %add3A_1466 = arith.addi %mul3A_1464, %add3A_1465 : i32
      %mul3A_1467 = arith.constant 16 : i32
      %mul3A_1468 = arith.muli %add3A_1466, %mul3A_1467 : i32
      %add3A_1469 = arith.constant 512 : i32
      %add3A_1470 = arith.addi %add3A_1469, %mul3A_1468 : i32
      %get3A_1471 = arith.index_cast %add3A_1470 : i32 to index
      %get3A_1472 = tpu.vector_load %arg10[%get3A_1471] {strides = array<i32>} : memref<2560xi32, #tpu.memory_space<vmem>>, vector<16xi32>,
      %get3A_1473 = vector.shape_cast %get3A_1472 : vector<16xi32> to vector<16xi32>
      %get3A_1474 = arith.index_cast %add3A_1470 : i32 to index
      %get3A_1475 = tpu.vector_load %arg11[%get3A_1474] {strides = array<i32>} : memref<2560xi32, #tpu.memory_space<vmem>>, vector<16xi32>,
      %get3A_1476 = vector.shape_cast %get3A_1475 : vector<16xi32> to vector<16xi32>
      %ge3A_1477 = vector.broadcast %mul3A_129 : i32 to vector<16xi32>
      %ge3A_1478 = arith.cmpi sge, %get3A_1473, %ge3A_1477 : vector<16xi32>
      %add3A_1479 = arith.constant 512 : i32
      %add3A_1480 = arith.addi %mul3A_129, %add3A_1479 : i32
      %lt3A_1481 = vector.broadcast %add3A_1480 : i32 to vector<16xi32>
      %lt3A_1482 = arith.cmpi slt, %get3A_1473, %lt3A_1481 : vector<16xi32>
      %and3A_1483 = arith.andi %ge3A_1478, %lt3A_1482 : vector<16xi1>
      %sub3A_1484 = vector.broadcast %mul3A_129 : i32 to vector<16xi32>
      %sub3A_1485 = arith.subi %get3A_1473, %sub3A_1484 : vector<16xi32>
      %mul3A_1486 = arith.constant 1536 : i32
      %mul3A_1487 = vector.broadcast %mul3A_1486 : i32 to vector<16xi32>
      %mul3A_1488 = arith.muli %sub3A_1485, %mul3A_1487 : vector<16xi32>
      %add3A_1489 = arith.constant 262144 : i32
      %add3A_1490 = vector.broadcast %add3A_1489 : i32 to vector<16xi32>
      %add3A_1491 = arith.addi %add3A_1490, %mul3A_1488 : vector<16xi32>
      %add3A_1492 = arith.addi %add3A_1491, %get3A_1476 : vector<16xi32>
      %add3A_1493 = arith.constant 1048576 : i32
      %add3A_1494 = vector.broadcast %add3A_1493 : i32 to vector<16xi32>
      %add3A_1495 = arith.addi %add3A_1494, %iota3A : vector<16xi32>
      %select_n3A_1496 = arith.select %and3A_1483, %add3A_1492, %add3A_1495 : vector<16xi1>, vector<16xi32>
      %add3A_1497 = arith.constant 4 : i32
      %add3A_1498 = arith.addi %add3A_1497, %scan3A_1264 : i32
      %swap3A_1499 = arith.index_cast %add3A_1498 : i32 to index
      %swap3A_1500 = arith.constant 80 : index
      %swap3A_1501 = tpu.vector_load %arg13[%swap3A_1499, %swap3A_1500] {strides = array<i32>} : memref<20x128xi32, #tpu.memory_space<vmem>>, vector<1x16xi32>,
      %swap3A_1502 = vector.shape_cast %swap3A_1501 : vector<1x16xi32> to vector<16xi32>
      %swap3A_1503 = vector.shape_cast %select_n3A_1496 : vector<16xi32> to vector<1x16xi32>
      tpu.vector_store %arg13[%swap3A_1499, %swap3A_1500], %swap3A_1503 {strides = array<i32>} : memref<20x128xi32, #tpu.memory_space<vmem>>, vector<1x16xi32>,
      %mul3A_1504 = arith.constant 8 : i32
      %mul3A_1505 = arith.muli %scan3A_1264, %mul3A_1504 : i32
      %add3A_1506 = arith.constant 6 : i32
      %add3A_1507 = arith.addi %mul3A_1505, %add3A_1506 : i32
      %mul3A_1508 = arith.constant 16 : i32
      %mul3A_1509 = arith.muli %add3A_1507, %mul3A_1508 : i32
      %add3A_1510 = arith.constant 512 : i32
      %add3A_1511 = arith.addi %add3A_1510, %mul3A_1509 : i32
      %get3A_1512 = arith.index_cast %add3A_1511 : i32 to index
      %get3A_1513 = tpu.vector_load %arg10[%get3A_1512] {strides = array<i32>} : memref<2560xi32, #tpu.memory_space<vmem>>, vector<16xi32>,
      %get3A_1514 = vector.shape_cast %get3A_1513 : vector<16xi32> to vector<16xi32>
      %get3A_1515 = arith.index_cast %add3A_1511 : i32 to index
      %get3A_1516 = tpu.vector_load %arg11[%get3A_1515] {strides = array<i32>} : memref<2560xi32, #tpu.memory_space<vmem>>, vector<16xi32>,
      %get3A_1517 = vector.shape_cast %get3A_1516 : vector<16xi32> to vector<16xi32>
      %ge3A_1518 = vector.broadcast %mul3A_129 : i32 to vector<16xi32>
      %ge3A_1519 = arith.cmpi sge, %get3A_1514, %ge3A_1518 : vector<16xi32>
      %add3A_1520 = arith.constant 512 : i32
      %add3A_1521 = arith.addi %mul3A_129, %add3A_1520 : i32
      %lt3A_1522 = vector.broadcast %add3A_1521 : i32 to vector<16xi32>
      %lt3A_1523 = arith.cmpi slt, %get3A_1514, %lt3A_1522 : vector<16xi32>
      %and3A_1524 = arith.andi %ge3A_1519, %lt3A_1523 : vector<16xi1>
      %sub3A_1525 = vector.broadcast %mul3A_129 : i32 to vector<16xi32>
      %sub3A_1526 = arith.subi %get3A_1514, %sub3A_1525 : vector<16xi32>
      %mul3A_1527 = arith.constant 1536 : i32
      %mul3A_1528 = vector.broadcast %mul3A_1527 : i32 to vector<16xi32>
      %mul3A_1529 = arith.muli %sub3A_1526, %mul3A_1528 : vector<16xi32>
      %add3A_1530 = arith.constant 262144 : i32
      %add3A_1531 = vector.broadcast %add3A_1530 : i32 to vector<16xi32>
      %add3A_1532 = arith.addi %add3A_1531, %mul3A_1529 : vector<16xi32>
      %add3A_1533 = arith.addi %add3A_1532, %get3A_1517 : vector<16xi32>
      %add3A_1534 = arith.constant 1048576 : i32
      %add3A_1535 = vector.broadcast %add3A_1534 : i32 to vector<16xi32>
      %add3A_1536 = arith.addi %add3A_1535, %iota3A : vector<16xi32>
      %select_n3A_1537 = arith.select %and3A_1524, %add3A_1533, %add3A_1536 : vector<16xi1>, vector<16xi32>
      %add3A_1538 = arith.constant 4 : i32
      %add3A_1539 = arith.addi %add3A_1538, %scan3A_1264 : i32
      %swap3A_1540 = arith.index_cast %add3A_1539 : i32 to index
      %swap3A_1541 = arith.constant 96 : index
      %swap3A_1542 = tpu.vector_load %arg13[%swap3A_1540, %swap3A_1541] {strides = array<i32>} : memref<20x128xi32, #tpu.memory_space<vmem>>, vector<1x16xi32>,
      %swap3A_1543 = vector.shape_cast %swap3A_1542 : vector<1x16xi32> to vector<16xi32>
      %swap3A_1544 = vector.shape_cast %select_n3A_1537 : vector<16xi32> to vector<1x16xi32>
      tpu.vector_store %arg13[%swap3A_1540, %swap3A_1541], %swap3A_1544 {strides = array<i32>} : memref<20x128xi32, #tpu.memory_space<vmem>>, vector<1x16xi32>,
      %mul3A_1545 = arith.constant 8 : i32
      %mul3A_1546 = arith.muli %scan3A_1264, %mul3A_1545 : i32
      %add3A_1547 = arith.constant 7 : i32
      %add3A_1548 = arith.addi %mul3A_1546, %add3A_1547 : i32
      %mul3A_1549 = arith.constant 16 : i32
      %mul3A_1550 = arith.muli %add3A_1548, %mul3A_1549 : i32
      %add3A_1551 = arith.constant 512 : i32
      %add3A_1552 = arith.addi %add3A_1551, %mul3A_1550 : i32
      %get3A_1553 = arith.index_cast %add3A_1552 : i32 to index
      %get3A_1554 = tpu.vector_load %arg10[%get3A_1553] {strides = array<i32>} : memref<2560xi32, #tpu.memory_space<vmem>>, vector<16xi32>,
      %get3A_1555 = vector.shape_cast %get3A_1554 : vector<16xi32> to vector<16xi32>
      %get3A_1556 = arith.index_cast %add3A_1552 : i32 to index
      %get3A_1557 = tpu.vector_load %arg11[%get3A_1556] {strides = array<i32>} : memref<2560xi32, #tpu.memory_space<vmem>>, vector<16xi32>,
      %get3A_1558 = vector.shape_cast %get3A_1557 : vector<16xi32> to vector<16xi32>
      %ge3A_1559 = vector.broadcast %mul3A_129 : i32 to vector<16xi32>
      %ge3A_1560 = arith.cmpi sge, %get3A_1555, %ge3A_1559 : vector<16xi32>
      %add3A_1561 = arith.constant 512 : i32
      %add3A_1562 = arith.addi %mul3A_129, %add3A_1561 : i32
      %lt3A_1563 = vector.broadcast %add3A_1562 : i32 to vector<16xi32>
      %lt3A_1564 = arith.cmpi slt, %get3A_1555, %lt3A_1563 : vector<16xi32>
      %and3A_1565 = arith.andi %ge3A_1560, %lt3A_1564 : vector<16xi1>
      %sub3A_1566 = vector.broadcast %mul3A_129 : i32 to vector<16xi32>
      %sub3A_1567 = arith.subi %get3A_1555, %sub3A_1566 : vector<16xi32>
      %mul3A_1568 = arith.constant 1536 : i32
      %mul3A_1569 = vector.broadcast %mul3A_1568 : i32 to vector<16xi32>
      %mul3A_1570 = arith.muli %sub3A_1567, %mul3A_1569 : vector<16xi32>
      %add3A_1571 = arith.constant 262144 : i32
      %add3A_1572 = vector.broadcast %add3A_1571 : i32 to vector<16xi32>
      %add3A_1573 = arith.addi %add3A_1572, %mul3A_1570 : vector<16xi32>
      %add3A_1574 = arith.addi %add3A_1573, %get3A_1558 : vector<16xi32>
      %add3A_1575 = arith.constant 1048576 : i32
      %add3A_1576 = vector.broadcast %add3A_1575 : i32 to vector<16xi32>
      %add3A_1577 = arith.addi %add3A_1576, %iota3A : vector<16xi32>
      %select_n3A_1578 = arith.select %and3A_1565, %add3A_1574, %add3A_1577 : vector<16xi1>, vector<16xi32>
      %add3A_1579 = arith.constant 4 : i32
      %add3A_1580 = arith.addi %add3A_1579, %scan3A_1264 : i32
      %swap3A_1581 = arith.index_cast %add3A_1580 : i32 to index
      %swap3A_1582 = arith.constant 112 : index
      %swap3A_1583 = tpu.vector_load %arg13[%swap3A_1581, %swap3A_1582] {strides = array<i32>} : memref<20x128xi32, #tpu.memory_space<vmem>>, vector<1x16xi32>,
      %swap3A_1584 = vector.shape_cast %swap3A_1583 : vector<1x16xi32> to vector<16xi32>
      %swap3A_1585 = vector.shape_cast %select_n3A_1578 : vector<16xi32> to vector<1x16xi32>
      tpu.vector_store %arg13[%swap3A_1581, %swap3A_1582], %swap3A_1585 {strides = array<i32>} : memref<20x128xi32, #tpu.memory_space<vmem>>, vector<1x16xi32>,
    }
    %scan3A_141 = arith.constant 16 : i32
    %dma_wait3A_142 = tpu.memref_slice %arg15[%add3A_11] : memref<1048592xf32, #tpu.memory_space<vmem_shared>> -> memref<8192xf32, #tpu.memory_space<vmem_shared>>
    %dma_wait3A_143 = tpu.memref_slice %arg15[%add3A_11] : memref<1048592xf32, #tpu.memory_space<vmem_shared>> -> memref<8192xf32, #tpu.memory_space<vmem_shared>>
    tpu.wait_dma2 semaphore(%arg17 : memref<!tpu.dma_semaphore, #tpu.memory_space<semaphore_mem>>) src(%arg14 : memref<8192xf32, #tpu.memory_space<vmem>>) dst(%dma_wait3A_143 : memref<8192xf32, #tpu.memory_space<vmem_shared>>)
    %dma_wait3A_144 = tpu.memref_slice %arg15[%add3A_16] : memref<1048592xf32, #tpu.memory_space<vmem_shared>> -> memref<8192xf32, #tpu.memory_space<vmem_shared>>
    %dma_wait3A_145 = tpu.memref_slice %arg15[%add3A_16] : memref<1048592xf32, #tpu.memory_space<vmem_shared>> -> memref<8192xf32, #tpu.memory_space<vmem_shared>>
    tpu.wait_dma2 semaphore(%arg17 : memref<!tpu.dma_semaphore, #tpu.memory_space<semaphore_mem>>) src(%arg14 : memref<8192xf32, #tpu.memory_space<vmem>>) dst(%dma_wait3A_145 : memref<8192xf32, #tpu.memory_space<vmem_shared>>)
    %dma_wait3A_146 = tpu.memref_slice %arg15[%add3A_22] : memref<1048592xf32, #tpu.memory_space<vmem_shared>> -> memref<8192xf32, #tpu.memory_space<vmem_shared>>
    %dma_wait3A_147 = tpu.memref_slice %arg15[%add3A_22] : memref<1048592xf32, #tpu.memory_space<vmem_shared>> -> memref<8192xf32, #tpu.memory_space<vmem_shared>>
    tpu.wait_dma2 semaphore(%arg17 : memref<!tpu.dma_semaphore, #tpu.memory_space<semaphore_mem>>) src(%arg14 : memref<8192xf32, #tpu.memory_space<vmem>>) dst(%dma_wait3A_147 : memref<8192xf32, #tpu.memory_space<vmem_shared>>)
    %dma_wait3A_148 = tpu.memref_slice %arg15[%add3A_28] : memref<1048592xf32, #tpu.memory_space<vmem_shared>> -> memref<8192xf32, #tpu.memory_space<vmem_shared>>
    %dma_wait3A_149 = tpu.memref_slice %arg15[%add3A_28] : memref<1048592xf32, #tpu.memory_space<vmem_shared>> -> memref<8192xf32, #tpu.memory_space<vmem_shared>>
    tpu.wait_dma2 semaphore(%arg17 : memref<!tpu.dma_semaphore, #tpu.memory_space<semaphore_mem>>) src(%arg14 : memref<8192xf32, #tpu.memory_space<vmem>>) dst(%dma_wait3A_149 : memref<8192xf32, #tpu.memory_space<vmem_shared>>)
    %dma_wait3A_150 = tpu.memref_slice %arg15[%add3A_34] : memref<1048592xf32, #tpu.memory_space<vmem_shared>> -> memref<8192xf32, #tpu.memory_space<vmem_shared>>
    %dma_wait3A_151 = tpu.memref_slice %arg15[%add3A_34] : memref<1048592xf32, #tpu.memory_space<vmem_shared>> -> memref<8192xf32, #tpu.memory_space<vmem_shared>>
    tpu.wait_dma2 semaphore(%arg17 : memref<!tpu.dma_semaphore, #tpu.memory_space<semaphore_mem>>) src(%arg14 : memref<8192xf32, #tpu.memory_space<vmem>>) dst(%dma_wait3A_151 : memref<8192xf32, #tpu.memory_space<vmem_shared>>)
    %dma_wait3A_152 = tpu.memref_slice %arg15[%add3A_40] : memref<1048592xf32, #tpu.memory_space<vmem_shared>> -> memref<8192xf32, #tpu.memory_space<vmem_shared>>
    %dma_wait3A_153 = tpu.memref_slice %arg15[%add3A_40] : memref<1048592xf32, #tpu.memory_space<vmem_shared>> -> memref<8192xf32, #tpu.memory_space<vmem_shared>>
    tpu.wait_dma2 semaphore(%arg17 : memref<!tpu.dma_semaphore, #tpu.memory_space<semaphore_mem>>) src(%arg14 : memref<8192xf32, #tpu.memory_space<vmem>>) dst(%dma_wait3A_153 : memref<8192xf32, #tpu.memory_space<vmem_shared>>)
    %dma_wait3A_154 = tpu.memref_slice %arg15[%add3A_46] : memref<1048592xf32, #tpu.memory_space<vmem_shared>> -> memref<8192xf32, #tpu.memory_space<vmem_shared>>
    %dma_wait3A_155 = tpu.memref_slice %arg15[%add3A_46] : memref<1048592xf32, #tpu.memory_space<vmem_shared>> -> memref<8192xf32, #tpu.memory_space<vmem_shared>>
    tpu.wait_dma2 semaphore(%arg17 : memref<!tpu.dma_semaphore, #tpu.memory_space<semaphore_mem>>) src(%arg14 : memref<8192xf32, #tpu.memory_space<vmem>>) dst(%dma_wait3A_155 : memref<8192xf32, #tpu.memory_space<vmem_shared>>)
    %dma_wait3A_156 = tpu.memref_slice %arg15[%add3A_52] : memref<1048592xf32, #tpu.memory_space<vmem_shared>> -> memref<8192xf32, #tpu.memory_space<vmem_shared>>
    %dma_wait3A_157 = tpu.memref_slice %arg15[%add3A_52] : memref<1048592xf32, #tpu.memory_space<vmem_shared>> -> memref<8192xf32, #tpu.memory_space<vmem_shared>>
    tpu.wait_dma2 semaphore(%arg17 : memref<!tpu.dma_semaphore, #tpu.memory_space<semaphore_mem>>) src(%arg14 : memref<8192xf32, #tpu.memory_space<vmem>>) dst(%dma_wait3A_157 : memref<8192xf32, #tpu.memory_space<vmem_shared>>)
    %barrier3A = arith.constant 0 : index
    tpu.barrier barrier_id(%barrier3A)
    %dma_start3A_158 = arith.constant 0 : i32
    %dma_start3A_159 = arith.constant 0 : i32
    %dma_start3A_160 = tpu.memref_slice %arg12[%dma_start3A_159] : memref<2560xf32, #tpu.memory_space<vmem>> -> memref<128xf32, #tpu.memory_space<vmem>>
    %dma_start3A_161 = arith.constant 0 : i32
    %dma_start3A_162 = tpu.memref_slice %arg13[%dma_start3A_158, %dma_start3A_161] : memref<20x128xi32, #tpu.memory_space<vmem>> -> memref<1x128xi32, #tpu.memory_space<vmem>>
    %dma_start3A_163 = tpu.memref_squeeze %dma_start3A_162 : memref<1x128xi32, #tpu.memory_space<vmem>> -> memref<128xi32, #tpu.memory_space<vmem>>
    %dma_start3A_164 = arith.constant 0 : i32
    %dma_start3A_165 = tpu.memref_slice %arg15[%dma_start3A_164] : memref<1048592xf32, #tpu.memory_space<vmem_shared>> -> memref<1048592xf32, #tpu.memory_space<vmem_shared>>
    tpu.enqueue_indirect_dma source(%dma_start3A_160 : memref<128xf32, #tpu.memory_space<vmem>>) target(%dma_start3A_165 : memref<1048592xf32, #tpu.memory_space<vmem_shared>>) offsets(%dma_start3A_163 : memref<128xi32, #tpu.memory_space<vmem>>) semaphore(%arg18 : memref<!tpu.dma_semaphore, #tpu.memory_space<semaphore_mem>>) {add = true}
    %dma_start3A_166 = arith.constant 1 : i32
    %dma_start3A_167 = arith.constant 128 : i32
    %dma_start3A_168 = tpu.memref_slice %arg12[%dma_start3A_167] : memref<2560xf32, #tpu.memory_space<vmem>> -> memref<128xf32, #tpu.memory_space<vmem>>
    %dma_start3A_169 = arith.constant 0 : i32
    %dma_start3A_170 = tpu.memref_slice %arg13[%dma_start3A_166, %dma_start3A_169] : memref<20x128xi32, #tpu.memory_space<vmem>> -> memref<1x128xi32, #tpu.memory_space<vmem>>
    %dma_start3A_171 = tpu.memref_squeeze %dma_start3A_170 : memref<1x128xi32, #tpu.memory_space<vmem>> -> memref<128xi32, #tpu.memory_space<vmem>>
    %dma_start3A_172 = arith.constant 0 : i32
    %dma_start3A_173 = tpu.memref_slice %arg15[%dma_start3A_172] : memref<1048592xf32, #tpu.memory_space<vmem_shared>> -> memref<1048592xf32, #tpu.memory_space<vmem_shared>>
    tpu.enqueue_indirect_dma source(%dma_start3A_168 : memref<128xf32, #tpu.memory_space<vmem>>) target(%dma_start3A_173 : memref<1048592xf32, #tpu.memory_space<vmem_shared>>) offsets(%dma_start3A_171 : memref<128xi32, #tpu.memory_space<vmem>>) semaphore(%arg18 : memref<!tpu.dma_semaphore, #tpu.memory_space<semaphore_mem>>) {add = true}
    %dma_start3A_174 = arith.constant 2 : i32
    %dma_start3A_175 = arith.constant 256 : i32
    %dma_start3A_176 = tpu.memref_slice %arg12[%dma_start3A_175] : memref<2560xf32, #tpu.memory_space<vmem>> -> memref<128xf32, #tpu.memory_space<vmem>>
    %dma_start3A_177 = arith.constant 0 : i32
    %dma_start3A_178 = tpu.memref_slice %arg13[%dma_start3A_174, %dma_start3A_177] : memref<20x128xi32, #tpu.memory_space<vmem>> -> memref<1x128xi32, #tpu.memory_space<vmem>>
    %dma_start3A_179 = tpu.memref_squeeze %dma_start3A_178 : memref<1x128xi32, #tpu.memory_space<vmem>> -> memref<128xi32, #tpu.memory_space<vmem>>
    %dma_start3A_180 = arith.constant 0 : i32
    %dma_start3A_181 = tpu.memref_slice %arg15[%dma_start3A_180] : memref<1048592xf32, #tpu.memory_space<vmem_shared>> -> memref<1048592xf32, #tpu.memory_space<vmem_shared>>
    tpu.enqueue_indirect_dma source(%dma_start3A_176 : memref<128xf32, #tpu.memory_space<vmem>>) target(%dma_start3A_181 : memref<1048592xf32, #tpu.memory_space<vmem_shared>>) offsets(%dma_start3A_179 : memref<128xi32, #tpu.memory_space<vmem>>) semaphore(%arg18 : memref<!tpu.dma_semaphore, #tpu.memory_space<semaphore_mem>>) {add = true}
    %dma_start3A_182 = arith.constant 3 : i32
    %dma_start3A_183 = arith.constant 384 : i32
    %dma_start3A_184 = tpu.memref_slice %arg12[%dma_start3A_183] : memref<2560xf32, #tpu.memory_space<vmem>> -> memref<128xf32, #tpu.memory_space<vmem>>
    %dma_start3A_185 = arith.constant 0 : i32
    %dma_start3A_186 = tpu.memref_slice %arg13[%dma_start3A_182, %dma_start3A_185] : memref<20x128xi32, #tpu.memory_space<vmem>> -> memref<1x128xi32, #tpu.memory_space<vmem>>
    %dma_start3A_187 = tpu.memref_squeeze %dma_start3A_186 : memref<1x128xi32, #tpu.memory_space<vmem>> -> memref<128xi32, #tpu.memory_space<vmem>>
    %dma_start3A_188 = arith.constant 0 : i32
    %dma_start3A_189 = tpu.memref_slice %arg15[%dma_start3A_188] : memref<1048592xf32, #tpu.memory_space<vmem_shared>> -> memref<1048592xf32, #tpu.memory_space<vmem_shared>>
    tpu.enqueue_indirect_dma source(%dma_start3A_184 : memref<128xf32, #tpu.memory_space<vmem>>) target(%dma_start3A_189 : memref<1048592xf32, #tpu.memory_space<vmem_shared>>) offsets(%dma_start3A_187 : memref<128xi32, #tpu.memory_space<vmem>>) semaphore(%arg18 : memref<!tpu.dma_semaphore, #tpu.memory_space<semaphore_mem>>) {add = true}
    %dma_wait3A_190 = arith.constant 0 : i32
    %dma_wait3A_191 = arith.constant 0 : i32
    %dma_wait3A_192 = tpu.memref_slice %arg12[%dma_wait3A_191] : memref<2560xf32, #tpu.memory_space<vmem>> -> memref<128xf32, #tpu.memory_space<vmem>>
    %dma_wait3A_193 = arith.constant 0 : i32
    %dma_wait3A_194 = tpu.memref_slice %arg13[%dma_wait3A_190, %dma_wait3A_193] : memref<20x128xi32, #tpu.memory_space<vmem>> -> memref<1x128xi32, #tpu.memory_space<vmem>>
    %dma_wait3A_195 = tpu.memref_squeeze %dma_wait3A_194 : memref<1x128xi32, #tpu.memory_space<vmem>> -> memref<128xi32, #tpu.memory_space<vmem>>
    %dma_wait3A_196 = arith.constant 0 : i32
    %dma_wait3A_197 = tpu.memref_slice %arg15[%dma_wait3A_196] : memref<1048592xf32, #tpu.memory_space<vmem_shared>> -> memref<1048592xf32, #tpu.memory_space<vmem_shared>>
    tpu.wait_indirect_dma semaphore(%arg18 : memref<!tpu.dma_semaphore, #tpu.memory_space<semaphore_mem>>) src(%dma_wait3A_192 : memref<128xf32, #tpu.memory_space<vmem>>) dst(%dma_wait3A_197 : memref<1048592xf32, #tpu.memory_space<vmem_shared>>)
    %dma_wait3A_198 = arith.constant 1 : i32
    %dma_wait3A_199 = arith.constant 128 : i32
    %dma_wait3A_200 = tpu.memref_slice %arg12[%dma_wait3A_199] : memref<2560xf32, #tpu.memory_space<vmem>> -> memref<128xf32, #tpu.memory_space<vmem>>
    %dma_wait3A_201 = arith.constant 0 : i32
    %dma_wait3A_202 = tpu.memref_slice %arg13[%dma_wait3A_198, %dma_wait3A_201] : memref<20x128xi32, #tpu.memory_space<vmem>> -> memref<1x128xi32, #tpu.memory_space<vmem>>
    %dma_wait3A_203 = tpu.memref_squeeze %dma_wait3A_202 : memref<1x128xi32, #tpu.memory_space<vmem>> -> memref<128xi32, #tpu.memory_space<vmem>>
    %dma_wait3A_204 = arith.constant 0 : i32
    %dma_wait3A_205 = tpu.memref_slice %arg15[%dma_wait3A_204] : memref<1048592xf32, #tpu.memory_space<vmem_shared>> -> memref<1048592xf32, #tpu.memory_space<vmem_shared>>
    tpu.wait_indirect_dma semaphore(%arg18 : memref<!tpu.dma_semaphore, #tpu.memory_space<semaphore_mem>>) src(%dma_wait3A_200 : memref<128xf32, #tpu.memory_space<vmem>>) dst(%dma_wait3A_205 : memref<1048592xf32, #tpu.memory_space<vmem_shared>>)
    %dma_wait3A_206 = arith.constant 2 : i32
    %dma_wait3A_207 = arith.constant 256 : i32
    %dma_wait3A_208 = tpu.memref_slice %arg12[%dma_wait3A_207] : memref<2560xf32, #tpu.memory_space<vmem>> -> memref<128xf32, #tpu.memory_space<vmem>>
    %dma_wait3A_209 = arith.constant 0 : i32
    %dma_wait3A_210 = tpu.memref_slice %arg13[%dma_wait3A_206, %dma_wait3A_209] : memref<20x128xi32, #tpu.memory_space<vmem>> -> memref<1x128xi32, #tpu.memory_space<vmem>>
    %dma_wait3A_211 = tpu.memref_squeeze %dma_wait3A_210 : memref<1x128xi32, #tpu.memory_space<vmem>> -> memref<128xi32, #tpu.memory_space<vmem>>
    %dma_wait3A_212 = arith.constant 0 : i32
    %dma_wait3A_213 = tpu.memref_slice %arg15[%dma_wait3A_212] : memref<1048592xf32, #tpu.memory_space<vmem_shared>> -> memref<1048592xf32, #tpu.memory_space<vmem_shared>>
    tpu.wait_indirect_dma semaphore(%arg18 : memref<!tpu.dma_semaphore, #tpu.memory_space<semaphore_mem>>) src(%dma_wait3A_208 : memref<128xf32, #tpu.memory_space<vmem>>) dst(%dma_wait3A_213 : memref<1048592xf32, #tpu.memory_space<vmem_shared>>)
    %dma_wait3A_214 = arith.constant 3 : i32
    %dma_wait3A_215 = arith.constant 384 : i32
    %dma_wait3A_216 = tpu.memref_slice %arg12[%dma_wait3A_215] : memref<2560xf32, #tpu.memory_space<vmem>> -> memref<128xf32, #tpu.memory_space<vmem>>
    %dma_wait3A_217 = arith.constant 0 : i32
    %dma_wait3A_218 = tpu.memref_slice %arg13[%dma_wait3A_214, %dma_wait3A_217] : memref<20x128xi32, #tpu.memory_space<vmem>> -> memref<1x128xi32, #tpu.memory_space<vmem>>
    %dma_wait3A_219 = tpu.memref_squeeze %dma_wait3A_218 : memref<1x128xi32, #tpu.memory_space<vmem>> -> memref<128xi32, #tpu.memory_space<vmem>>
    %dma_wait3A_220 = arith.constant 0 : i32
    %dma_wait3A_221 = tpu.memref_slice %arg15[%dma_wait3A_220] : memref<1048592xf32, #tpu.memory_space<vmem_shared>> -> memref<1048592xf32, #tpu.memory_space<vmem_shared>>
    tpu.wait_indirect_dma semaphore(%arg18 : memref<!tpu.dma_semaphore, #tpu.memory_space<semaphore_mem>>) src(%dma_wait3A_216 : memref<128xf32, #tpu.memory_space<vmem>>) dst(%dma_wait3A_221 : memref<1048592xf32, #tpu.memory_space<vmem_shared>>)
    %barrier3A_222 = arith.constant 0 : index
    tpu.barrier barrier_id(%barrier3A_222)
    %mul3A_223 = arith.constant 16 : i32
    %mul3A_224 = arith.muli %arg1, %mul3A_223 : i32
    %add3A_225 = arith.constant 0 : i32
    %add3A_226 = arith.addi %mul3A_224, %add3A_225 : i32
    %mul3A_227 = arith.constant 1024 : i32
    %mul3A_228 = arith.muli %add3A_226, %mul3A_227 : i32
    %add3A_229 = arith.addi %mul3A_127, %add3A_226 : i32
    %dma_start3A_230 = arith.constant 0 : i32
    %dma_start3A_231 = tpu.memref_slice %arg8[%add3A_229, %dma_start3A_230] : memref<512x1024xf32, #tpu.memory_space<hbm>> -> memref<1x1024xf32, #tpu.memory_space<hbm>>
    %dma_start3A_232 = tpu.memref_squeeze %dma_start3A_231 : memref<1x1024xf32, #tpu.memory_space<hbm>> -> memref<1024xf32, #tpu.memory_space<hbm>>
    %dma_start3A_233 = tpu.memref_slice %arg15[%mul3A_228] : memref<1048592xf32, #tpu.memory_space<vmem_shared>> -> memref<1024xf32, #tpu.memory_space<vmem_shared>>
    tpu.enqueue_dma source(%dma_start3A_233 : memref<1024xf32, #tpu.memory_space<vmem_shared>>) target(%dma_start3A_232 : memref<1024xf32, #tpu.memory_space<hbm>>) target_semaphore(%arg16 : memref<!tpu.dma_semaphore, #tpu.memory_space<semaphore_mem>>)
    %mul3A_234 = arith.constant 16 : i32
    %mul3A_235 = arith.muli %arg1, %mul3A_234 : i32
    %add3A_236 = arith.constant 1 : i32
    %add3A_237 = arith.addi %mul3A_235, %add3A_236 : i32
    %mul3A_238 = arith.constant 1024 : i32
    %mul3A_239 = arith.muli %add3A_237, %mul3A_238 : i32
    %add3A_240 = arith.addi %mul3A_127, %add3A_237 : i32
    %dma_start3A_241 = arith.constant 0 : i32
    %dma_start3A_242 = tpu.memref_slice %arg8[%add3A_240, %dma_start3A_241] : memref<512x1024xf32, #tpu.memory_space<hbm>> -> memref<1x1024xf32, #tpu.memory_space<hbm>>
    %dma_start3A_243 = tpu.memref_squeeze %dma_start3A_242 : memref<1x1024xf32, #tpu.memory_space<hbm>> -> memref<1024xf32, #tpu.memory_space<hbm>>
    %dma_start3A_244 = tpu.memref_slice %arg15[%mul3A_239] : memref<1048592xf32, #tpu.memory_space<vmem_shared>> -> memref<1024xf32, #tpu.memory_space<vmem_shared>>
    tpu.enqueue_dma source(%dma_start3A_244 : memref<1024xf32, #tpu.memory_space<vmem_shared>>) target(%dma_start3A_243 : memref<1024xf32, #tpu.memory_space<hbm>>) target_semaphore(%arg16 : memref<!tpu.dma_semaphore, #tpu.memory_space<semaphore_mem>>)
    %mul3A_245 = arith.constant 16 : i32
    %mul3A_246 = arith.muli %arg1, %mul3A_245 : i32
    %add3A_247 = arith.constant 2 : i32
    %add3A_248 = arith.addi %mul3A_246, %add3A_247 : i32
    %mul3A_249 = arith.constant 1024 : i32
    %mul3A_250 = arith.muli %add3A_248, %mul3A_249 : i32
    %add3A_251 = arith.addi %mul3A_127, %add3A_248 : i32
    %dma_start3A_252 = arith.constant 0 : i32
    %dma_start3A_253 = tpu.memref_slice %arg8[%add3A_251, %dma_start3A_252] : memref<512x1024xf32, #tpu.memory_space<hbm>> -> memref<1x1024xf32, #tpu.memory_space<hbm>>
    %dma_start3A_254 = tpu.memref_squeeze %dma_start3A_253 : memref<1x1024xf32, #tpu.memory_space<hbm>> -> memref<1024xf32, #tpu.memory_space<hbm>>
    %dma_start3A_255 = tpu.memref_slice %arg15[%mul3A_250] : memref<1048592xf32, #tpu.memory_space<vmem_shared>> -> memref<1024xf32, #tpu.memory_space<vmem_shared>>
    tpu.enqueue_dma source(%dma_start3A_255 : memref<1024xf32, #tpu.memory_space<vmem_shared>>) target(%dma_start3A_254 : memref<1024xf32, #tpu.memory_space<hbm>>) target_semaphore(%arg16 : memref<!tpu.dma_semaphore, #tpu.memory_space<semaphore_mem>>)
    %mul3A_256 = arith.constant 16 : i32
    %mul3A_257 = arith.muli %arg1, %mul3A_256 : i32
    %add3A_258 = arith.constant 3 : i32
    %add3A_259 = arith.addi %mul3A_257, %add3A_258 : i32
    %mul3A_260 = arith.constant 1024 : i32
    %mul3A_261 = arith.muli %add3A_259, %mul3A_260 : i32
    %add3A_262 = arith.addi %mul3A_127, %add3A_259 : i32
    %dma_start3A_263 = arith.constant 0 : i32
    %dma_start3A_264 = tpu.memref_slice %arg8[%add3A_262, %dma_start3A_263] : memref<512x1024xf32, #tpu.memory_space<hbm>> -> memref<1x1024xf32, #tpu.memory_space<hbm>>
    %dma_start3A_265 = tpu.memref_squeeze %dma_start3A_264 : memref<1x1024xf32, #tpu.memory_space<hbm>> -> memref<1024xf32, #tpu.memory_space<hbm>>
    %dma_start3A_266 = tpu.memref_slice %arg15[%mul3A_261] : memref<1048592xf32, #tpu.memory_space<vmem_shared>> -> memref<1024xf32, #tpu.memory_space<vmem_shared>>
    tpu.enqueue_dma source(%dma_start3A_266 : memref<1024xf32, #tpu.memory_space<vmem_shared>>) target(%dma_start3A_265 : memref<1024xf32, #tpu.memory_space<hbm>>) target_semaphore(%arg16 : memref<!tpu.dma_semaphore, #tpu.memory_space<semaphore_mem>>)
    %mul3A_267 = arith.constant 16 : i32
    %mul3A_268 = arith.muli %arg1, %mul3A_267 : i32
    %add3A_269 = arith.constant 4 : i32
    %add3A_270 = arith.addi %mul3A_268, %add3A_269 : i32
    %mul3A_271 = arith.constant 1024 : i32
    %mul3A_272 = arith.muli %add3A_270, %mul3A_271 : i32
    %add3A_273 = arith.addi %mul3A_127, %add3A_270 : i32
    %dma_start3A_274 = arith.constant 0 : i32
    %dma_start3A_275 = tpu.memref_slice %arg8[%add3A_273, %dma_start3A_274] : memref<512x1024xf32, #tpu.memory_space<hbm>> -> memref<1x1024xf32, #tpu.memory_space<hbm>>
    %dma_start3A_276 = tpu.memref_squeeze %dma_start3A_275 : memref<1x1024xf32, #tpu.memory_space<hbm>> -> memref<1024xf32, #tpu.memory_space<hbm>>
    %dma_start3A_277 = tpu.memref_slice %arg15[%mul3A_272] : memref<1048592xf32, #tpu.memory_space<vmem_shared>> -> memref<1024xf32, #tpu.memory_space<vmem_shared>>
    tpu.enqueue_dma source(%dma_start3A_277 : memref<1024xf32, #tpu.memory_space<vmem_shared>>) target(%dma_start3A_276 : memref<1024xf32, #tpu.memory_space<hbm>>) target_semaphore(%arg16 : memref<!tpu.dma_semaphore, #tpu.memory_space<semaphore_mem>>)
    %mul3A_278 = arith.constant 16 : i32
    %mul3A_279 = arith.muli %arg1, %mul3A_278 : i32
    %add3A_280 = arith.constant 5 : i32
    %add3A_281 = arith.addi %mul3A_279, %add3A_280 : i32
    %mul3A_282 = arith.constant 1024 : i32
    %mul3A_283 = arith.muli %add3A_281, %mul3A_282 : i32
    %add3A_284 = arith.addi %mul3A_127, %add3A_281 : i32
    %dma_start3A_285 = arith.constant 0 : i32
    %dma_start3A_286 = tpu.memref_slice %arg8[%add3A_284, %dma_start3A_285] : memref<512x1024xf32, #tpu.memory_space<hbm>> -> memref<1x1024xf32, #tpu.memory_space<hbm>>
    %dma_start3A_287 = tpu.memref_squeeze %dma_start3A_286 : memref<1x1024xf32, #tpu.memory_space<hbm>> -> memref<1024xf32, #tpu.memory_space<hbm>>
    %dma_start3A_288 = tpu.memref_slice %arg15[%mul3A_283] : memref<1048592xf32, #tpu.memory_space<vmem_shared>> -> memref<1024xf32, #tpu.memory_space<vmem_shared>>
    tpu.enqueue_dma source(%dma_start3A_288 : memref<1024xf32, #tpu.memory_space<vmem_shared>>) target(%dma_start3A_287 : memref<1024xf32, #tpu.memory_space<hbm>>) target_semaphore(%arg16 : memref<!tpu.dma_semaphore, #tpu.memory_space<semaphore_mem>>)
    %mul3A_289 = arith.constant 16 : i32
    %mul3A_290 = arith.muli %arg1, %mul3A_289 : i32
    %add3A_291 = arith.constant 6 : i32
    %add3A_292 = arith.addi %mul3A_290, %add3A_291 : i32
    %mul3A_293 = arith.constant 1024 : i32
    %mul3A_294 = arith.muli %add3A_292, %mul3A_293 : i32
    %add3A_295 = arith.addi %mul3A_127, %add3A_292 : i32
    %dma_start3A_296 = arith.constant 0 : i32
    %dma_start3A_297 = tpu.memref_slice %arg8[%add3A_295, %dma_start3A_296] : memref<512x1024xf32, #tpu.memory_space<hbm>> -> memref<1x1024xf32, #tpu.memory_space<hbm>>
    %dma_start3A_298 = tpu.memref_squeeze %dma_start3A_297 : memref<1x1024xf32, #tpu.memory_space<hbm>> -> memref<1024xf32, #tpu.memory_space<hbm>>
    %dma_start3A_299 = tpu.memref_slice %arg15[%mul3A_294] : memref<1048592xf32, #tpu.memory_space<vmem_shared>> -> memref<1024xf32, #tpu.memory_space<vmem_shared>>
    tpu.enqueue_dma source(%dma_start3A_299 : memref<1024xf32, #tpu.memory_space<vmem_shared>>) target(%dma_start3A_298 : memref<1024xf32, #tpu.memory_space<hbm>>) target_semaphore(%arg16 : memref<!tpu.dma_semaphore, #tpu.memory_space<semaphore_mem>>)
    %mul3A_300 = arith.constant 16 : i32
    %mul3A_301 = arith.muli %arg1, %mul3A_300 : i32
    %add3A_302 = arith.constant 7 : i32
    %add3A_303 = arith.addi %mul3A_301, %add3A_302 : i32
    %mul3A_304 = arith.constant 1024 : i32
    %mul3A_305 = arith.muli %add3A_303, %mul3A_304 : i32
    %add3A_306 = arith.addi %mul3A_127, %add3A_303 : i32
    %dma_start3A_307 = arith.constant 0 : i32
    %dma_start3A_308 = tpu.memref_slice %arg8[%add3A_306, %dma_start3A_307] : memref<512x1024xf32, #tpu.memory_space<hbm>> -> memref<1x1024xf32, #tpu.memory_space<hbm>>
    %dma_start3A_309 = tpu.memref_squeeze %dma_start3A_308 : memref<1x1024xf32, #tpu.memory_space<hbm>> -> memref<1024xf32, #tpu.memory_space<hbm>>
    %dma_start3A_310 = tpu.memref_slice %arg15[%mul3A_305] : memref<1048592xf32, #tpu.memory_space<vmem_shared>> -> memref<1024xf32, #tpu.memory_space<vmem_shared>>
    tpu.enqueue_dma source(%dma_start3A_310 : memref<1024xf32, #tpu.memory_space<vmem_shared>>) target(%dma_start3A_309 : memref<1024xf32, #tpu.memory_space<hbm>>) target_semaphore(%arg16 : memref<!tpu.dma_semaphore, #tpu.memory_space<semaphore_mem>>)
    %mul3A_311 = arith.constant 16 : i32
    %mul3A_312 = arith.muli %arg1, %mul3A_311 : i32
    %add3A_313 = arith.constant 8 : i32
    %add3A_314 = arith.addi %mul3A_312, %add3A_313 : i32
    %mul3A_315 = arith.constant 1024 : i32
    %mul3A_316 = arith.muli %add3A_314, %mul3A_315 : i32
    %add3A_317 = arith.addi %mul3A_127, %add3A_314 : i32
    %dma_start3A_318 = arith.constant 0 : i32
    %dma_start3A_319 = tpu.memref_slice %arg8[%add3A_317, %dma_start3A_318] : memref<512x1024xf32, #tpu.memory_space<hbm>> -> memref<1x1024xf32, #tpu.memory_space<hbm>>
    %dma_start3A_320 = tpu.memref_squeeze %dma_start3A_319 : memref<1x1024xf32, #tpu.memory_space<hbm>> -> memref<1024xf32, #tpu.memory_space<hbm>>
    %dma_start3A_321 = tpu.memref_slice %arg15[%mul3A_316] : memref<1048592xf32, #tpu.memory_space<vmem_shared>> -> memref<1024xf32, #tpu.memory_space<vmem_shared>>
    tpu.enqueue_dma source(%dma_start3A_321 : memref<1024xf32, #tpu.memory_space<vmem_shared>>) target(%dma_start3A_320 : memref<1024xf32, #tpu.memory_space<hbm>>) target_semaphore(%arg16 : memref<!tpu.dma_semaphore, #tpu.memory_space<semaphore_mem>>)
    %mul3A_322 = arith.constant 16 : i32
    %mul3A_323 = arith.muli %arg1, %mul3A_322 : i32
    %add3A_324 = arith.constant 9 : i32
    %add3A_325 = arith.addi %mul3A_323, %add3A_324 : i32
    %mul3A_326 = arith.constant 1024 : i32
    %mul3A_327 = arith.muli %add3A_325, %mul3A_326 : i32
    %add3A_328 = arith.addi %mul3A_127, %add3A_325 : i32
    %dma_start3A_329 = arith.constant 0 : i32
    %dma_start3A_330 = tpu.memref_slice %arg8[%add3A_328, %dma_start3A_329] : memref<512x1024xf32, #tpu.memory_space<hbm>> -> memref<1x1024xf32, #tpu.memory_space<hbm>>
    %dma_start3A_331 = tpu.memref_squeeze %dma_start3A_330 : memref<1x1024xf32, #tpu.memory_space<hbm>> -> memref<1024xf32, #tpu.memory_space<hbm>>
    %dma_start3A_332 = tpu.memref_slice %arg15[%mul3A_327] : memref<1048592xf32, #tpu.memory_space<vmem_shared>> -> memref<1024xf32, #tpu.memory_space<vmem_shared>>
    tpu.enqueue_dma source(%dma_start3A_332 : memref<1024xf32, #tpu.memory_space<vmem_shared>>) target(%dma_start3A_331 : memref<1024xf32, #tpu.memory_space<hbm>>) target_semaphore(%arg16 : memref<!tpu.dma_semaphore, #tpu.memory_space<semaphore_mem>>)
    %mul3A_333 = arith.constant 16 : i32
    %mul3A_334 = arith.muli %arg1, %mul3A_333 : i32
    %add3A_335 = arith.constant 10 : i32
    %add3A_336 = arith.addi %mul3A_334, %add3A_335 : i32
    %mul3A_337 = arith.constant 1024 : i32
    %mul3A_338 = arith.muli %add3A_336, %mul3A_337 : i32
    %add3A_339 = arith.addi %mul3A_127, %add3A_336 : i32
    %dma_start3A_340 = arith.constant 0 : i32
    %dma_start3A_341 = tpu.memref_slice %arg8[%add3A_339, %dma_start3A_340] : memref<512x1024xf32, #tpu.memory_space<hbm>> -> memref<1x1024xf32, #tpu.memory_space<hbm>>
    %dma_start3A_342 = tpu.memref_squeeze %dma_start3A_341 : memref<1x1024xf32, #tpu.memory_space<hbm>> -> memref<1024xf32, #tpu.memory_space<hbm>>
    %dma_start3A_343 = tpu.memref_slice %arg15[%mul3A_338] : memref<1048592xf32, #tpu.memory_space<vmem_shared>> -> memref<1024xf32, #tpu.memory_space<vmem_shared>>
    tpu.enqueue_dma source(%dma_start3A_343 : memref<1024xf32, #tpu.memory_space<vmem_shared>>) target(%dma_start3A_342 : memref<1024xf32, #tpu.memory_space<hbm>>) target_semaphore(%arg16 : memref<!tpu.dma_semaphore, #tpu.memory_space<semaphore_mem>>)
    %mul3A_344 = arith.constant 16 : i32
    %mul3A_345 = arith.muli %arg1, %mul3A_344 : i32
    %add3A_346 = arith.constant 11 : i32
    %add3A_347 = arith.addi %mul3A_345, %add3A_346 : i32
    %mul3A_348 = arith.constant 1024 : i32
    %mul3A_349 = arith.muli %add3A_347, %mul3A_348 : i32
    %add3A_350 = arith.addi %mul3A_127, %add3A_347 : i32
    %dma_start3A_351 = arith.constant 0 : i32
    %dma_start3A_352 = tpu.memref_slice %arg8[%add3A_350, %dma_start3A_351] : memref<512x1024xf32, #tpu.memory_space<hbm>> -> memref<1x1024xf32, #tpu.memory_space<hbm>>
    %dma_start3A_353 = tpu.memref_squeeze %dma_start3A_352 : memref<1x1024xf32, #tpu.memory_space<hbm>> -> memref<1024xf32, #tpu.memory_space<hbm>>
    %dma_start3A_354 = tpu.memref_slice %arg15[%mul3A_349] : memref<1048592xf32, #tpu.memory_space<vmem_shared>> -> memref<1024xf32, #tpu.memory_space<vmem_shared>>
    tpu.enqueue_dma source(%dma_start3A_354 : memref<1024xf32, #tpu.memory_space<vmem_shared>>) target(%dma_start3A_353 : memref<1024xf32, #tpu.memory_space<hbm>>) target_semaphore(%arg16 : memref<!tpu.dma_semaphore, #tpu.memory_space<semaphore_mem>>)
    %mul3A_355 = arith.constant 16 : i32
    %mul3A_356 = arith.muli %arg1, %mul3A_355 : i32
    %add3A_357 = arith.constant 12 : i32
    %add3A_358 = arith.addi %mul3A_356, %add3A_357 : i32
    %mul3A_359 = arith.constant 1024 : i32
    %mul3A_360 = arith.muli %add3A_358, %mul3A_359 : i32
    %add3A_361 = arith.addi %mul3A_127, %add3A_358 : i32
    %dma_start3A_362 = arith.constant 0 : i32
    %dma_start3A_363 = tpu.memref_slice %arg8[%add3A_361, %dma_start3A_362] : memref<512x1024xf32, #tpu.memory_space<hbm>> -> memref<1x1024xf32, #tpu.memory_space<hbm>>
    %dma_start3A_364 = tpu.memref_squeeze %dma_start3A_363 : memref<1x1024xf32, #tpu.memory_space<hbm>> -> memref<1024xf32, #tpu.memory_space<hbm>>
    %dma_start3A_365 = tpu.memref_slice %arg15[%mul3A_360] : memref<1048592xf32, #tpu.memory_space<vmem_shared>> -> memref<1024xf32, #tpu.memory_space<vmem_shared>>
    tpu.enqueue_dma source(%dma_start3A_365 : memref<1024xf32, #tpu.memory_space<vmem_shared>>) target(%dma_start3A_364 : memref<1024xf32, #tpu.memory_space<hbm>>) target_semaphore(%arg16 : memref<!tpu.dma_semaphore, #tpu.memory_space<semaphore_mem>>)
    %mul3A_366 = arith.constant 16 : i32
    %mul3A_367 = arith.muli %arg1, %mul3A_366 : i32
    %add3A_368 = arith.constant 13 : i32
    %add3A_369 = arith.addi %mul3A_367, %add3A_368 : i32
    %mul3A_370 = arith.constant 1024 : i32
    %mul3A_371 = arith.muli %add3A_369, %mul3A_370 : i32
    %add3A_372 = arith.addi %mul3A_127, %add3A_369 : i32
    %dma_start3A_373 = arith.constant 0 : i32
    %dma_start3A_374 = tpu.memref_slice %arg8[%add3A_372, %dma_start3A_373] : memref<512x1024xf32, #tpu.memory_space<hbm>> -> memref<1x1024xf32, #tpu.memory_space<hbm>>
    %dma_start3A_375 = tpu.memref_squeeze %dma_start3A_374 : memref<1x1024xf32, #tpu.memory_space<hbm>> -> memref<1024xf32, #tpu.memory_space<hbm>>
    %dma_start3A_376 = tpu.memref_slice %arg15[%mul3A_371] : memref<1048592xf32, #tpu.memory_space<vmem_shared>> -> memref<1024xf32, #tpu.memory_space<vmem_shared>>
    tpu.enqueue_dma source(%dma_start3A_376 : memref<1024xf32, #tpu.memory_space<vmem_shared>>) target(%dma_start3A_375 : memref<1024xf32, #tpu.memory_space<hbm>>) target_semaphore(%arg16 : memref<!tpu.dma_semaphore, #tpu.memory_space<semaphore_mem>>)
    %mul3A_377 = arith.constant 16 : i32
    %mul3A_378 = arith.muli %arg1, %mul3A_377 : i32
    %add3A_379 = arith.constant 14 : i32
    %add3A_380 = arith.addi %mul3A_378, %add3A_379 : i32
    %mul3A_381 = arith.constant 1024 : i32
    %mul3A_382 = arith.muli %add3A_380, %mul3A_381 : i32
    %add3A_383 = arith.addi %mul3A_127, %add3A_380 : i32
    %dma_start3A_384 = arith.constant 0 : i32
    %dma_start3A_385 = tpu.memref_slice %arg8[%add3A_383, %dma_start3A_384] : memref<512x1024xf32, #tpu.memory_space<hbm>> -> memref<1x1024xf32, #tpu.memory_space<hbm>>
    %dma_start3A_386 = tpu.memref_squeeze %dma_start3A_385 : memref<1x1024xf32, #tpu.memory_space<hbm>> -> memref<1024xf32, #tpu.memory_space<hbm>>
    %dma_start3A_387 = tpu.memref_slice %arg15[%mul3A_382] : memref<1048592xf32, #tpu.memory_space<vmem_shared>> -> memref<1024xf32, #tpu.memory_space<vmem_shared>>
    tpu.enqueue_dma source(%dma_start3A_387 : memref<1024xf32, #tpu.memory_space<vmem_shared>>) target(%dma_start3A_386 : memref<1024xf32, #tpu.memory_space<hbm>>) target_semaphore(%arg16 : memref<!tpu.dma_semaphore, #tpu.memory_space<semaphore_mem>>)
    %mul3A_388 = arith.constant 16 : i32
    %mul3A_389 = arith.muli %arg1, %mul3A_388 : i32
    %add3A_390 = arith.constant 15 : i32
    %add3A_391 = arith.addi %mul3A_389, %add3A_390 : i32
    %mul3A_392 = arith.constant 1024 : i32
    %mul3A_393 = arith.muli %add3A_391, %mul3A_392 : i32
    %add3A_394 = arith.addi %mul3A_127, %add3A_391 : i32
    %dma_start3A_395 = arith.constant 0 : i32
    %dma_start3A_396 = tpu.memref_slice %arg8[%add3A_394, %dma_start3A_395] : memref<512x1024xf32, #tpu.memory_space<hbm>> -> memref<1x1024xf32, #tpu.memory_space<hbm>>
    %dma_start3A_397 = tpu.memref_squeeze %dma_start3A_396 : memref<1x1024xf32, #tpu.memory_space<hbm>> -> memref<1024xf32, #tpu.memory_space<hbm>>
    %dma_start3A_398 = tpu.memref_slice %arg15[%mul3A_393] : memref<1048592xf32, #tpu.memory_space<vmem_shared>> -> memref<1024xf32, #tpu.memory_space<vmem_shared>>
    tpu.enqueue_dma source(%dma_start3A_398 : memref<1024xf32, #tpu.memory_space<vmem_shared>>) target(%dma_start3A_397 : memref<1024xf32, #tpu.memory_space<hbm>>) target_semaphore(%arg16 : memref<!tpu.dma_semaphore, #tpu.memory_space<semaphore_mem>>)
    %dma_start3A_399 = arith.constant 4 : i32
    %dma_start3A_400 = arith.constant 512 : i32
    %dma_start3A_401 = tpu.memref_slice %arg12[%dma_start3A_400] : memref<2560xf32, #tpu.memory_space<vmem>> -> memref<128xf32, #tpu.memory_space<vmem>>
    %dma_start3A_402 = arith.constant 0 : i32
    %dma_start3A_403 = tpu.memref_slice %arg13[%dma_start3A_399, %dma_start3A_402] : memref<20x128xi32, #tpu.memory_space<vmem>> -> memref<1x128xi32, #tpu.memory_space<vmem>>
    %dma_start3A_404 = tpu.memref_squeeze %dma_start3A_403 : memref<1x128xi32, #tpu.memory_space<vmem>> -> memref<128xi32, #tpu.memory_space<vmem>>
    %dma_start3A_405 = arith.constant 0 : i32
    %dma_start3A_406 = tpu.memref_slice %arg15[%dma_start3A_405] : memref<1048592xf32, #tpu.memory_space<vmem_shared>> -> memref<1048592xf32, #tpu.memory_space<vmem_shared>>
    tpu.enqueue_indirect_dma source(%dma_start3A_401 : memref<128xf32, #tpu.memory_space<vmem>>) target(%dma_start3A_406 : memref<1048592xf32, #tpu.memory_space<vmem_shared>>) offsets(%dma_start3A_404 : memref<128xi32, #tpu.memory_space<vmem>>) semaphore(%arg18 : memref<!tpu.dma_semaphore, #tpu.memory_space<semaphore_mem>>) {add = true}
    %dma_start3A_407 = arith.constant 5 : i32
    %dma_start3A_408 = arith.constant 640 : i32
    %dma_start3A_409 = tpu.memref_slice %arg12[%dma_start3A_408] : memref<2560xf32, #tpu.memory_space<vmem>> -> memref<128xf32, #tpu.memory_space<vmem>>
    %dma_start3A_410 = arith.constant 0 : i32
    %dma_start3A_411 = tpu.memref_slice %arg13[%dma_start3A_407, %dma_start3A_410] : memref<20x128xi32, #tpu.memory_space<vmem>> -> memref<1x128xi32, #tpu.memory_space<vmem>>
    %dma_start3A_412 = tpu.memref_squeeze %dma_start3A_411 : memref<1x128xi32, #tpu.memory_space<vmem>> -> memref<128xi32, #tpu.memory_space<vmem>>
    %dma_start3A_413 = arith.constant 0 : i32
    %dma_start3A_414 = tpu.memref_slice %arg15[%dma_start3A_413] : memref<1048592xf32, #tpu.memory_space<vmem_shared>> -> memref<1048592xf32, #tpu.memory_space<vmem_shared>>
    tpu.enqueue_indirect_dma source(%dma_start3A_409 : memref<128xf32, #tpu.memory_space<vmem>>) target(%dma_start3A_414 : memref<1048592xf32, #tpu.memory_space<vmem_shared>>) offsets(%dma_start3A_412 : memref<128xi32, #tpu.memory_space<vmem>>) semaphore(%arg18 : memref<!tpu.dma_semaphore, #tpu.memory_space<semaphore_mem>>) {add = true}
    %dma_start3A_415 = arith.constant 6 : i32
    %dma_start3A_416 = arith.constant 768 : i32
    %dma_start3A_417 = tpu.memref_slice %arg12[%dma_start3A_416] : memref<2560xf32, #tpu.memory_space<vmem>> -> memref<128xf32, #tpu.memory_space<vmem>>
    %dma_start3A_418 = arith.constant 0 : i32
    %dma_start3A_419 = tpu.memref_slice %arg13[%dma_start3A_415, %dma_start3A_418] : memref<20x128xi32, #tpu.memory_space<vmem>> -> memref<1x128xi32, #tpu.memory_space<vmem>>
    %dma_start3A_420 = tpu.memref_squeeze %dma_start3A_419 : memref<1x128xi32, #tpu.memory_space<vmem>> -> memref<128xi32, #tpu.memory_space<vmem>>
    %dma_start3A_421 = arith.constant 0 : i32
    %dma_start3A_422 = tpu.memref_slice %arg15[%dma_start3A_421] : memref<1048592xf32, #tpu.memory_space<vmem_shared>> -> memref<1048592xf32, #tpu.memory_space<vmem_shared>>
    tpu.enqueue_indirect_dma source(%dma_start3A_417 : memref<128xf32, #tpu.memory_space<vmem>>) target(%dma_start3A_422 : memref<1048592xf32, #tpu.memory_space<vmem_shared>>) offsets(%dma_start3A_420 : memref<128xi32, #tpu.memory_space<vmem>>) semaphore(%arg18 : memref<!tpu.dma_semaphore, #tpu.memory_space<semaphore_mem>>) {add = true}
    %dma_start3A_423 = arith.constant 7 : i32
    %dma_start3A_424 = arith.constant 896 : i32
    %dma_start3A_425 = tpu.memref_slice %arg12[%dma_start3A_424] : memref<2560xf32, #tpu.memory_space<vmem>> -> memref<128xf32, #tpu.memory_space<vmem>>
    %dma_start3A_426 = arith.constant 0 : i32
    %dma_start3A_427 = tpu.memref_slice %arg13[%dma_start3A_423, %dma_start3A_426] : memref<20x128xi32, #tpu.memory_space<vmem>> -> memref<1x128xi32, #tpu.memory_space<vmem>>
    %dma_start3A_428 = tpu.memref_squeeze %dma_start3A_427 : memref<1x128xi32, #tpu.memory_space<vmem>> -> memref<128xi32, #tpu.memory_space<vmem>>
    %dma_start3A_429 = arith.constant 0 : i32
    %dma_start3A_430 = tpu.memref_slice %arg15[%dma_start3A_429] : memref<1048592xf32, #tpu.memory_space<vmem_shared>> -> memref<1048592xf32, #tpu.memory_space<vmem_shared>>
    tpu.enqueue_indirect_dma source(%dma_start3A_425 : memref<128xf32, #tpu.memory_space<vmem>>) target(%dma_start3A_430 : memref<1048592xf32, #tpu.memory_space<vmem_shared>>) offsets(%dma_start3A_428 : memref<128xi32, #tpu.memory_space<vmem>>) semaphore(%arg18 : memref<!tpu.dma_semaphore, #tpu.memory_space<semaphore_mem>>) {add = true}
    %dma_start3A_431 = arith.constant 8 : i32
    %dma_start3A_432 = arith.constant 1024 : i32
    %dma_start3A_433 = tpu.memref_slice %arg12[%dma_start3A_432] : memref<2560xf32, #tpu.memory_space<vmem>> -> memref<128xf32, #tpu.memory_space<vmem>>
    %dma_start3A_434 = arith.constant 0 : i32
    %dma_start3A_435 = tpu.memref_slice %arg13[%dma_start3A_431, %dma_start3A_434] : memref<20x128xi32, #tpu.memory_space<vmem>> -> memref<1x128xi32, #tpu.memory_space<vmem>>
    %dma_start3A_436 = tpu.memref_squeeze %dma_start3A_435 : memref<1x128xi32, #tpu.memory_space<vmem>> -> memref<128xi32, #tpu.memory_space<vmem>>
    %dma_start3A_437 = arith.constant 0 : i32
    %dma_start3A_438 = tpu.memref_slice %arg15[%dma_start3A_437] : memref<1048592xf32, #tpu.memory_space<vmem_shared>> -> memref<1048592xf32, #tpu.memory_space<vmem_shared>>
    tpu.enqueue_indirect_dma source(%dma_start3A_433 : memref<128xf32, #tpu.memory_space<vmem>>) target(%dma_start3A_438 : memref<1048592xf32, #tpu.memory_space<vmem_shared>>) offsets(%dma_start3A_436 : memref<128xi32, #tpu.memory_space<vmem>>) semaphore(%arg18 : memref<!tpu.dma_semaphore, #tpu.memory_space<semaphore_mem>>) {add = true}
    %dma_start3A_439 = arith.constant 9 : i32
    %dma_start3A_440 = arith.constant 1152 : i32
    %dma_start3A_441 = tpu.memref_slice %arg12[%dma_start3A_440] : memref<2560xf32, #tpu.memory_space<vmem>> -> memref<128xf32, #tpu.memory_space<vmem>>
    %dma_start3A_442 = arith.constant 0 : i32
    %dma_start3A_443 = tpu.memref_slice %arg13[%dma_start3A_439, %dma_start3A_442] : memref<20x128xi32, #tpu.memory_space<vmem>> -> memref<1x128xi32, #tpu.memory_space<vmem>>
    %dma_start3A_444 = tpu.memref_squeeze %dma_start3A_443 : memref<1x128xi32, #tpu.memory_space<vmem>> -> memref<128xi32, #tpu.memory_space<vmem>>
    %dma_start3A_445 = arith.constant 0 : i32
    %dma_start3A_446 = tpu.memref_slice %arg15[%dma_start3A_445] : memref<1048592xf32, #tpu.memory_space<vmem_shared>> -> memref<1048592xf32, #tpu.memory_space<vmem_shared>>
    tpu.enqueue_indirect_dma source(%dma_start3A_441 : memref<128xf32, #tpu.memory_space<vmem>>) target(%dma_start3A_446 : memref<1048592xf32, #tpu.memory_space<vmem_shared>>) offsets(%dma_start3A_444 : memref<128xi32, #tpu.memory_space<vmem>>) semaphore(%arg18 : memref<!tpu.dma_semaphore, #tpu.memory_space<semaphore_mem>>) {add = true}
    %dma_start3A_447 = arith.constant 10 : i32
    %dma_start3A_448 = arith.constant 1280 : i32
    %dma_start3A_449 = tpu.memref_slice %arg12[%dma_start3A_448] : memref<2560xf32, #tpu.memory_space<vmem>> -> memref<128xf32, #tpu.memory_space<vmem>>
    %dma_start3A_450 = arith.constant 0 : i32
    %dma_start3A_451 = tpu.memref_slice %arg13[%dma_start3A_447, %dma_start3A_450] : memref<20x128xi32, #tpu.memory_space<vmem>> -> memref<1x128xi32, #tpu.memory_space<vmem>>
    %dma_start3A_452 = tpu.memref_squeeze %dma_start3A_451 : memref<1x128xi32, #tpu.memory_space<vmem>> -> memref<128xi32, #tpu.memory_space<vmem>>
    %dma_start3A_453 = arith.constant 0 : i32
    %dma_start3A_454 = tpu.memref_slice %arg15[%dma_start3A_453] : memref<1048592xf32, #tpu.memory_space<vmem_shared>> -> memref<1048592xf32, #tpu.memory_space<vmem_shared>>
    tpu.enqueue_indirect_dma source(%dma_start3A_449 : memref<128xf32, #tpu.memory_space<vmem>>) target(%dma_start3A_454 : memref<1048592xf32, #tpu.memory_space<vmem_shared>>) offsets(%dma_start3A_452 : memref<128xi32, #tpu.memory_space<vmem>>) semaphore(%arg18 : memref<!tpu.dma_semaphore, #tpu.memory_space<semaphore_mem>>) {add = true}
    %dma_start3A_455 = arith.constant 11 : i32
    %dma_start3A_456 = arith.constant 1408 : i32
    %dma_start3A_457 = tpu.memref_slice %arg12[%dma_start3A_456] : memref<2560xf32, #tpu.memory_space<vmem>> -> memref<128xf32, #tpu.memory_space<vmem>>
    %dma_start3A_458 = arith.constant 0 : i32
    %dma_start3A_459 = tpu.memref_slice %arg13[%dma_start3A_455, %dma_start3A_458] : memref<20x128xi32, #tpu.memory_space<vmem>> -> memref<1x128xi32, #tpu.memory_space<vmem>>
    %dma_start3A_460 = tpu.memref_squeeze %dma_start3A_459 : memref<1x128xi32, #tpu.memory_space<vmem>> -> memref<128xi32, #tpu.memory_space<vmem>>
    %dma_start3A_461 = arith.constant 0 : i32
    %dma_start3A_462 = tpu.memref_slice %arg15[%dma_start3A_461] : memref<1048592xf32, #tpu.memory_space<vmem_shared>> -> memref<1048592xf32, #tpu.memory_space<vmem_shared>>
    tpu.enqueue_indirect_dma source(%dma_start3A_457 : memref<128xf32, #tpu.memory_space<vmem>>) target(%dma_start3A_462 : memref<1048592xf32, #tpu.memory_space<vmem_shared>>) offsets(%dma_start3A_460 : memref<128xi32, #tpu.memory_space<vmem>>) semaphore(%arg18 : memref<!tpu.dma_semaphore, #tpu.memory_space<semaphore_mem>>) {add = true}
    %dma_start3A_463 = arith.constant 12 : i32
    %dma_start3A_464 = arith.constant 1536 : i32
    %dma_start3A_465 = tpu.memref_slice %arg12[%dma_start3A_464] : memref<2560xf32, #tpu.memory_space<vmem>> -> memref<128xf32, #tpu.memory_space<vmem>>
    %dma_start3A_466 = arith.constant 0 : i32
    %dma_start3A_467 = tpu.memref_slice %arg13[%dma_start3A_463, %dma_start3A_466] : memref<20x128xi32, #tpu.memory_space<vmem>> -> memref<1x128xi32, #tpu.memory_space<vmem>>
    %dma_start3A_468 = tpu.memref_squeeze %dma_start3A_467 : memref<1x128xi32, #tpu.memory_space<vmem>> -> memref<128xi32, #tpu.memory_space<vmem>>
    %dma_start3A_469 = arith.constant 0 : i32
    %dma_start3A_470 = tpu.memref_slice %arg15[%dma_start3A_469] : memref<1048592xf32, #tpu.memory_space<vmem_shared>> -> memref<1048592xf32, #tpu.memory_space<vmem_shared>>
    tpu.enqueue_indirect_dma source(%dma_start3A_465 : memref<128xf32, #tpu.memory_space<vmem>>) target(%dma_start3A_470 : memref<1048592xf32, #tpu.memory_space<vmem_shared>>) offsets(%dma_start3A_468 : memref<128xi32, #tpu.memory_space<vmem>>) semaphore(%arg18 : memref<!tpu.dma_semaphore, #tpu.memory_space<semaphore_mem>>) {add = true}
    %dma_start3A_471 = arith.constant 13 : i32
    %dma_start3A_472 = arith.constant 1664 : i32
    %dma_start3A_473 = tpu.memref_slice %arg12[%dma_start3A_472] : memref<2560xf32, #tpu.memory_space<vmem>> -> memref<128xf32, #tpu.memory_space<vmem>>
    %dma_start3A_474 = arith.constant 0 : i32
    %dma_start3A_475 = tpu.memref_slice %arg13[%dma_start3A_471, %dma_start3A_474] : memref<20x128xi32, #tpu.memory_space<vmem>> -> memref<1x128xi32, #tpu.memory_space<vmem>>
    %dma_start3A_476 = tpu.memref_squeeze %dma_start3A_475 : memref<1x128xi32, #tpu.memory_space<vmem>> -> memref<128xi32, #tpu.memory_space<vmem>>
    %dma_start3A_477 = arith.constant 0 : i32
    %dma_start3A_478 = tpu.memref_slice %arg15[%dma_start3A_477] : memref<1048592xf32, #tpu.memory_space<vmem_shared>> -> memref<1048592xf32, #tpu.memory_space<vmem_shared>>
    tpu.enqueue_indirect_dma source(%dma_start3A_473 : memref<128xf32, #tpu.memory_space<vmem>>) target(%dma_start3A_478 : memref<1048592xf32, #tpu.memory_space<vmem_shared>>) offsets(%dma_start3A_476 : memref<128xi32, #tpu.memory_space<vmem>>) semaphore(%arg18 : memref<!tpu.dma_semaphore, #tpu.memory_space<semaphore_mem>>) {add = true}
    %dma_start3A_479 = arith.constant 14 : i32
    %dma_start3A_480 = arith.constant 1792 : i32
    %dma_start3A_481 = tpu.memref_slice %arg12[%dma_start3A_480] : memref<2560xf32, #tpu.memory_space<vmem>> -> memref<128xf32, #tpu.memory_space<vmem>>
    %dma_start3A_482 = arith.constant 0 : i32
    %dma_start3A_483 = tpu.memref_slice %arg13[%dma_start3A_479, %dma_start3A_482] : memref<20x128xi32, #tpu.memory_space<vmem>> -> memref<1x128xi32, #tpu.memory_space<vmem>>
    %dma_start3A_484 = tpu.memref_squeeze %dma_start3A_483 : memref<1x128xi32, #tpu.memory_space<vmem>> -> memref<128xi32, #tpu.memory_space<vmem>>
    %dma_start3A_485 = arith.constant 0 : i32
    %dma_start3A_486 = tpu.memref_slice %arg15[%dma_start3A_485] : memref<1048592xf32, #tpu.memory_space<vmem_shared>> -> memref<1048592xf32, #tpu.memory_space<vmem_shared>>
    tpu.enqueue_indirect_dma source(%dma_start3A_481 : memref<128xf32, #tpu.memory_space<vmem>>) target(%dma_start3A_486 : memref<1048592xf32, #tpu.memory_space<vmem_shared>>) offsets(%dma_start3A_484 : memref<128xi32, #tpu.memory_space<vmem>>) semaphore(%arg18 : memref<!tpu.dma_semaphore, #tpu.memory_space<semaphore_mem>>) {add = true}
    %dma_start3A_487 = arith.constant 15 : i32
    %dma_start3A_488 = arith.constant 1920 : i32
    %dma_start3A_489 = tpu.memref_slice %arg12[%dma_start3A_488] : memref<2560xf32, #tpu.memory_space<vmem>> -> memref<128xf32, #tpu.memory_space<vmem>>
    %dma_start3A_490 = arith.constant 0 : i32
    %dma_start3A_491 = tpu.memref_slice %arg13[%dma_start3A_487, %dma_start3A_490] : memref<20x128xi32, #tpu.memory_space<vmem>> -> memref<1x128xi32, #tpu.memory_space<vmem>>
    %dma_start3A_492 = tpu.memref_squeeze %dma_start3A_491 : memref<1x128xi32, #tpu.memory_space<vmem>> -> memref<128xi32, #tpu.memory_space<vmem>>
    %dma_start3A_493 = arith.constant 0 : i32
    %dma_start3A_494 = tpu.memref_slice %arg15[%dma_start3A_493] : memref<1048592xf32, #tpu.memory_space<vmem_shared>> -> memref<1048592xf32, #tpu.memory_space<vmem_shared>>
    tpu.enqueue_indirect_dma source(%dma_start3A_489 : memref<128xf32, #tpu.memory_space<vmem>>) target(%dma_start3A_494 : memref<1048592xf32, #tpu.memory_space<vmem_shared>>) offsets(%dma_start3A_492 : memref<128xi32, #tpu.memory_space<vmem>>) semaphore(%arg18 : memref<!tpu.dma_semaphore, #tpu.memory_space<semaphore_mem>>) {add = true}
    %dma_start3A_495 = arith.constant 16 : i32
    %dma_start3A_496 = arith.constant 2048 : i32
    %dma_start3A_497 = tpu.memref_slice %arg12[%dma_start3A_496] : memref<2560xf32, #tpu.memory_space<vmem>> -> memref<128xf32, #tpu.memory_space<vmem>>
    %dma_start3A_498 = arith.constant 0 : i32
    %dma_start3A_499 = tpu.memref_slice %arg13[%dma_start3A_495, %dma_start3A_498] : memref<20x128xi32, #tpu.memory_space<vmem>> -> memref<1x128xi32, #tpu.memory_space<vmem>>
    %dma_start3A_500 = tpu.memref_squeeze %dma_start3A_499 : memref<1x128xi32, #tpu.memory_space<vmem>> -> memref<128xi32, #tpu.memory_space<vmem>>
    %dma_start3A_501 = arith.constant 0 : i32
    %dma_start3A_502 = tpu.memref_slice %arg15[%dma_start3A_501] : memref<1048592xf32, #tpu.memory_space<vmem_shared>> -> memref<1048592xf32, #tpu.memory_space<vmem_shared>>
    tpu.enqueue_indirect_dma source(%dma_start3A_497 : memref<128xf32, #tpu.memory_space<vmem>>) target(%dma_start3A_502 : memref<1048592xf32, #tpu.memory_space<vmem_shared>>) offsets(%dma_start3A_500 : memref<128xi32, #tpu.memory_space<vmem>>) semaphore(%arg18 : memref<!tpu.dma_semaphore, #tpu.memory_space<semaphore_mem>>) {add = true}
    %dma_start3A_503 = arith.constant 17 : i32
    %dma_start3A_504 = arith.constant 2176 : i32
    %dma_start3A_505 = tpu.memref_slice %arg12[%dma_start3A_504] : memref<2560xf32, #tpu.memory_space<vmem>> -> memref<128xf32, #tpu.memory_space<vmem>>
    %dma_start3A_506 = arith.constant 0 : i32
    %dma_start3A_507 = tpu.memref_slice %arg13[%dma_start3A_503, %dma_start3A_506] : memref<20x128xi32, #tpu.memory_space<vmem>> -> memref<1x128xi32, #tpu.memory_space<vmem>>
    %dma_start3A_508 = tpu.memref_squeeze %dma_start3A_507 : memref<1x128xi32, #tpu.memory_space<vmem>> -> memref<128xi32, #tpu.memory_space<vmem>>
    %dma_start3A_509 = arith.constant 0 : i32
    %dma_start3A_510 = tpu.memref_slice %arg15[%dma_start3A_509] : memref<1048592xf32, #tpu.memory_space<vmem_shared>> -> memref<1048592xf32, #tpu.memory_space<vmem_shared>>
    tpu.enqueue_indirect_dma source(%dma_start3A_505 : memref<128xf32, #tpu.memory_space<vmem>>) target(%dma_start3A_510 : memref<1048592xf32, #tpu.memory_space<vmem_shared>>) offsets(%dma_start3A_508 : memref<128xi32, #tpu.memory_space<vmem>>) semaphore(%arg18 : memref<!tpu.dma_semaphore, #tpu.memory_space<semaphore_mem>>) {add = true}
    %dma_start3A_511 = arith.constant 18 : i32
    %dma_start3A_512 = arith.constant 2304 : i32
    %dma_start3A_513 = tpu.memref_slice %arg12[%dma_start3A_512] : memref<2560xf32, #tpu.memory_space<vmem>> -> memref<128xf32, #tpu.memory_space<vmem>>
    %dma_start3A_514 = arith.constant 0 : i32
    %dma_start3A_515 = tpu.memref_slice %arg13[%dma_start3A_511, %dma_start3A_514] : memref<20x128xi32, #tpu.memory_space<vmem>> -> memref<1x128xi32, #tpu.memory_space<vmem>>
    %dma_start3A_516 = tpu.memref_squeeze %dma_start3A_515 : memref<1x128xi32, #tpu.memory_space<vmem>> -> memref<128xi32, #tpu.memory_space<vmem>>
    %dma_start3A_517 = arith.constant 0 : i32
    %dma_start3A_518 = tpu.memref_slice %arg15[%dma_start3A_517] : memref<1048592xf32, #tpu.memory_space<vmem_shared>> -> memref<1048592xf32, #tpu.memory_space<vmem_shared>>
    tpu.enqueue_indirect_dma source(%dma_start3A_513 : memref<128xf32, #tpu.memory_space<vmem>>) target(%dma_start3A_518 : memref<1048592xf32, #tpu.memory_space<vmem_shared>>) offsets(%dma_start3A_516 : memref<128xi32, #tpu.memory_space<vmem>>) semaphore(%arg18 : memref<!tpu.dma_semaphore, #tpu.memory_space<semaphore_mem>>) {add = true}
    %dma_start3A_519 = arith.constant 19 : i32
    %dma_start3A_520 = arith.constant 2432 : i32
    %dma_start3A_521 = tpu.memref_slice %arg12[%dma_start3A_520] : memref<2560xf32, #tpu.memory_space<vmem>> -> memref<128xf32, #tpu.memory_space<vmem>>
    %dma_start3A_522 = arith.constant 0 : i32
    %dma_start3A_523 = tpu.memref_slice %arg13[%dma_start3A_519, %dma_start3A_522] : memref<20x128xi32, #tpu.memory_space<vmem>> -> memref<1x128xi32, #tpu.memory_space<vmem>>
    %dma_start3A_524 = tpu.memref_squeeze %dma_start3A_523 : memref<1x128xi32, #tpu.memory_space<vmem>> -> memref<128xi32, #tpu.memory_space<vmem>>
    %dma_start3A_525 = arith.constant 0 : i32
    %dma_start3A_526 = tpu.memref_slice %arg15[%dma_start3A_525] : memref<1048592xf32, #tpu.memory_space<vmem_shared>> -> memref<1048592xf32, #tpu.memory_space<vmem_shared>>
    tpu.enqueue_indirect_dma source(%dma_start3A_521 : memref<128xf32, #tpu.memory_space<vmem>>) target(%dma_start3A_526 : memref<1048592xf32, #tpu.memory_space<vmem_shared>>) offsets(%dma_start3A_524 : memref<128xi32, #tpu.memory_space<vmem>>) semaphore(%arg18 : memref<!tpu.dma_semaphore, #tpu.memory_space<semaphore_mem>>) {add = true}
    %dma_wait3A_527 = arith.constant 4 : i32
    %dma_wait3A_528 = arith.constant 512 : i32
    %dma_wait3A_529 = tpu.memref_slice %arg12[%dma_wait3A_528] : memref<2560xf32, #tpu.memory_space<vmem>> -> memref<128xf32, #tpu.memory_space<vmem>>
    %dma_wait3A_530 = arith.constant 0 : i32
    %dma_wait3A_531 = tpu.memref_slice %arg13[%dma_wait3A_527, %dma_wait3A_530] : memref<20x128xi32, #tpu.memory_space<vmem>> -> memref<1x128xi32, #tpu.memory_space<vmem>>
    %dma_wait3A_532 = tpu.memref_squeeze %dma_wait3A_531 : memref<1x128xi32, #tpu.memory_space<vmem>> -> memref<128xi32, #tpu.memory_space<vmem>>
    %dma_wait3A_533 = arith.constant 0 : i32
    %dma_wait3A_534 = tpu.memref_slice %arg15[%dma_wait3A_533] : memref<1048592xf32, #tpu.memory_space<vmem_shared>> -> memref<1048592xf32, #tpu.memory_space<vmem_shared>>
    tpu.wait_indirect_dma semaphore(%arg18 : memref<!tpu.dma_semaphore, #tpu.memory_space<semaphore_mem>>) src(%dma_wait3A_529 : memref<128xf32, #tpu.memory_space<vmem>>) dst(%dma_wait3A_534 : memref<1048592xf32, #tpu.memory_space<vmem_shared>>)
    %dma_wait3A_535 = arith.constant 5 : i32
    %dma_wait3A_536 = arith.constant 640 : i32
    %dma_wait3A_537 = tpu.memref_slice %arg12[%dma_wait3A_536] : memref<2560xf32, #tpu.memory_space<vmem>> -> memref<128xf32, #tpu.memory_space<vmem>>
    %dma_wait3A_538 = arith.constant 0 : i32
    %dma_wait3A_539 = tpu.memref_slice %arg13[%dma_wait3A_535, %dma_wait3A_538] : memref<20x128xi32, #tpu.memory_space<vmem>> -> memref<1x128xi32, #tpu.memory_space<vmem>>
    %dma_wait3A_540 = tpu.memref_squeeze %dma_wait3A_539 : memref<1x128xi32, #tpu.memory_space<vmem>> -> memref<128xi32, #tpu.memory_space<vmem>>
    %dma_wait3A_541 = arith.constant 0 : i32
    %dma_wait3A_542 = tpu.memref_slice %arg15[%dma_wait3A_541] : memref<1048592xf32, #tpu.memory_space<vmem_shared>> -> memref<1048592xf32, #tpu.memory_space<vmem_shared>>
    tpu.wait_indirect_dma semaphore(%arg18 : memref<!tpu.dma_semaphore, #tpu.memory_space<semaphore_mem>>) src(%dma_wait3A_537 : memref<128xf32, #tpu.memory_space<vmem>>) dst(%dma_wait3A_542 : memref<1048592xf32, #tpu.memory_space<vmem_shared>>)
    %dma_wait3A_543 = arith.constant 6 : i32
    %dma_wait3A_544 = arith.constant 768 : i32
    %dma_wait3A_545 = tpu.memref_slice %arg12[%dma_wait3A_544] : memref<2560xf32, #tpu.memory_space<vmem>> -> memref<128xf32, #tpu.memory_space<vmem>>
    %dma_wait3A_546 = arith.constant 0 : i32
    %dma_wait3A_547 = tpu.memref_slice %arg13[%dma_wait3A_543, %dma_wait3A_546] : memref<20x128xi32, #tpu.memory_space<vmem>> -> memref<1x128xi32, #tpu.memory_space<vmem>>
    %dma_wait3A_548 = tpu.memref_squeeze %dma_wait3A_547 : memref<1x128xi32, #tpu.memory_space<vmem>> -> memref<128xi32, #tpu.memory_space<vmem>>
    %dma_wait3A_549 = arith.constant 0 : i32
    %dma_wait3A_550 = tpu.memref_slice %arg15[%dma_wait3A_549] : memref<1048592xf32, #tpu.memory_space<vmem_shared>> -> memref<1048592xf32, #tpu.memory_space<vmem_shared>>
    tpu.wait_indirect_dma semaphore(%arg18 : memref<!tpu.dma_semaphore, #tpu.memory_space<semaphore_mem>>) src(%dma_wait3A_545 : memref<128xf32, #tpu.memory_space<vmem>>) dst(%dma_wait3A_550 : memref<1048592xf32, #tpu.memory_space<vmem_shared>>)
    %dma_wait3A_551 = arith.constant 7 : i32
    %dma_wait3A_552 = arith.constant 896 : i32
    %dma_wait3A_553 = tpu.memref_slice %arg12[%dma_wait3A_552] : memref<2560xf32, #tpu.memory_space<vmem>> -> memref<128xf32, #tpu.memory_space<vmem>>
    %dma_wait3A_554 = arith.constant 0 : i32
    %dma_wait3A_555 = tpu.memref_slice %arg13[%dma_wait3A_551, %dma_wait3A_554] : memref<20x128xi32, #tpu.memory_space<vmem>> -> memref<1x128xi32, #tpu.memory_space<vmem>>
    %dma_wait3A_556 = tpu.memref_squeeze %dma_wait3A_555 : memref<1x128xi32, #tpu.memory_space<vmem>> -> memref<128xi32, #tpu.memory_space<vmem>>
    %dma_wait3A_557 = arith.constant 0 : i32
    %dma_wait3A_558 = tpu.memref_slice %arg15[%dma_wait3A_557] : memref<1048592xf32, #tpu.memory_space<vmem_shared>> -> memref<1048592xf32, #tpu.memory_space<vmem_shared>>
    tpu.wait_indirect_dma semaphore(%arg18 : memref<!tpu.dma_semaphore, #tpu.memory_space<semaphore_mem>>) src(%dma_wait3A_553 : memref<128xf32, #tpu.memory_space<vmem>>) dst(%dma_wait3A_558 : memref<1048592xf32, #tpu.memory_space<vmem_shared>>)
    %dma_wait3A_559 = arith.constant 8 : i32
    %dma_wait3A_560 = arith.constant 1024 : i32
    %dma_wait3A_561 = tpu.memref_slice %arg12[%dma_wait3A_560] : memref<2560xf32, #tpu.memory_space<vmem>> -> memref<128xf32, #tpu.memory_space<vmem>>
    %dma_wait3A_562 = arith.constant 0 : i32
    %dma_wait3A_563 = tpu.memref_slice %arg13[%dma_wait3A_559, %dma_wait3A_562] : memref<20x128xi32, #tpu.memory_space<vmem>> -> memref<1x128xi32, #tpu.memory_space<vmem>>
    %dma_wait3A_564 = tpu.memref_squeeze %dma_wait3A_563 : memref<1x128xi32, #tpu.memory_space<vmem>> -> memref<128xi32, #tpu.memory_space<vmem>>
    %dma_wait3A_565 = arith.constant 0 : i32
    %dma_wait3A_566 = tpu.memref_slice %arg15[%dma_wait3A_565] : memref<1048592xf32, #tpu.memory_space<vmem_shared>> -> memref<1048592xf32, #tpu.memory_space<vmem_shared>>
    tpu.wait_indirect_dma semaphore(%arg18 : memref<!tpu.dma_semaphore, #tpu.memory_space<semaphore_mem>>) src(%dma_wait3A_561 : memref<128xf32, #tpu.memory_space<vmem>>) dst(%dma_wait3A_566 : memref<1048592xf32, #tpu.memory_space<vmem_shared>>)
    %dma_wait3A_567 = arith.constant 9 : i32
    %dma_wait3A_568 = arith.constant 1152 : i32
    %dma_wait3A_569 = tpu.memref_slice %arg12[%dma_wait3A_568] : memref<2560xf32, #tpu.memory_space<vmem>> -> memref<128xf32, #tpu.memory_space<vmem>>
    %dma_wait3A_570 = arith.constant 0 : i32
    %dma_wait3A_571 = tpu.memref_slice %arg13[%dma_wait3A_567, %dma_wait3A_570] : memref<20x128xi32, #tpu.memory_space<vmem>> -> memref<1x128xi32, #tpu.memory_space<vmem>>
    %dma_wait3A_572 = tpu.memref_squeeze %dma_wait3A_571 : memref<1x128xi32, #tpu.memory_space<vmem>> -> memref<128xi32, #tpu.memory_space<vmem>>
    %dma_wait3A_573 = arith.constant 0 : i32
    %dma_wait3A_574 = tpu.memref_slice %arg15[%dma_wait3A_573] : memref<1048592xf32, #tpu.memory_space<vmem_shared>> -> memref<1048592xf32, #tpu.memory_space<vmem_shared>>
    tpu.wait_indirect_dma semaphore(%arg18 : memref<!tpu.dma_semaphore, #tpu.memory_space<semaphore_mem>>) src(%dma_wait3A_569 : memref<128xf32, #tpu.memory_space<vmem>>) dst(%dma_wait3A_574 : memref<1048592xf32, #tpu.memory_space<vmem_shared>>)
    %dma_wait3A_575 = arith.constant 10 : i32
    %dma_wait3A_576 = arith.constant 1280 : i32
    %dma_wait3A_577 = tpu.memref_slice %arg12[%dma_wait3A_576] : memref<2560xf32, #tpu.memory_space<vmem>> -> memref<128xf32, #tpu.memory_space<vmem>>
    %dma_wait3A_578 = arith.constant 0 : i32
    %dma_wait3A_579 = tpu.memref_slice %arg13[%dma_wait3A_575, %dma_wait3A_578] : memref<20x128xi32, #tpu.memory_space<vmem>> -> memref<1x128xi32, #tpu.memory_space<vmem>>
    %dma_wait3A_580 = tpu.memref_squeeze %dma_wait3A_579 : memref<1x128xi32, #tpu.memory_space<vmem>> -> memref<128xi32, #tpu.memory_space<vmem>>
    %dma_wait3A_581 = arith.constant 0 : i32
    %dma_wait3A_582 = tpu.memref_slice %arg15[%dma_wait3A_581] : memref<1048592xf32, #tpu.memory_space<vmem_shared>> -> memref<1048592xf32, #tpu.memory_space<vmem_shared>>
    tpu.wait_indirect_dma semaphore(%arg18 : memref<!tpu.dma_semaphore, #tpu.memory_space<semaphore_mem>>) src(%dma_wait3A_577 : memref<128xf32, #tpu.memory_space<vmem>>) dst(%dma_wait3A_582 : memref<1048592xf32, #tpu.memory_space<vmem_shared>>)
    %dma_wait3A_583 = arith.constant 11 : i32
    %dma_wait3A_584 = arith.constant 1408 : i32
    %dma_wait3A_585 = tpu.memref_slice %arg12[%dma_wait3A_584] : memref<2560xf32, #tpu.memory_space<vmem>> -> memref<128xf32, #tpu.memory_space<vmem>>
    %dma_wait3A_586 = arith.constant 0 : i32
    %dma_wait3A_587 = tpu.memref_slice %arg13[%dma_wait3A_583, %dma_wait3A_586] : memref<20x128xi32, #tpu.memory_space<vmem>> -> memref<1x128xi32, #tpu.memory_space<vmem>>
    %dma_wait3A_588 = tpu.memref_squeeze %dma_wait3A_587 : memref<1x128xi32, #tpu.memory_space<vmem>> -> memref<128xi32, #tpu.memory_space<vmem>>
    %dma_wait3A_589 = arith.constant 0 : i32
    %dma_wait3A_590 = tpu.memref_slice %arg15[%dma_wait3A_589] : memref<1048592xf32, #tpu.memory_space<vmem_shared>> -> memref<1048592xf32, #tpu.memory_space<vmem_shared>>
    tpu.wait_indirect_dma semaphore(%arg18 : memref<!tpu.dma_semaphore, #tpu.memory_space<semaphore_mem>>) src(%dma_wait3A_585 : memref<128xf32, #tpu.memory_space<vmem>>) dst(%dma_wait3A_590 : memref<1048592xf32, #tpu.memory_space<vmem_shared>>)
    %dma_wait3A_591 = arith.constant 12 : i32
    %dma_wait3A_592 = arith.constant 1536 : i32
    %dma_wait3A_593 = tpu.memref_slice %arg12[%dma_wait3A_592] : memref<2560xf32, #tpu.memory_space<vmem>> -> memref<128xf32, #tpu.memory_space<vmem>>
    %dma_wait3A_594 = arith.constant 0 : i32
    %dma_wait3A_595 = tpu.memref_slice %arg13[%dma_wait3A_591, %dma_wait3A_594] : memref<20x128xi32, #tpu.memory_space<vmem>> -> memref<1x128xi32, #tpu.memory_space<vmem>>
    %dma_wait3A_596 = tpu.memref_squeeze %dma_wait3A_595 : memref<1x128xi32, #tpu.memory_space<vmem>> -> memref<128xi32, #tpu.memory_space<vmem>>
    %dma_wait3A_597 = arith.constant 0 : i32
    %dma_wait3A_598 = tpu.memref_slice %arg15[%dma_wait3A_597] : memref<1048592xf32, #tpu.memory_space<vmem_shared>> -> memref<1048592xf32, #tpu.memory_space<vmem_shared>>
    tpu.wait_indirect_dma semaphore(%arg18 : memref<!tpu.dma_semaphore, #tpu.memory_space<semaphore_mem>>) src(%dma_wait3A_593 : memref<128xf32, #tpu.memory_space<vmem>>) dst(%dma_wait3A_598 : memref<1048592xf32, #tpu.memory_space<vmem_shared>>)
    %dma_wait3A_599 = arith.constant 13 : i32
    %dma_wait3A_600 = arith.constant 1664 : i32
    %dma_wait3A_601 = tpu.memref_slice %arg12[%dma_wait3A_600] : memref<2560xf32, #tpu.memory_space<vmem>> -> memref<128xf32, #tpu.memory_space<vmem>>
    %dma_wait3A_602 = arith.constant 0 : i32
    %dma_wait3A_603 = tpu.memref_slice %arg13[%dma_wait3A_599, %dma_wait3A_602] : memref<20x128xi32, #tpu.memory_space<vmem>> -> memref<1x128xi32, #tpu.memory_space<vmem>>
    %dma_wait3A_604 = tpu.memref_squeeze %dma_wait3A_603 : memref<1x128xi32, #tpu.memory_space<vmem>> -> memref<128xi32, #tpu.memory_space<vmem>>
    %dma_wait3A_605 = arith.constant 0 : i32
    %dma_wait3A_606 = tpu.memref_slice %arg15[%dma_wait3A_605] : memref<1048592xf32, #tpu.memory_space<vmem_shared>> -> memref<1048592xf32, #tpu.memory_space<vmem_shared>>
    tpu.wait_indirect_dma semaphore(%arg18 : memref<!tpu.dma_semaphore, #tpu.memory_space<semaphore_mem>>) src(%dma_wait3A_601 : memref<128xf32, #tpu.memory_space<vmem>>) dst(%dma_wait3A_606 : memref<1048592xf32, #tpu.memory_space<vmem_shared>>)
    %dma_wait3A_607 = arith.constant 14 : i32
    %dma_wait3A_608 = arith.constant 1792 : i32
    %dma_wait3A_609 = tpu.memref_slice %arg12[%dma_wait3A_608] : memref<2560xf32, #tpu.memory_space<vmem>> -> memref<128xf32, #tpu.memory_space<vmem>>
    %dma_wait3A_610 = arith.constant 0 : i32
    %dma_wait3A_611 = tpu.memref_slice %arg13[%dma_wait3A_607, %dma_wait3A_610] : memref<20x128xi32, #tpu.memory_space<vmem>> -> memref<1x128xi32, #tpu.memory_space<vmem>>
    %dma_wait3A_612 = tpu.memref_squeeze %dma_wait3A_611 : memref<1x128xi32, #tpu.memory_space<vmem>> -> memref<128xi32, #tpu.memory_space<vmem>>
    %dma_wait3A_613 = arith.constant 0 : i32
    %dma_wait3A_614 = tpu.memref_slice %arg15[%dma_wait3A_613] : memref<1048592xf32, #tpu.memory_space<vmem_shared>> -> memref<1048592xf32, #tpu.memory_space<vmem_shared>>
    tpu.wait_indirect_dma semaphore(%arg18 : memref<!tpu.dma_semaphore, #tpu.memory_space<semaphore_mem>>) src(%dma_wait3A_609 : memref<128xf32, #tpu.memory_space<vmem>>) dst(%dma_wait3A_614 : memref<1048592xf32, #tpu.memory_space<vmem_shared>>)
    %dma_wait3A_615 = arith.constant 15 : i32
    %dma_wait3A_616 = arith.constant 1920 : i32
    %dma_wait3A_617 = tpu.memref_slice %arg12[%dma_wait3A_616] : memref<2560xf32, #tpu.memory_space<vmem>> -> memref<128xf32, #tpu.memory_space<vmem>>
    %dma_wait3A_618 = arith.constant 0 : i32
    %dma_wait3A_619 = tpu.memref_slice %arg13[%dma_wait3A_615, %dma_wait3A_618] : memref<20x128xi32, #tpu.memory_space<vmem>> -> memref<1x128xi32, #tpu.memory_space<vmem>>
    %dma_wait3A_620 = tpu.memref_squeeze %dma_wait3A_619 : memref<1x128xi32, #tpu.memory_space<vmem>> -> memref<128xi32, #tpu.memory_space<vmem>>
    %dma_wait3A_621 = arith.constant 0 : i32
    %dma_wait3A_622 = tpu.memref_slice %arg15[%dma_wait3A_621] : memref<1048592xf32, #tpu.memory_space<vmem_shared>> -> memref<1048592xf32, #tpu.memory_space<vmem_shared>>
    tpu.wait_indirect_dma semaphore(%arg18 : memref<!tpu.dma_semaphore, #tpu.memory_space<semaphore_mem>>) src(%dma_wait3A_617 : memref<128xf32, #tpu.memory_space<vmem>>) dst(%dma_wait3A_622 : memref<1048592xf32, #tpu.memory_space<vmem_shared>>)
    %dma_wait3A_623 = arith.constant 16 : i32
    %dma_wait3A_624 = arith.constant 2048 : i32
    %dma_wait3A_625 = tpu.memref_slice %arg12[%dma_wait3A_624] : memref<2560xf32, #tpu.memory_space<vmem>> -> memref<128xf32, #tpu.memory_space<vmem>>
    %dma_wait3A_626 = arith.constant 0 : i32
    %dma_wait3A_627 = tpu.memref_slice %arg13[%dma_wait3A_623, %dma_wait3A_626] : memref<20x128xi32, #tpu.memory_space<vmem>> -> memref<1x128xi32, #tpu.memory_space<vmem>>
    %dma_wait3A_628 = tpu.memref_squeeze %dma_wait3A_627 : memref<1x128xi32, #tpu.memory_space<vmem>> -> memref<128xi32, #tpu.memory_space<vmem>>
    %dma_wait3A_629 = arith.constant 0 : i32
    %dma_wait3A_630 = tpu.memref_slice %arg15[%dma_wait3A_629] : memref<1048592xf32, #tpu.memory_space<vmem_shared>> -> memref<1048592xf32, #tpu.memory_space<vmem_shared>>
    tpu.wait_indirect_dma semaphore(%arg18 : memref<!tpu.dma_semaphore, #tpu.memory_space<semaphore_mem>>) src(%dma_wait3A_625 : memref<128xf32, #tpu.memory_space<vmem>>) dst(%dma_wait3A_630 : memref<1048592xf32, #tpu.memory_space<vmem_shared>>)
    %dma_wait3A_631 = arith.constant 17 : i32
    %dma_wait3A_632 = arith.constant 2176 : i32
    %dma_wait3A_633 = tpu.memref_slice %arg12[%dma_wait3A_632] : memref<2560xf32, #tpu.memory_space<vmem>> -> memref<128xf32, #tpu.memory_space<vmem>>
    %dma_wait3A_634 = arith.constant 0 : i32
    %dma_wait3A_635 = tpu.memref_slice %arg13[%dma_wait3A_631, %dma_wait3A_634] : memref<20x128xi32, #tpu.memory_space<vmem>> -> memref<1x128xi32, #tpu.memory_space<vmem>>
    %dma_wait3A_636 = tpu.memref_squeeze %dma_wait3A_635 : memref<1x128xi32, #tpu.memory_space<vmem>> -> memref<128xi32, #tpu.memory_space<vmem>>
    %dma_wait3A_637 = arith.constant 0 : i32
    %dma_wait3A_638 = tpu.memref_slice %arg15[%dma_wait3A_637] : memref<1048592xf32, #tpu.memory_space<vmem_shared>> -> memref<1048592xf32, #tpu.memory_space<vmem_shared>>
    tpu.wait_indirect_dma semaphore(%arg18 : memref<!tpu.dma_semaphore, #tpu.memory_space<semaphore_mem>>) src(%dma_wait3A_633 : memref<128xf32, #tpu.memory_space<vmem>>) dst(%dma_wait3A_638 : memref<1048592xf32, #tpu.memory_space<vmem_shared>>)
    %dma_wait3A_639 = arith.constant 18 : i32
    %dma_wait3A_640 = arith.constant 2304 : i32
    %dma_wait3A_641 = tpu.memref_slice %arg12[%dma_wait3A_640] : memref<2560xf32, #tpu.memory_space<vmem>> -> memref<128xf32, #tpu.memory_space<vmem>>
    %dma_wait3A_642 = arith.constant 0 : i32
    %dma_wait3A_643 = tpu.memref_slice %arg13[%dma_wait3A_639, %dma_wait3A_642] : memref<20x128xi32, #tpu.memory_space<vmem>> -> memref<1x128xi32, #tpu.memory_space<vmem>>
    %dma_wait3A_644 = tpu.memref_squeeze %dma_wait3A_643 : memref<1x128xi32, #tpu.memory_space<vmem>> -> memref<128xi32, #tpu.memory_space<vmem>>
    %dma_wait3A_645 = arith.constant 0 : i32
    %dma_wait3A_646 = tpu.memref_slice %arg15[%dma_wait3A_645] : memref<1048592xf32, #tpu.memory_space<vmem_shared>> -> memref<1048592xf32, #tpu.memory_space<vmem_shared>>
    tpu.wait_indirect_dma semaphore(%arg18 : memref<!tpu.dma_semaphore, #tpu.memory_space<semaphore_mem>>) src(%dma_wait3A_641 : memref<128xf32, #tpu.memory_space<vmem>>) dst(%dma_wait3A_646 : memref<1048592xf32, #tpu.memory_space<vmem_shared>>)
    %dma_wait3A_647 = arith.constant 19 : i32
    %dma_wait3A_648 = arith.constant 2432 : i32
    %dma_wait3A_649 = tpu.memref_slice %arg12[%dma_wait3A_648] : memref<2560xf32, #tpu.memory_space<vmem>> -> memref<128xf32, #tpu.memory_space<vmem>>
    %dma_wait3A_650 = arith.constant 0 : i32
    %dma_wait3A_651 = tpu.memref_slice %arg13[%dma_wait3A_647, %dma_wait3A_650] : memref<20x128xi32, #tpu.memory_space<vmem>> -> memref<1x128xi32, #tpu.memory_space<vmem>>
    %dma_wait3A_652 = tpu.memref_squeeze %dma_wait3A_651 : memref<1x128xi32, #tpu.memory_space<vmem>> -> memref<128xi32, #tpu.memory_space<vmem>>
    %dma_wait3A_653 = arith.constant 0 : i32
    %dma_wait3A_654 = tpu.memref_slice %arg15[%dma_wait3A_653] : memref<1048592xf32, #tpu.memory_space<vmem_shared>> -> memref<1048592xf32, #tpu.memory_space<vmem_shared>>
    tpu.wait_indirect_dma semaphore(%arg18 : memref<!tpu.dma_semaphore, #tpu.memory_space<semaphore_mem>>) src(%dma_wait3A_649 : memref<128xf32, #tpu.memory_space<vmem>>) dst(%dma_wait3A_654 : memref<1048592xf32, #tpu.memory_space<vmem_shared>>)
    %barrier3A_655 = arith.constant 0 : index
    tpu.barrier barrier_id(%barrier3A_655)
    %mul3A_656 = arith.constant 32 : i32
    %mul3A_657 = arith.muli %arg1, %mul3A_656 : i32
    %add3A_658 = arith.constant 0 : i32
    %add3A_659 = arith.addi %mul3A_657, %add3A_658 : i32
    %mul3A_660 = arith.constant 1536 : i32
    %mul3A_661 = arith.muli %add3A_659, %mul3A_660 : i32
    %add3A_662 = arith.constant 262144 : i32
    %add3A_663 = arith.addi %add3A_662, %mul3A_661 : i32
    %add3A_664 = arith.addi %mul3A_129, %add3A_659 : i32
    %dma_start3A_665 = arith.constant 0 : i32
    %dma_start3A_666 = tpu.memref_slice %arg9[%add3A_664, %dma_start3A_665] : memref<1024x1536xf32, #tpu.memory_space<hbm>> -> memref<1x1536xf32, #tpu.memory_space<hbm>>
    %dma_start3A_667 = tpu.memref_squeeze %dma_start3A_666 : memref<1x1536xf32, #tpu.memory_space<hbm>> -> memref<1536xf32, #tpu.memory_space<hbm>>
    %dma_start3A_668 = tpu.memref_slice %arg15[%add3A_663] : memref<1048592xf32, #tpu.memory_space<vmem_shared>> -> memref<1536xf32, #tpu.memory_space<vmem_shared>>
    tpu.enqueue_dma source(%dma_start3A_668 : memref<1536xf32, #tpu.memory_space<vmem_shared>>) target(%dma_start3A_667 : memref<1536xf32, #tpu.memory_space<hbm>>) target_semaphore(%arg16 : memref<!tpu.dma_semaphore, #tpu.memory_space<semaphore_mem>>)
    %mul3A_669 = arith.constant 32 : i32
    %mul3A_670 = arith.muli %arg1, %mul3A_669 : i32
    %add3A_671 = arith.constant 1 : i32
    %add3A_672 = arith.addi %mul3A_670, %add3A_671 : i32
    %mul3A_673 = arith.constant 1536 : i32
    %mul3A_674 = arith.muli %add3A_672, %mul3A_673 : i32
    %add3A_675 = arith.constant 262144 : i32
    %add3A_676 = arith.addi %add3A_675, %mul3A_674 : i32
    %add3A_677 = arith.addi %mul3A_129, %add3A_672 : i32
    %dma_start3A_678 = arith.constant 0 : i32
    %dma_start3A_679 = tpu.memref_slice %arg9[%add3A_677, %dma_start3A_678] : memref<1024x1536xf32, #tpu.memory_space<hbm>> -> memref<1x1536xf32, #tpu.memory_space<hbm>>
    %dma_start3A_680 = tpu.memref_squeeze %dma_start3A_679 : memref<1x1536xf32, #tpu.memory_space<hbm>> -> memref<1536xf32, #tpu.memory_space<hbm>>
    %dma_start3A_681 = tpu.memref_slice %arg15[%add3A_676] : memref<1048592xf32, #tpu.memory_space<vmem_shared>> -> memref<1536xf32, #tpu.memory_space<vmem_shared>>
    tpu.enqueue_dma source(%dma_start3A_681 : memref<1536xf32, #tpu.memory_space<vmem_shared>>) target(%dma_start3A_680 : memref<1536xf32, #tpu.memory_space<hbm>>) target_semaphore(%arg16 : memref<!tpu.dma_semaphore, #tpu.memory_space<semaphore_mem>>)
    %mul3A_682 = arith.constant 32 : i32
    %mul3A_683 = arith.muli %arg1, %mul3A_682 : i32
    %add3A_684 = arith.constant 2 : i32
    %add3A_685 = arith.addi %mul3A_683, %add3A_684 : i32
    %mul3A_686 = arith.constant 1536 : i32
    %mul3A_687 = arith.muli %add3A_685, %mul3A_686 : i32
    %add3A_688 = arith.constant 262144 : i32
    %add3A_689 = arith.addi %add3A_688, %mul3A_687 : i32
    %add3A_690 = arith.addi %mul3A_129, %add3A_685 : i32
    %dma_start3A_691 = arith.constant 0 : i32
    %dma_start3A_692 = tpu.memref_slice %arg9[%add3A_690, %dma_start3A_691] : memref<1024x1536xf32, #tpu.memory_space<hbm>> -> memref<1x1536xf32, #tpu.memory_space<hbm>>
    %dma_start3A_693 = tpu.memref_squeeze %dma_start3A_692 : memref<1x1536xf32, #tpu.memory_space<hbm>> -> memref<1536xf32, #tpu.memory_space<hbm>>
    %dma_start3A_694 = tpu.memref_slice %arg15[%add3A_689] : memref<1048592xf32, #tpu.memory_space<vmem_shared>> -> memref<1536xf32, #tpu.memory_space<vmem_shared>>
    tpu.enqueue_dma source(%dma_start3A_694 : memref<1536xf32, #tpu.memory_space<vmem_shared>>) target(%dma_start3A_693 : memref<1536xf32, #tpu.memory_space<hbm>>) target_semaphore(%arg16 : memref<!tpu.dma_semaphore, #tpu.memory_space<semaphore_mem>>)
    %mul3A_695 = arith.constant 32 : i32
    %mul3A_696 = arith.muli %arg1, %mul3A_695 : i32
    %add3A_697 = arith.constant 3 : i32
    %add3A_698 = arith.addi %mul3A_696, %add3A_697 : i32
    %mul3A_699 = arith.constant 1536 : i32
    %mul3A_700 = arith.muli %add3A_698, %mul3A_699 : i32
    %add3A_701 = arith.constant 262144 : i32
    %add3A_702 = arith.addi %add3A_701, %mul3A_700 : i32
    %add3A_703 = arith.addi %mul3A_129, %add3A_698 : i32
    %dma_start3A_704 = arith.constant 0 : i32
    %dma_start3A_705 = tpu.memref_slice %arg9[%add3A_703, %dma_start3A_704] : memref<1024x1536xf32, #tpu.memory_space<hbm>> -> memref<1x1536xf32, #tpu.memory_space<hbm>>
    %dma_start3A_706 = tpu.memref_squeeze %dma_start3A_705 : memref<1x1536xf32, #tpu.memory_space<hbm>> -> memref<1536xf32, #tpu.memory_space<hbm>>
    %dma_start3A_707 = tpu.memref_slice %arg15[%add3A_702] : memref<1048592xf32, #tpu.memory_space<vmem_shared>> -> memref<1536xf32, #tpu.memory_space<vmem_shared>>
    tpu.enqueue_dma source(%dma_start3A_707 : memref<1536xf32, #tpu.memory_space<vmem_shared>>) target(%dma_start3A_706 : memref<1536xf32, #tpu.memory_space<hbm>>) target_semaphore(%arg16 : memref<!tpu.dma_semaphore, #tpu.memory_space<semaphore_mem>>)
    %mul3A_708 = arith.constant 32 : i32
    %mul3A_709 = arith.muli %arg1, %mul3A_708 : i32
    %add3A_710 = arith.constant 4 : i32
    %add3A_711 = arith.addi %mul3A_709, %add3A_710 : i32
    %mul3A_712 = arith.constant 1536 : i32
    %mul3A_713 = arith.muli %add3A_711, %mul3A_712 : i32
    %add3A_714 = arith.constant 262144 : i32
    %add3A_715 = arith.addi %add3A_714, %mul3A_713 : i32
    %add3A_716 = arith.addi %mul3A_129, %add3A_711 : i32
    %dma_start3A_717 = arith.constant 0 : i32
    %dma_start3A_718 = tpu.memref_slice %arg9[%add3A_716, %dma_start3A_717] : memref<1024x1536xf32, #tpu.memory_space<hbm>> -> memref<1x1536xf32, #tpu.memory_space<hbm>>
    %dma_start3A_719 = tpu.memref_squeeze %dma_start3A_718 : memref<1x1536xf32, #tpu.memory_space<hbm>> -> memref<1536xf32, #tpu.memory_space<hbm>>
    %dma_start3A_720 = tpu.memref_slice %arg15[%add3A_715] : memref<1048592xf32, #tpu.memory_space<vmem_shared>> -> memref<1536xf32, #tpu.memory_space<vmem_shared>>
    tpu.enqueue_dma source(%dma_start3A_720 : memref<1536xf32, #tpu.memory_space<vmem_shared>>) target(%dma_start3A_719 : memref<1536xf32, #tpu.memory_space<hbm>>) target_semaphore(%arg16 : memref<!tpu.dma_semaphore, #tpu.memory_space<semaphore_mem>>)
    %mul3A_721 = arith.constant 32 : i32
    %mul3A_722 = arith.muli %arg1, %mul3A_721 : i32
    %add3A_723 = arith.constant 5 : i32
    %add3A_724 = arith.addi %mul3A_722, %add3A_723 : i32
    %mul3A_725 = arith.constant 1536 : i32
    %mul3A_726 = arith.muli %add3A_724, %mul3A_725 : i32
    %add3A_727 = arith.constant 262144 : i32
    %add3A_728 = arith.addi %add3A_727, %mul3A_726 : i32
    %add3A_729 = arith.addi %mul3A_129, %add3A_724 : i32
    %dma_start3A_730 = arith.constant 0 : i32
    %dma_start3A_731 = tpu.memref_slice %arg9[%add3A_729, %dma_start3A_730] : memref<1024x1536xf32, #tpu.memory_space<hbm>> -> memref<1x1536xf32, #tpu.memory_space<hbm>>
    %dma_start3A_732 = tpu.memref_squeeze %dma_start3A_731 : memref<1x1536xf32, #tpu.memory_space<hbm>> -> memref<1536xf32, #tpu.memory_space<hbm>>
    %dma_start3A_733 = tpu.memref_slice %arg15[%add3A_728] : memref<1048592xf32, #tpu.memory_space<vmem_shared>> -> memref<1536xf32, #tpu.memory_space<vmem_shared>>
    tpu.enqueue_dma source(%dma_start3A_733 : memref<1536xf32, #tpu.memory_space<vmem_shared>>) target(%dma_start3A_732 : memref<1536xf32, #tpu.memory_space<hbm>>) target_semaphore(%arg16 : memref<!tpu.dma_semaphore, #tpu.memory_space<semaphore_mem>>)
    %mul3A_734 = arith.constant 32 : i32
    %mul3A_735 = arith.muli %arg1, %mul3A_734 : i32
    %add3A_736 = arith.constant 6 : i32
    %add3A_737 = arith.addi %mul3A_735, %add3A_736 : i32
    %mul3A_738 = arith.constant 1536 : i32
    %mul3A_739 = arith.muli %add3A_737, %mul3A_738 : i32
    %add3A_740 = arith.constant 262144 : i32
    %add3A_741 = arith.addi %add3A_740, %mul3A_739 : i32
    %add3A_742 = arith.addi %mul3A_129, %add3A_737 : i32
    %dma_start3A_743 = arith.constant 0 : i32
    %dma_start3A_744 = tpu.memref_slice %arg9[%add3A_742, %dma_start3A_743] : memref<1024x1536xf32, #tpu.memory_space<hbm>> -> memref<1x1536xf32, #tpu.memory_space<hbm>>
    %dma_start3A_745 = tpu.memref_squeeze %dma_start3A_744 : memref<1x1536xf32, #tpu.memory_space<hbm>> -> memref<1536xf32, #tpu.memory_space<hbm>>
    %dma_start3A_746 = tpu.memref_slice %arg15[%add3A_741] : memref<1048592xf32, #tpu.memory_space<vmem_shared>> -> memref<1536xf32, #tpu.memory_space<vmem_shared>>
    tpu.enqueue_dma source(%dma_start3A_746 : memref<1536xf32, #tpu.memory_space<vmem_shared>>) target(%dma_start3A_745 : memref<1536xf32, #tpu.memory_space<hbm>>) target_semaphore(%arg16 : memref<!tpu.dma_semaphore, #tpu.memory_space<semaphore_mem>>)
    %mul3A_747 = arith.constant 32 : i32
    %mul3A_748 = arith.muli %arg1, %mul3A_747 : i32
    %add3A_749 = arith.constant 7 : i32
    %add3A_750 = arith.addi %mul3A_748, %add3A_749 : i32
    %mul3A_751 = arith.constant 1536 : i32
    %mul3A_752 = arith.muli %add3A_750, %mul3A_751 : i32
    %add3A_753 = arith.constant 262144 : i32
    %add3A_754 = arith.addi %add3A_753, %mul3A_752 : i32
    %add3A_755 = arith.addi %mul3A_129, %add3A_750 : i32
    %dma_start3A_756 = arith.constant 0 : i32
    %dma_start3A_757 = tpu.memref_slice %arg9[%add3A_755, %dma_start3A_756] : memref<1024x1536xf32, #tpu.memory_space<hbm>> -> memref<1x1536xf32, #tpu.memory_space<hbm>>
    %dma_start3A_758 = tpu.memref_squeeze %dma_start3A_757 : memref<1x1536xf32, #tpu.memory_space<hbm>> -> memref<1536xf32, #tpu.memory_space<hbm>>
    %dma_start3A_759 = tpu.memref_slice %arg15[%add3A_754] : memref<1048592xf32, #tpu.memory_space<vmem_shared>> -> memref<1536xf32, #tpu.memory_space<vmem_shared>>
    tpu.enqueue_dma source(%dma_start3A_759 : memref<1536xf32, #tpu.memory_space<vmem_shared>>) target(%dma_start3A_758 : memref<1536xf32, #tpu.memory_space<hbm>>) target_semaphore(%arg16 : memref<!tpu.dma_semaphore, #tpu.memory_space<semaphore_mem>>)
    %mul3A_760 = arith.constant 32 : i32
    %mul3A_761 = arith.muli %arg1, %mul3A_760 : i32
    %add3A_762 = arith.constant 8 : i32
    %add3A_763 = arith.addi %mul3A_761, %add3A_762 : i32
    %mul3A_764 = arith.constant 1536 : i32
    %mul3A_765 = arith.muli %add3A_763, %mul3A_764 : i32
    %add3A_766 = arith.constant 262144 : i32
    %add3A_767 = arith.addi %add3A_766, %mul3A_765 : i32
    %add3A_768 = arith.addi %mul3A_129, %add3A_763 : i32
    %dma_start3A_769 = arith.constant 0 : i32
    %dma_start3A_770 = tpu.memref_slice %arg9[%add3A_768, %dma_start3A_769] : memref<1024x1536xf32, #tpu.memory_space<hbm>> -> memref<1x1536xf32, #tpu.memory_space<hbm>>
    %dma_start3A_771 = tpu.memref_squeeze %dma_start3A_770 : memref<1x1536xf32, #tpu.memory_space<hbm>> -> memref<1536xf32, #tpu.memory_space<hbm>>
    %dma_start3A_772 = tpu.memref_slice %arg15[%add3A_767] : memref<1048592xf32, #tpu.memory_space<vmem_shared>> -> memref<1536xf32, #tpu.memory_space<vmem_shared>>
    tpu.enqueue_dma source(%dma_start3A_772 : memref<1536xf32, #tpu.memory_space<vmem_shared>>) target(%dma_start3A_771 : memref<1536xf32, #tpu.memory_space<hbm>>) target_semaphore(%arg16 : memref<!tpu.dma_semaphore, #tpu.memory_space<semaphore_mem>>)
    %mul3A_773 = arith.constant 32 : i32
    %mul3A_774 = arith.muli %arg1, %mul3A_773 : i32
    %add3A_775 = arith.constant 9 : i32
    %add3A_776 = arith.addi %mul3A_774, %add3A_775 : i32
    %mul3A_777 = arith.constant 1536 : i32
    %mul3A_778 = arith.muli %add3A_776, %mul3A_777 : i32
    %add3A_779 = arith.constant 262144 : i32
    %add3A_780 = arith.addi %add3A_779, %mul3A_778 : i32
    %add3A_781 = arith.addi %mul3A_129, %add3A_776 : i32
    %dma_start3A_782 = arith.constant 0 : i32
    %dma_start3A_783 = tpu.memref_slice %arg9[%add3A_781, %dma_start3A_782] : memref<1024x1536xf32, #tpu.memory_space<hbm>> -> memref<1x1536xf32, #tpu.memory_space<hbm>>
    %dma_start3A_784 = tpu.memref_squeeze %dma_start3A_783 : memref<1x1536xf32, #tpu.memory_space<hbm>> -> memref<1536xf32, #tpu.memory_space<hbm>>
    %dma_start3A_785 = tpu.memref_slice %arg15[%add3A_780] : memref<1048592xf32, #tpu.memory_space<vmem_shared>> -> memref<1536xf32, #tpu.memory_space<vmem_shared>>
    tpu.enqueue_dma source(%dma_start3A_785 : memref<1536xf32, #tpu.memory_space<vmem_shared>>) target(%dma_start3A_784 : memref<1536xf32, #tpu.memory_space<hbm>>) target_semaphore(%arg16 : memref<!tpu.dma_semaphore, #tpu.memory_space<semaphore_mem>>)
    %mul3A_786 = arith.constant 32 : i32
    %mul3A_787 = arith.muli %arg1, %mul3A_786 : i32
    %add3A_788 = arith.constant 10 : i32
    %add3A_789 = arith.addi %mul3A_787, %add3A_788 : i32
    %mul3A_790 = arith.constant 1536 : i32
    %mul3A_791 = arith.muli %add3A_789, %mul3A_790 : i32
    %add3A_792 = arith.constant 262144 : i32
    %add3A_793 = arith.addi %add3A_792, %mul3A_791 : i32
    %add3A_794 = arith.addi %mul3A_129, %add3A_789 : i32
    %dma_start3A_795 = arith.constant 0 : i32
    %dma_start3A_796 = tpu.memref_slice %arg9[%add3A_794, %dma_start3A_795] : memref<1024x1536xf32, #tpu.memory_space<hbm>> -> memref<1x1536xf32, #tpu.memory_space<hbm>>
    %dma_start3A_797 = tpu.memref_squeeze %dma_start3A_796 : memref<1x1536xf32, #tpu.memory_space<hbm>> -> memref<1536xf32, #tpu.memory_space<hbm>>
    %dma_start3A_798 = tpu.memref_slice %arg15[%add3A_793] : memref<1048592xf32, #tpu.memory_space<vmem_shared>> -> memref<1536xf32, #tpu.memory_space<vmem_shared>>
    tpu.enqueue_dma source(%dma_start3A_798 : memref<1536xf32, #tpu.memory_space<vmem_shared>>) target(%dma_start3A_797 : memref<1536xf32, #tpu.memory_space<hbm>>) target_semaphore(%arg16 : memref<!tpu.dma_semaphore, #tpu.memory_space<semaphore_mem>>)
    %mul3A_799 = arith.constant 32 : i32
    %mul3A_800 = arith.muli %arg1, %mul3A_799 : i32
    %add3A_801 = arith.constant 11 : i32
    %add3A_802 = arith.addi %mul3A_800, %add3A_801 : i32
    %mul3A_803 = arith.constant 1536 : i32
    %mul3A_804 = arith.muli %add3A_802, %mul3A_803 : i32
    %add3A_805 = arith.constant 262144 : i32
    %add3A_806 = arith.addi %add3A_805, %mul3A_804 : i32
    %add3A_807 = arith.addi %mul3A_129, %add3A_802 : i32
    %dma_start3A_808 = arith.constant 0 : i32
    %dma_start3A_809 = tpu.memref_slice %arg9[%add3A_807, %dma_start3A_808] : memref<1024x1536xf32, #tpu.memory_space<hbm>> -> memref<1x1536xf32, #tpu.memory_space<hbm>>
    %dma_start3A_810 = tpu.memref_squeeze %dma_start3A_809 : memref<1x1536xf32, #tpu.memory_space<hbm>> -> memref<1536xf32, #tpu.memory_space<hbm>>
    %dma_start3A_811 = tpu.memref_slice %arg15[%add3A_806] : memref<1048592xf32, #tpu.memory_space<vmem_shared>> -> memref<1536xf32, #tpu.memory_space<vmem_shared>>
    tpu.enqueue_dma source(%dma_start3A_811 : memref<1536xf32, #tpu.memory_space<vmem_shared>>) target(%dma_start3A_810 : memref<1536xf32, #tpu.memory_space<hbm>>) target_semaphore(%arg16 : memref<!tpu.dma_semaphore, #tpu.memory_space<semaphore_mem>>)
    %mul3A_812 = arith.constant 32 : i32
    %mul3A_813 = arith.muli %arg1, %mul3A_812 : i32
    %add3A_814 = arith.constant 12 : i32
    %add3A_815 = arith.addi %mul3A_813, %add3A_814 : i32
    %mul3A_816 = arith.constant 1536 : i32
    %mul3A_817 = arith.muli %add3A_815, %mul3A_816 : i32
    %add3A_818 = arith.constant 262144 : i32
    %add3A_819 = arith.addi %add3A_818, %mul3A_817 : i32
    %add3A_820 = arith.addi %mul3A_129, %add3A_815 : i32
    %dma_start3A_821 = arith.constant 0 : i32
    %dma_start3A_822 = tpu.memref_slice %arg9[%add3A_820, %dma_start3A_821] : memref<1024x1536xf32, #tpu.memory_space<hbm>> -> memref<1x1536xf32, #tpu.memory_space<hbm>>
    %dma_start3A_823 = tpu.memref_squeeze %dma_start3A_822 : memref<1x1536xf32, #tpu.memory_space<hbm>> -> memref<1536xf32, #tpu.memory_space<hbm>>
    %dma_start3A_824 = tpu.memref_slice %arg15[%add3A_819] : memref<1048592xf32, #tpu.memory_space<vmem_shared>> -> memref<1536xf32, #tpu.memory_space<vmem_shared>>
    tpu.enqueue_dma source(%dma_start3A_824 : memref<1536xf32, #tpu.memory_space<vmem_shared>>) target(%dma_start3A_823 : memref<1536xf32, #tpu.memory_space<hbm>>) target_semaphore(%arg16 : memref<!tpu.dma_semaphore, #tpu.memory_space<semaphore_mem>>)
    %mul3A_825 = arith.constant 32 : i32
    %mul3A_826 = arith.muli %arg1, %mul3A_825 : i32
    %add3A_827 = arith.constant 13 : i32
    %add3A_828 = arith.addi %mul3A_826, %add3A_827 : i32
    %mul3A_829 = arith.constant 1536 : i32
    %mul3A_830 = arith.muli %add3A_828, %mul3A_829 : i32
    %add3A_831 = arith.constant 262144 : i32
    %add3A_832 = arith.addi %add3A_831, %mul3A_830 : i32
    %add3A_833 = arith.addi %mul3A_129, %add3A_828 : i32
    %dma_start3A_834 = arith.constant 0 : i32
    %dma_start3A_835 = tpu.memref_slice %arg9[%add3A_833, %dma_start3A_834] : memref<1024x1536xf32, #tpu.memory_space<hbm>> -> memref<1x1536xf32, #tpu.memory_space<hbm>>
    %dma_start3A_836 = tpu.memref_squeeze %dma_start3A_835 : memref<1x1536xf32, #tpu.memory_space<hbm>> -> memref<1536xf32, #tpu.memory_space<hbm>>
    %dma_start3A_837 = tpu.memref_slice %arg15[%add3A_832] : memref<1048592xf32, #tpu.memory_space<vmem_shared>> -> memref<1536xf32, #tpu.memory_space<vmem_shared>>
    tpu.enqueue_dma source(%dma_start3A_837 : memref<1536xf32, #tpu.memory_space<vmem_shared>>) target(%dma_start3A_836 : memref<1536xf32, #tpu.memory_space<hbm>>) target_semaphore(%arg16 : memref<!tpu.dma_semaphore, #tpu.memory_space<semaphore_mem>>)
    %mul3A_838 = arith.constant 32 : i32
    %mul3A_839 = arith.muli %arg1, %mul3A_838 : i32
    %add3A_840 = arith.constant 14 : i32
    %add3A_841 = arith.addi %mul3A_839, %add3A_840 : i32
    %mul3A_842 = arith.constant 1536 : i32
    %mul3A_843 = arith.muli %add3A_841, %mul3A_842 : i32
    %add3A_844 = arith.constant 262144 : i32
    %add3A_845 = arith.addi %add3A_844, %mul3A_843 : i32
    %add3A_846 = arith.addi %mul3A_129, %add3A_841 : i32
    %dma_start3A_847 = arith.constant 0 : i32
    %dma_start3A_848 = tpu.memref_slice %arg9[%add3A_846, %dma_start3A_847] : memref<1024x1536xf32, #tpu.memory_space<hbm>> -> memref<1x1536xf32, #tpu.memory_space<hbm>>
    %dma_start3A_849 = tpu.memref_squeeze %dma_start3A_848 : memref<1x1536xf32, #tpu.memory_space<hbm>> -> memref<1536xf32, #tpu.memory_space<hbm>>
    %dma_start3A_850 = tpu.memref_slice %arg15[%add3A_845] : memref<1048592xf32, #tpu.memory_space<vmem_shared>> -> memref<1536xf32, #tpu.memory_space<vmem_shared>>
    tpu.enqueue_dma source(%dma_start3A_850 : memref<1536xf32, #tpu.memory_space<vmem_shared>>) target(%dma_start3A_849 : memref<1536xf32, #tpu.memory_space<hbm>>) target_semaphore(%arg16 : memref<!tpu.dma_semaphore, #tpu.memory_space<semaphore_mem>>)
    %mul3A_851 = arith.constant 32 : i32
    %mul3A_852 = arith.muli %arg1, %mul3A_851 : i32
    %add3A_853 = arith.constant 15 : i32
    %add3A_854 = arith.addi %mul3A_852, %add3A_853 : i32
    %mul3A_855 = arith.constant 1536 : i32
    %mul3A_856 = arith.muli %add3A_854, %mul3A_855 : i32
    %add3A_857 = arith.constant 262144 : i32
    %add3A_858 = arith.addi %add3A_857, %mul3A_856 : i32
    %add3A_859 = arith.addi %mul3A_129, %add3A_854 : i32
    %dma_start3A_860 = arith.constant 0 : i32
    %dma_start3A_861 = tpu.memref_slice %arg9[%add3A_859, %dma_start3A_860] : memref<1024x1536xf32, #tpu.memory_space<hbm>> -> memref<1x1536xf32, #tpu.memory_space<hbm>>
    %dma_start3A_862 = tpu.memref_squeeze %dma_start3A_861 : memref<1x1536xf32, #tpu.memory_space<hbm>> -> memref<1536xf32, #tpu.memory_space<hbm>>
    %dma_start3A_863 = tpu.memref_slice %arg15[%add3A_858] : memref<1048592xf32, #tpu.memory_space<vmem_shared>> -> memref<1536xf32, #tpu.memory_space<vmem_shared>>
    tpu.enqueue_dma source(%dma_start3A_863 : memref<1536xf32, #tpu.memory_space<vmem_shared>>) target(%dma_start3A_862 : memref<1536xf32, #tpu.memory_space<hbm>>) target_semaphore(%arg16 : memref<!tpu.dma_semaphore, #tpu.memory_space<semaphore_mem>>)
    %mul3A_864 = arith.constant 32 : i32
    %mul3A_865 = arith.muli %arg1, %mul3A_864 : i32
    %add3A_866 = arith.constant 16 : i32
    %add3A_867 = arith.addi %mul3A_865, %add3A_866 : i32
    %mul3A_868 = arith.constant 1536 : i32
    %mul3A_869 = arith.muli %add3A_867, %mul3A_868 : i32
    %add3A_870 = arith.constant 262144 : i32
    %add3A_871 = arith.addi %add3A_870, %mul3A_869 : i32
    %add3A_872 = arith.addi %mul3A_129, %add3A_867 : i32
    %dma_start3A_873 = arith.constant 0 : i32
    %dma_start3A_874 = tpu.memref_slice %arg9[%add3A_872, %dma_start3A_873] : memref<1024x1536xf32, #tpu.memory_space<hbm>> -> memref<1x1536xf32, #tpu.memory_space<hbm>>
    %dma_start3A_875 = tpu.memref_squeeze %dma_start3A_874 : memref<1x1536xf32, #tpu.memory_space<hbm>> -> memref<1536xf32, #tpu.memory_space<hbm>>
    %dma_start3A_876 = tpu.memref_slice %arg15[%add3A_871] : memref<1048592xf32, #tpu.memory_space<vmem_shared>> -> memref<1536xf32, #tpu.memory_space<vmem_shared>>
    tpu.enqueue_dma source(%dma_start3A_876 : memref<1536xf32, #tpu.memory_space<vmem_shared>>) target(%dma_start3A_875 : memref<1536xf32, #tpu.memory_space<hbm>>) target_semaphore(%arg16 : memref<!tpu.dma_semaphore, #tpu.memory_space<semaphore_mem>>)
    %mul3A_877 = arith.constant 32 : i32
    %mul3A_878 = arith.muli %arg1, %mul3A_877 : i32
    %add3A_879 = arith.constant 17 : i32
    %add3A_880 = arith.addi %mul3A_878, %add3A_879 : i32
    %mul3A_881 = arith.constant 1536 : i32
    %mul3A_882 = arith.muli %add3A_880, %mul3A_881 : i32
    %add3A_883 = arith.constant 262144 : i32
    %add3A_884 = arith.addi %add3A_883, %mul3A_882 : i32
    %add3A_885 = arith.addi %mul3A_129, %add3A_880 : i32
    %dma_start3A_886 = arith.constant 0 : i32
    %dma_start3A_887 = tpu.memref_slice %arg9[%add3A_885, %dma_start3A_886] : memref<1024x1536xf32, #tpu.memory_space<hbm>> -> memref<1x1536xf32, #tpu.memory_space<hbm>>
    %dma_start3A_888 = tpu.memref_squeeze %dma_start3A_887 : memref<1x1536xf32, #tpu.memory_space<hbm>> -> memref<1536xf32, #tpu.memory_space<hbm>>
    %dma_start3A_889 = tpu.memref_slice %arg15[%add3A_884] : memref<1048592xf32, #tpu.memory_space<vmem_shared>> -> memref<1536xf32, #tpu.memory_space<vmem_shared>>
    tpu.enqueue_dma source(%dma_start3A_889 : memref<1536xf32, #tpu.memory_space<vmem_shared>>) target(%dma_start3A_888 : memref<1536xf32, #tpu.memory_space<hbm>>) target_semaphore(%arg16 : memref<!tpu.dma_semaphore, #tpu.memory_space<semaphore_mem>>)
    %mul3A_890 = arith.constant 32 : i32
    %mul3A_891 = arith.muli %arg1, %mul3A_890 : i32
    %add3A_892 = arith.constant 18 : i32
    %add3A_893 = arith.addi %mul3A_891, %add3A_892 : i32
    %mul3A_894 = arith.constant 1536 : i32
    %mul3A_895 = arith.muli %add3A_893, %mul3A_894 : i32
    %add3A_896 = arith.constant 262144 : i32
    %add3A_897 = arith.addi %add3A_896, %mul3A_895 : i32
    %add3A_898 = arith.addi %mul3A_129, %add3A_893 : i32
    %dma_start3A_899 = arith.constant 0 : i32
    %dma_start3A_900 = tpu.memref_slice %arg9[%add3A_898, %dma_start3A_899] : memref<1024x1536xf32, #tpu.memory_space<hbm>> -> memref<1x1536xf32, #tpu.memory_space<hbm>>
    %dma_start3A_901 = tpu.memref_squeeze %dma_start3A_900 : memref<1x1536xf32, #tpu.memory_space<hbm>> -> memref<1536xf32, #tpu.memory_space<hbm>>
    %dma_start3A_902 = tpu.memref_slice %arg15[%add3A_897] : memref<1048592xf32, #tpu.memory_space<vmem_shared>> -> memref<1536xf32, #tpu.memory_space<vmem_shared>>
    tpu.enqueue_dma source(%dma_start3A_902 : memref<1536xf32, #tpu.memory_space<vmem_shared>>) target(%dma_start3A_901 : memref<1536xf32, #tpu.memory_space<hbm>>) target_semaphore(%arg16 : memref<!tpu.dma_semaphore, #tpu.memory_space<semaphore_mem>>)
    %mul3A_903 = arith.constant 32 : i32
    %mul3A_904 = arith.muli %arg1, %mul3A_903 : i32
    %add3A_905 = arith.constant 19 : i32
    %add3A_906 = arith.addi %mul3A_904, %add3A_905 : i32
    %mul3A_907 = arith.constant 1536 : i32
    %mul3A_908 = arith.muli %add3A_906, %mul3A_907 : i32
    %add3A_909 = arith.constant 262144 : i32
    %add3A_910 = arith.addi %add3A_909, %mul3A_908 : i32
    %add3A_911 = arith.addi %mul3A_129, %add3A_906 : i32
    %dma_start3A_912 = arith.constant 0 : i32
    %dma_start3A_913 = tpu.memref_slice %arg9[%add3A_911, %dma_start3A_912] : memref<1024x1536xf32, #tpu.memory_space<hbm>> -> memref<1x1536xf32, #tpu.memory_space<hbm>>
    %dma_start3A_914 = tpu.memref_squeeze %dma_start3A_913 : memref<1x1536xf32, #tpu.memory_space<hbm>> -> memref<1536xf32, #tpu.memory_space<hbm>>
    %dma_start3A_915 = tpu.memref_slice %arg15[%add3A_910] : memref<1048592xf32, #tpu.memory_space<vmem_shared>> -> memref<1536xf32, #tpu.memory_space<vmem_shared>>
    tpu.enqueue_dma source(%dma_start3A_915 : memref<1536xf32, #tpu.memory_space<vmem_shared>>) target(%dma_start3A_914 : memref<1536xf32, #tpu.memory_space<hbm>>) target_semaphore(%arg16 : memref<!tpu.dma_semaphore, #tpu.memory_space<semaphore_mem>>)
    %mul3A_916 = arith.constant 32 : i32
    %mul3A_917 = arith.muli %arg1, %mul3A_916 : i32
    %add3A_918 = arith.constant 20 : i32
    %add3A_919 = arith.addi %mul3A_917, %add3A_918 : i32
    %mul3A_920 = arith.constant 1536 : i32
    %mul3A_921 = arith.muli %add3A_919, %mul3A_920 : i32
    %add3A_922 = arith.constant 262144 : i32
    %add3A_923 = arith.addi %add3A_922, %mul3A_921 : i32
    %add3A_924 = arith.addi %mul3A_129, %add3A_919 : i32
    %dma_start3A_925 = arith.constant 0 : i32
    %dma_start3A_926 = tpu.memref_slice %arg9[%add3A_924, %dma_start3A_925] : memref<1024x1536xf32, #tpu.memory_space<hbm>> -> memref<1x1536xf32, #tpu.memory_space<hbm>>
    %dma_start3A_927 = tpu.memref_squeeze %dma_start3A_926 : memref<1x1536xf32, #tpu.memory_space<hbm>> -> memref<1536xf32, #tpu.memory_space<hbm>>
    %dma_start3A_928 = tpu.memref_slice %arg15[%add3A_923] : memref<1048592xf32, #tpu.memory_space<vmem_shared>> -> memref<1536xf32, #tpu.memory_space<vmem_shared>>
    tpu.enqueue_dma source(%dma_start3A_928 : memref<1536xf32, #tpu.memory_space<vmem_shared>>) target(%dma_start3A_927 : memref<1536xf32, #tpu.memory_space<hbm>>) target_semaphore(%arg16 : memref<!tpu.dma_semaphore, #tpu.memory_space<semaphore_mem>>)
    %mul3A_929 = arith.constant 32 : i32
    %mul3A_930 = arith.muli %arg1, %mul3A_929 : i32
    %add3A_931 = arith.constant 21 : i32
    %add3A_932 = arith.addi %mul3A_930, %add3A_931 : i32
    %mul3A_933 = arith.constant 1536 : i32
    %mul3A_934 = arith.muli %add3A_932, %mul3A_933 : i32
    %add3A_935 = arith.constant 262144 : i32
    %add3A_936 = arith.addi %add3A_935, %mul3A_934 : i32
    %add3A_937 = arith.addi %mul3A_129, %add3A_932 : i32
    %dma_start3A_938 = arith.constant 0 : i32
    %dma_start3A_939 = tpu.memref_slice %arg9[%add3A_937, %dma_start3A_938] : memref<1024x1536xf32, #tpu.memory_space<hbm>> -> memref<1x1536xf32, #tpu.memory_space<hbm>>
    %dma_start3A_940 = tpu.memref_squeeze %dma_start3A_939 : memref<1x1536xf32, #tpu.memory_space<hbm>> -> memref<1536xf32, #tpu.memory_space<hbm>>
    %dma_start3A_941 = tpu.memref_slice %arg15[%add3A_936] : memref<1048592xf32, #tpu.memory_space<vmem_shared>> -> memref<1536xf32, #tpu.memory_space<vmem_shared>>
    tpu.enqueue_dma source(%dma_start3A_941 : memref<1536xf32, #tpu.memory_space<vmem_shared>>) target(%dma_start3A_940 : memref<1536xf32, #tpu.memory_space<hbm>>) target_semaphore(%arg16 : memref<!tpu.dma_semaphore, #tpu.memory_space<semaphore_mem>>)
    %mul3A_942 = arith.constant 32 : i32
    %mul3A_943 = arith.muli %arg1, %mul3A_942 : i32
    %add3A_944 = arith.constant 22 : i32
    %add3A_945 = arith.addi %mul3A_943, %add3A_944 : i32
    %mul3A_946 = arith.constant 1536 : i32
    %mul3A_947 = arith.muli %add3A_945, %mul3A_946 : i32
    %add3A_948 = arith.constant 262144 : i32
    %add3A_949 = arith.addi %add3A_948, %mul3A_947 : i32
    %add3A_950 = arith.addi %mul3A_129, %add3A_945 : i32
    %dma_start3A_951 = arith.constant 0 : i32
    %dma_start3A_952 = tpu.memref_slice %arg9[%add3A_950, %dma_start3A_951] : memref<1024x1536xf32, #tpu.memory_space<hbm>> -> memref<1x1536xf32, #tpu.memory_space<hbm>>
    %dma_start3A_953 = tpu.memref_squeeze %dma_start3A_952 : memref<1x1536xf32, #tpu.memory_space<hbm>> -> memref<1536xf32, #tpu.memory_space<hbm>>
    %dma_start3A_954 = tpu.memref_slice %arg15[%add3A_949] : memref<1048592xf32, #tpu.memory_space<vmem_shared>> -> memref<1536xf32, #tpu.memory_space<vmem_shared>>
    tpu.enqueue_dma source(%dma_start3A_954 : memref<1536xf32, #tpu.memory_space<vmem_shared>>) target(%dma_start3A_953 : memref<1536xf32, #tpu.memory_space<hbm>>) target_semaphore(%arg16 : memref<!tpu.dma_semaphore, #tpu.memory_space<semaphore_mem>>)
    %mul3A_955 = arith.constant 32 : i32
    %mul3A_956 = arith.muli %arg1, %mul3A_955 : i32
    %add3A_957 = arith.constant 23 : i32
    %add3A_958 = arith.addi %mul3A_956, %add3A_957 : i32
    %mul3A_959 = arith.constant 1536 : i32
    %mul3A_960 = arith.muli %add3A_958, %mul3A_959 : i32
    %add3A_961 = arith.constant 262144 : i32
    %add3A_962 = arith.addi %add3A_961, %mul3A_960 : i32
    %add3A_963 = arith.addi %mul3A_129, %add3A_958 : i32
    %dma_start3A_964 = arith.constant 0 : i32
    %dma_start3A_965 = tpu.memref_slice %arg9[%add3A_963, %dma_start3A_964] : memref<1024x1536xf32, #tpu.memory_space<hbm>> -> memref<1x1536xf32, #tpu.memory_space<hbm>>
    %dma_start3A_966 = tpu.memref_squeeze %dma_start3A_965 : memref<1x1536xf32, #tpu.memory_space<hbm>> -> memref<1536xf32, #tpu.memory_space<hbm>>
    %dma_start3A_967 = tpu.memref_slice %arg15[%add3A_962] : memref<1048592xf32, #tpu.memory_space<vmem_shared>> -> memref<1536xf32, #tpu.memory_space<vmem_shared>>
    tpu.enqueue_dma source(%dma_start3A_967 : memref<1536xf32, #tpu.memory_space<vmem_shared>>) target(%dma_start3A_966 : memref<1536xf32, #tpu.memory_space<hbm>>) target_semaphore(%arg16 : memref<!tpu.dma_semaphore, #tpu.memory_space<semaphore_mem>>)
    %mul3A_968 = arith.constant 32 : i32
    %mul3A_969 = arith.muli %arg1, %mul3A_968 : i32
    %add3A_970 = arith.constant 24 : i32
    %add3A_971 = arith.addi %mul3A_969, %add3A_970 : i32
    %mul3A_972 = arith.constant 1536 : i32
    %mul3A_973 = arith.muli %add3A_971, %mul3A_972 : i32
    %add3A_974 = arith.constant 262144 : i32
    %add3A_975 = arith.addi %add3A_974, %mul3A_973 : i32
    %add3A_976 = arith.addi %mul3A_129, %add3A_971 : i32
    %dma_start3A_977 = arith.constant 0 : i32
    %dma_start3A_978 = tpu.memref_slice %arg9[%add3A_976, %dma_start3A_977] : memref<1024x1536xf32, #tpu.memory_space<hbm>> -> memref<1x1536xf32, #tpu.memory_space<hbm>>
    %dma_start3A_979 = tpu.memref_squeeze %dma_start3A_978 : memref<1x1536xf32, #tpu.memory_space<hbm>> -> memref<1536xf32, #tpu.memory_space<hbm>>
    %dma_start3A_980 = tpu.memref_slice %arg15[%add3A_975] : memref<1048592xf32, #tpu.memory_space<vmem_shared>> -> memref<1536xf32, #tpu.memory_space<vmem_shared>>
    tpu.enqueue_dma source(%dma_start3A_980 : memref<1536xf32, #tpu.memory_space<vmem_shared>>) target(%dma_start3A_979 : memref<1536xf32, #tpu.memory_space<hbm>>) target_semaphore(%arg16 : memref<!tpu.dma_semaphore, #tpu.memory_space<semaphore_mem>>)
    %mul3A_981 = arith.constant 32 : i32
    %mul3A_982 = arith.muli %arg1, %mul3A_981 : i32
    %add3A_983 = arith.constant 25 : i32
    %add3A_984 = arith.addi %mul3A_982, %add3A_983 : i32
    %mul3A_985 = arith.constant 1536 : i32
    %mul3A_986 = arith.muli %add3A_984, %mul3A_985 : i32
    %add3A_987 = arith.constant 262144 : i32
    %add3A_988 = arith.addi %add3A_987, %mul3A_986 : i32
    %add3A_989 = arith.addi %mul3A_129, %add3A_984 : i32
    %dma_start3A_990 = arith.constant 0 : i32
    %dma_start3A_991 = tpu.memref_slice %arg9[%add3A_989, %dma_start3A_990] : memref<1024x1536xf32, #tpu.memory_space<hbm>> -> memref<1x1536xf32, #tpu.memory_space<hbm>>
    %dma_start3A_992 = tpu.memref_squeeze %dma_start3A_991 : memref<1x1536xf32, #tpu.memory_space<hbm>> -> memref<1536xf32, #tpu.memory_space<hbm>>
    %dma_start3A_993 = tpu.memref_slice %arg15[%add3A_988] : memref<1048592xf32, #tpu.memory_space<vmem_shared>> -> memref<1536xf32, #tpu.memory_space<vmem_shared>>
    tpu.enqueue_dma source(%dma_start3A_993 : memref<1536xf32, #tpu.memory_space<vmem_shared>>) target(%dma_start3A_992 : memref<1536xf32, #tpu.memory_space<hbm>>) target_semaphore(%arg16 : memref<!tpu.dma_semaphore, #tpu.memory_space<semaphore_mem>>)
    %mul3A_994 = arith.constant 32 : i32
    %mul3A_995 = arith.muli %arg1, %mul3A_994 : i32
    %add3A_996 = arith.constant 26 : i32
    %add3A_997 = arith.addi %mul3A_995, %add3A_996 : i32
    %mul3A_998 = arith.constant 1536 : i32
    %mul3A_999 = arith.muli %add3A_997, %mul3A_998 : i32
    %add3A_1000 = arith.constant 262144 : i32
    %add3A_1001 = arith.addi %add3A_1000, %mul3A_999 : i32
    %add3A_1002 = arith.addi %mul3A_129, %add3A_997 : i32
    %dma_start3A_1003 = arith.constant 0 : i32
    %dma_start3A_1004 = tpu.memref_slice %arg9[%add3A_1002, %dma_start3A_1003] : memref<1024x1536xf32, #tpu.memory_space<hbm>> -> memref<1x1536xf32, #tpu.memory_space<hbm>>
    %dma_start3A_1005 = tpu.memref_squeeze %dma_start3A_1004 : memref<1x1536xf32, #tpu.memory_space<hbm>> -> memref<1536xf32, #tpu.memory_space<hbm>>
    %dma_start3A_1006 = tpu.memref_slice %arg15[%add3A_1001] : memref<1048592xf32, #tpu.memory_space<vmem_shared>> -> memref<1536xf32, #tpu.memory_space<vmem_shared>>
    tpu.enqueue_dma source(%dma_start3A_1006 : memref<1536xf32, #tpu.memory_space<vmem_shared>>) target(%dma_start3A_1005 : memref<1536xf32, #tpu.memory_space<hbm>>) target_semaphore(%arg16 : memref<!tpu.dma_semaphore, #tpu.memory_space<semaphore_mem>>)
    %mul3A_1007 = arith.constant 32 : i32
    %mul3A_1008 = arith.muli %arg1, %mul3A_1007 : i32
    %add3A_1009 = arith.constant 27 : i32
    %add3A_1010 = arith.addi %mul3A_1008, %add3A_1009 : i32
    %mul3A_1011 = arith.constant 1536 : i32
    %mul3A_1012 = arith.muli %add3A_1010, %mul3A_1011 : i32
    %add3A_1013 = arith.constant 262144 : i32
    %add3A_1014 = arith.addi %add3A_1013, %mul3A_1012 : i32
    %add3A_1015 = arith.addi %mul3A_129, %add3A_1010 : i32
    %dma_start3A_1016 = arith.constant 0 : i32
    %dma_start3A_1017 = tpu.memref_slice %arg9[%add3A_1015, %dma_start3A_1016] : memref<1024x1536xf32, #tpu.memory_space<hbm>> -> memref<1x1536xf32, #tpu.memory_space<hbm>>
    %dma_start3A_1018 = tpu.memref_squeeze %dma_start3A_1017 : memref<1x1536xf32, #tpu.memory_space<hbm>> -> memref<1536xf32, #tpu.memory_space<hbm>>
    %dma_start3A_1019 = tpu.memref_slice %arg15[%add3A_1014] : memref<1048592xf32, #tpu.memory_space<vmem_shared>> -> memref<1536xf32, #tpu.memory_space<vmem_shared>>
    tpu.enqueue_dma source(%dma_start3A_1019 : memref<1536xf32, #tpu.memory_space<vmem_shared>>) target(%dma_start3A_1018 : memref<1536xf32, #tpu.memory_space<hbm>>) target_semaphore(%arg16 : memref<!tpu.dma_semaphore, #tpu.memory_space<semaphore_mem>>)
    %mul3A_1020 = arith.constant 32 : i32
    %mul3A_1021 = arith.muli %arg1, %mul3A_1020 : i32
    %add3A_1022 = arith.constant 28 : i32
    %add3A_1023 = arith.addi %mul3A_1021, %add3A_1022 : i32
    %mul3A_1024 = arith.constant 1536 : i32
    %mul3A_1025 = arith.muli %add3A_1023, %mul3A_1024 : i32
    %add3A_1026 = arith.constant 262144 : i32
    %add3A_1027 = arith.addi %add3A_1026, %mul3A_1025 : i32
    %add3A_1028 = arith.addi %mul3A_129, %add3A_1023 : i32
    %dma_start3A_1029 = arith.constant 0 : i32
    %dma_start3A_1030 = tpu.memref_slice %arg9[%add3A_1028, %dma_start3A_1029] : memref<1024x1536xf32, #tpu.memory_space<hbm>> -> memref<1x1536xf32, #tpu.memory_space<hbm>>
    %dma_start3A_1031 = tpu.memref_squeeze %dma_start3A_1030 : memref<1x1536xf32, #tpu.memory_space<hbm>> -> memref<1536xf32, #tpu.memory_space<hbm>>
    %dma_start3A_1032 = tpu.memref_slice %arg15[%add3A_1027] : memref<1048592xf32, #tpu.memory_space<vmem_shared>> -> memref<1536xf32, #tpu.memory_space<vmem_shared>>
    tpu.enqueue_dma source(%dma_start3A_1032 : memref<1536xf32, #tpu.memory_space<vmem_shared>>) target(%dma_start3A_1031 : memref<1536xf32, #tpu.memory_space<hbm>>) target_semaphore(%arg16 : memref<!tpu.dma_semaphore, #tpu.memory_space<semaphore_mem>>)
    %mul3A_1033 = arith.constant 32 : i32
    %mul3A_1034 = arith.muli %arg1, %mul3A_1033 : i32
    %add3A_1035 = arith.constant 29 : i32
    %add3A_1036 = arith.addi %mul3A_1034, %add3A_1035 : i32
    %mul3A_1037 = arith.constant 1536 : i32
    %mul3A_1038 = arith.muli %add3A_1036, %mul3A_1037 : i32
    %add3A_1039 = arith.constant 262144 : i32
    %add3A_1040 = arith.addi %add3A_1039, %mul3A_1038 : i32
    %add3A_1041 = arith.addi %mul3A_129, %add3A_1036 : i32
    %dma_start3A_1042 = arith.constant 0 : i32
    %dma_start3A_1043 = tpu.memref_slice %arg9[%add3A_1041, %dma_start3A_1042] : memref<1024x1536xf32, #tpu.memory_space<hbm>> -> memref<1x1536xf32, #tpu.memory_space<hbm>>
    %dma_start3A_1044 = tpu.memref_squeeze %dma_start3A_1043 : memref<1x1536xf32, #tpu.memory_space<hbm>> -> memref<1536xf32, #tpu.memory_space<hbm>>
    %dma_start3A_1045 = tpu.memref_slice %arg15[%add3A_1040] : memref<1048592xf32, #tpu.memory_space<vmem_shared>> -> memref<1536xf32, #tpu.memory_space<vmem_shared>>
    tpu.enqueue_dma source(%dma_start3A_1045 : memref<1536xf32, #tpu.memory_space<vmem_shared>>) target(%dma_start3A_1044 : memref<1536xf32, #tpu.memory_space<hbm>>) target_semaphore(%arg16 : memref<!tpu.dma_semaphore, #tpu.memory_space<semaphore_mem>>)
    %mul3A_1046 = arith.constant 32 : i32
    %mul3A_1047 = arith.muli %arg1, %mul3A_1046 : i32
    %add3A_1048 = arith.constant 30 : i32
    %add3A_1049 = arith.addi %mul3A_1047, %add3A_1048 : i32
    %mul3A_1050 = arith.constant 1536 : i32
    %mul3A_1051 = arith.muli %add3A_1049, %mul3A_1050 : i32
    %add3A_1052 = arith.constant 262144 : i32
    %add3A_1053 = arith.addi %add3A_1052, %mul3A_1051 : i32
    %add3A_1054 = arith.addi %mul3A_129, %add3A_1049 : i32
    %dma_start3A_1055 = arith.constant 0 : i32
    %dma_start3A_1056 = tpu.memref_slice %arg9[%add3A_1054, %dma_start3A_1055] : memref<1024x1536xf32, #tpu.memory_space<hbm>> -> memref<1x1536xf32, #tpu.memory_space<hbm>>
    %dma_start3A_1057 = tpu.memref_squeeze %dma_start3A_1056 : memref<1x1536xf32, #tpu.memory_space<hbm>> -> memref<1536xf32, #tpu.memory_space<hbm>>
    %dma_start3A_1058 = tpu.memref_slice %arg15[%add3A_1053] : memref<1048592xf32, #tpu.memory_space<vmem_shared>> -> memref<1536xf32, #tpu.memory_space<vmem_shared>>
    tpu.enqueue_dma source(%dma_start3A_1058 : memref<1536xf32, #tpu.memory_space<vmem_shared>>) target(%dma_start3A_1057 : memref<1536xf32, #tpu.memory_space<hbm>>) target_semaphore(%arg16 : memref<!tpu.dma_semaphore, #tpu.memory_space<semaphore_mem>>)
    %mul3A_1059 = arith.constant 32 : i32
    %mul3A_1060 = arith.muli %arg1, %mul3A_1059 : i32
    %add3A_1061 = arith.constant 31 : i32
    %add3A_1062 = arith.addi %mul3A_1060, %add3A_1061 : i32
    %mul3A_1063 = arith.constant 1536 : i32
    %mul3A_1064 = arith.muli %add3A_1062, %mul3A_1063 : i32
    %add3A_1065 = arith.constant 262144 : i32
    %add3A_1066 = arith.addi %add3A_1065, %mul3A_1064 : i32
    %add3A_1067 = arith.addi %mul3A_129, %add3A_1062 : i32
    %dma_start3A_1068 = arith.constant 0 : i32
    %dma_start3A_1069 = tpu.memref_slice %arg9[%add3A_1067, %dma_start3A_1068] : memref<1024x1536xf32, #tpu.memory_space<hbm>> -> memref<1x1536xf32, #tpu.memory_space<hbm>>
    %dma_start3A_1070 = tpu.memref_squeeze %dma_start3A_1069 : memref<1x1536xf32, #tpu.memory_space<hbm>> -> memref<1536xf32, #tpu.memory_space<hbm>>
    %dma_start3A_1071 = tpu.memref_slice %arg15[%add3A_1066] : memref<1048592xf32, #tpu.memory_space<vmem_shared>> -> memref<1536xf32, #tpu.memory_space<vmem_shared>>
    tpu.enqueue_dma source(%dma_start3A_1071 : memref<1536xf32, #tpu.memory_space<vmem_shared>>) target(%dma_start3A_1070 : memref<1536xf32, #tpu.memory_space<hbm>>) target_semaphore(%arg16 : memref<!tpu.dma_semaphore, #tpu.memory_space<semaphore_mem>>)
    %dma_wait3A_1072 = arith.constant 0 : i32
    %dma_wait3A_1073 = tpu.memref_slice %arg8[%add3A_229, %dma_wait3A_1072] : memref<512x1024xf32, #tpu.memory_space<hbm>> -> memref<1x1024xf32, #tpu.memory_space<hbm>>
    %dma_wait3A_1074 = tpu.memref_squeeze %dma_wait3A_1073 : memref<1x1024xf32, #tpu.memory_space<hbm>> -> memref<1024xf32, #tpu.memory_space<hbm>>
    %dma_wait3A_1075 = tpu.memref_slice %arg15[%mul3A_228] : memref<1048592xf32, #tpu.memory_space<vmem_shared>> -> memref<1024xf32, #tpu.memory_space<vmem_shared>>
    tpu.wait_dma2 semaphore(%arg16 : memref<!tpu.dma_semaphore, #tpu.memory_space<semaphore_mem>>) src(%dma_wait3A_1075 : memref<1024xf32, #tpu.memory_space<vmem_shared>>) dst(%dma_wait3A_1074 : memref<1024xf32, #tpu.memory_space<hbm>>)
    %dma_wait3A_1076 = arith.constant 0 : i32
    %dma_wait3A_1077 = tpu.memref_slice %arg8[%add3A_240, %dma_wait3A_1076] : memref<512x1024xf32, #tpu.memory_space<hbm>> -> memref<1x1024xf32, #tpu.memory_space<hbm>>
    %dma_wait3A_1078 = tpu.memref_squeeze %dma_wait3A_1077 : memref<1x1024xf32, #tpu.memory_space<hbm>> -> memref<1024xf32, #tpu.memory_space<hbm>>
    %dma_wait3A_1079 = tpu.memref_slice %arg15[%mul3A_239] : memref<1048592xf32, #tpu.memory_space<vmem_shared>> -> memref<1024xf32, #tpu.memory_space<vmem_shared>>
    tpu.wait_dma2 semaphore(%arg16 : memref<!tpu.dma_semaphore, #tpu.memory_space<semaphore_mem>>) src(%dma_wait3A_1079 : memref<1024xf32, #tpu.memory_space<vmem_shared>>) dst(%dma_wait3A_1078 : memref<1024xf32, #tpu.memory_space<hbm>>)
    %dma_wait3A_1080 = arith.constant 0 : i32
    %dma_wait3A_1081 = tpu.memref_slice %arg8[%add3A_251, %dma_wait3A_1080] : memref<512x1024xf32, #tpu.memory_space<hbm>> -> memref<1x1024xf32, #tpu.memory_space<hbm>>
    %dma_wait3A_1082 = tpu.memref_squeeze %dma_wait3A_1081 : memref<1x1024xf32, #tpu.memory_space<hbm>> -> memref<1024xf32, #tpu.memory_space<hbm>>
    %dma_wait3A_1083 = tpu.memref_slice %arg15[%mul3A_250] : memref<1048592xf32, #tpu.memory_space<vmem_shared>> -> memref<1024xf32, #tpu.memory_space<vmem_shared>>
    tpu.wait_dma2 semaphore(%arg16 : memref<!tpu.dma_semaphore, #tpu.memory_space<semaphore_mem>>) src(%dma_wait3A_1083 : memref<1024xf32, #tpu.memory_space<vmem_shared>>) dst(%dma_wait3A_1082 : memref<1024xf32, #tpu.memory_space<hbm>>)
    %dma_wait3A_1084 = arith.constant 0 : i32
    %dma_wait3A_1085 = tpu.memref_slice %arg8[%add3A_262, %dma_wait3A_1084] : memref<512x1024xf32, #tpu.memory_space<hbm>> -> memref<1x1024xf32, #tpu.memory_space<hbm>>
    %dma_wait3A_1086 = tpu.memref_squeeze %dma_wait3A_1085 : memref<1x1024xf32, #tpu.memory_space<hbm>> -> memref<1024xf32, #tpu.memory_space<hbm>>
    %dma_wait3A_1087 = tpu.memref_slice %arg15[%mul3A_261] : memref<1048592xf32, #tpu.memory_space<vmem_shared>> -> memref<1024xf32, #tpu.memory_space<vmem_shared>>
    tpu.wait_dma2 semaphore(%arg16 : memref<!tpu.dma_semaphore, #tpu.memory_space<semaphore_mem>>) src(%dma_wait3A_1087 : memref<1024xf32, #tpu.memory_space<vmem_shared>>) dst(%dma_wait3A_1086 : memref<1024xf32, #tpu.memory_space<hbm>>)
    %dma_wait3A_1088 = arith.constant 0 : i32
    %dma_wait3A_1089 = tpu.memref_slice %arg8[%add3A_273, %dma_wait3A_1088] : memref<512x1024xf32, #tpu.memory_space<hbm>> -> memref<1x1024xf32, #tpu.memory_space<hbm>>
    %dma_wait3A_1090 = tpu.memref_squeeze %dma_wait3A_1089 : memref<1x1024xf32, #tpu.memory_space<hbm>> -> memref<1024xf32, #tpu.memory_space<hbm>>
    %dma_wait3A_1091 = tpu.memref_slice %arg15[%mul3A_272] : memref<1048592xf32, #tpu.memory_space<vmem_shared>> -> memref<1024xf32, #tpu.memory_space<vmem_shared>>
    tpu.wait_dma2 semaphore(%arg16 : memref<!tpu.dma_semaphore, #tpu.memory_space<semaphore_mem>>) src(%dma_wait3A_1091 : memref<1024xf32, #tpu.memory_space<vmem_shared>>) dst(%dma_wait3A_1090 : memref<1024xf32, #tpu.memory_space<hbm>>)
    %dma_wait3A_1092 = arith.constant 0 : i32
    %dma_wait3A_1093 = tpu.memref_slice %arg8[%add3A_284, %dma_wait3A_1092] : memref<512x1024xf32, #tpu.memory_space<hbm>> -> memref<1x1024xf32, #tpu.memory_space<hbm>>
    %dma_wait3A_1094 = tpu.memref_squeeze %dma_wait3A_1093 : memref<1x1024xf32, #tpu.memory_space<hbm>> -> memref<1024xf32, #tpu.memory_space<hbm>>
    %dma_wait3A_1095 = tpu.memref_slice %arg15[%mul3A_283] : memref<1048592xf32, #tpu.memory_space<vmem_shared>> -> memref<1024xf32, #tpu.memory_space<vmem_shared>>
    tpu.wait_dma2 semaphore(%arg16 : memref<!tpu.dma_semaphore, #tpu.memory_space<semaphore_mem>>) src(%dma_wait3A_1095 : memref<1024xf32, #tpu.memory_space<vmem_shared>>) dst(%dma_wait3A_1094 : memref<1024xf32, #tpu.memory_space<hbm>>)
    %dma_wait3A_1096 = arith.constant 0 : i32
    %dma_wait3A_1097 = tpu.memref_slice %arg8[%add3A_295, %dma_wait3A_1096] : memref<512x1024xf32, #tpu.memory_space<hbm>> -> memref<1x1024xf32, #tpu.memory_space<hbm>>
    %dma_wait3A_1098 = tpu.memref_squeeze %dma_wait3A_1097 : memref<1x1024xf32, #tpu.memory_space<hbm>> -> memref<1024xf32, #tpu.memory_space<hbm>>
    %dma_wait3A_1099 = tpu.memref_slice %arg15[%mul3A_294] : memref<1048592xf32, #tpu.memory_space<vmem_shared>> -> memref<1024xf32, #tpu.memory_space<vmem_shared>>
    tpu.wait_dma2 semaphore(%arg16 : memref<!tpu.dma_semaphore, #tpu.memory_space<semaphore_mem>>) src(%dma_wait3A_1099 : memref<1024xf32, #tpu.memory_space<vmem_shared>>) dst(%dma_wait3A_1098 : memref<1024xf32, #tpu.memory_space<hbm>>)
    %dma_wait3A_1100 = arith.constant 0 : i32
    %dma_wait3A_1101 = tpu.memref_slice %arg8[%add3A_306, %dma_wait3A_1100] : memref<512x1024xf32, #tpu.memory_space<hbm>> -> memref<1x1024xf32, #tpu.memory_space<hbm>>
    %dma_wait3A_1102 = tpu.memref_squeeze %dma_wait3A_1101 : memref<1x1024xf32, #tpu.memory_space<hbm>> -> memref<1024xf32, #tpu.memory_space<hbm>>
    %dma_wait3A_1103 = tpu.memref_slice %arg15[%mul3A_305] : memref<1048592xf32, #tpu.memory_space<vmem_shared>> -> memref<1024xf32, #tpu.memory_space<vmem_shared>>
    tpu.wait_dma2 semaphore(%arg16 : memref<!tpu.dma_semaphore, #tpu.memory_space<semaphore_mem>>) src(%dma_wait3A_1103 : memref<1024xf32, #tpu.memory_space<vmem_shared>>) dst(%dma_wait3A_1102 : memref<1024xf32, #tpu.memory_space<hbm>>)
    %dma_wait3A_1104 = arith.constant 0 : i32
    %dma_wait3A_1105 = tpu.memref_slice %arg8[%add3A_317, %dma_wait3A_1104] : memref<512x1024xf32, #tpu.memory_space<hbm>> -> memref<1x1024xf32, #tpu.memory_space<hbm>>
    %dma_wait3A_1106 = tpu.memref_squeeze %dma_wait3A_1105 : memref<1x1024xf32, #tpu.memory_space<hbm>> -> memref<1024xf32, #tpu.memory_space<hbm>>
    %dma_wait3A_1107 = tpu.memref_slice %arg15[%mul3A_316] : memref<1048592xf32, #tpu.memory_space<vmem_shared>> -> memref<1024xf32, #tpu.memory_space<vmem_shared>>
    tpu.wait_dma2 semaphore(%arg16 : memref<!tpu.dma_semaphore, #tpu.memory_space<semaphore_mem>>) src(%dma_wait3A_1107 : memref<1024xf32, #tpu.memory_space<vmem_shared>>) dst(%dma_wait3A_1106 : memref<1024xf32, #tpu.memory_space<hbm>>)
    %dma_wait3A_1108 = arith.constant 0 : i32
    %dma_wait3A_1109 = tpu.memref_slice %arg8[%add3A_328, %dma_wait3A_1108] : memref<512x1024xf32, #tpu.memory_space<hbm>> -> memref<1x1024xf32, #tpu.memory_space<hbm>>
    %dma_wait3A_1110 = tpu.memref_squeeze %dma_wait3A_1109 : memref<1x1024xf32, #tpu.memory_space<hbm>> -> memref<1024xf32, #tpu.memory_space<hbm>>
    %dma_wait3A_1111 = tpu.memref_slice %arg15[%mul3A_327] : memref<1048592xf32, #tpu.memory_space<vmem_shared>> -> memref<1024xf32, #tpu.memory_space<vmem_shared>>
    tpu.wait_dma2 semaphore(%arg16 : memref<!tpu.dma_semaphore, #tpu.memory_space<semaphore_mem>>) src(%dma_wait3A_1111 : memref<1024xf32, #tpu.memory_space<vmem_shared>>) dst(%dma_wait3A_1110 : memref<1024xf32, #tpu.memory_space<hbm>>)
    %dma_wait3A_1112 = arith.constant 0 : i32
    %dma_wait3A_1113 = tpu.memref_slice %arg8[%add3A_339, %dma_wait3A_1112] : memref<512x1024xf32, #tpu.memory_space<hbm>> -> memref<1x1024xf32, #tpu.memory_space<hbm>>
    %dma_wait3A_1114 = tpu.memref_squeeze %dma_wait3A_1113 : memref<1x1024xf32, #tpu.memory_space<hbm>> -> memref<1024xf32, #tpu.memory_space<hbm>>
    %dma_wait3A_1115 = tpu.memref_slice %arg15[%mul3A_338] : memref<1048592xf32, #tpu.memory_space<vmem_shared>> -> memref<1024xf32, #tpu.memory_space<vmem_shared>>
    tpu.wait_dma2 semaphore(%arg16 : memref<!tpu.dma_semaphore, #tpu.memory_space<semaphore_mem>>) src(%dma_wait3A_1115 : memref<1024xf32, #tpu.memory_space<vmem_shared>>) dst(%dma_wait3A_1114 : memref<1024xf32, #tpu.memory_space<hbm>>)
    %dma_wait3A_1116 = arith.constant 0 : i32
    %dma_wait3A_1117 = tpu.memref_slice %arg8[%add3A_350, %dma_wait3A_1116] : memref<512x1024xf32, #tpu.memory_space<hbm>> -> memref<1x1024xf32, #tpu.memory_space<hbm>>
    %dma_wait3A_1118 = tpu.memref_squeeze %dma_wait3A_1117 : memref<1x1024xf32, #tpu.memory_space<hbm>> -> memref<1024xf32, #tpu.memory_space<hbm>>
    %dma_wait3A_1119 = tpu.memref_slice %arg15[%mul3A_349] : memref<1048592xf32, #tpu.memory_space<vmem_shared>> -> memref<1024xf32, #tpu.memory_space<vmem_shared>>
    tpu.wait_dma2 semaphore(%arg16 : memref<!tpu.dma_semaphore, #tpu.memory_space<semaphore_mem>>) src(%dma_wait3A_1119 : memref<1024xf32, #tpu.memory_space<vmem_shared>>) dst(%dma_wait3A_1118 : memref<1024xf32, #tpu.memory_space<hbm>>)
    %dma_wait3A_1120 = arith.constant 0 : i32
    %dma_wait3A_1121 = tpu.memref_slice %arg8[%add3A_361, %dma_wait3A_1120] : memref<512x1024xf32, #tpu.memory_space<hbm>> -> memref<1x1024xf32, #tpu.memory_space<hbm>>
    %dma_wait3A_1122 = tpu.memref_squeeze %dma_wait3A_1121 : memref<1x1024xf32, #tpu.memory_space<hbm>> -> memref<1024xf32, #tpu.memory_space<hbm>>
    %dma_wait3A_1123 = tpu.memref_slice %arg15[%mul3A_360] : memref<1048592xf32, #tpu.memory_space<vmem_shared>> -> memref<1024xf32, #tpu.memory_space<vmem_shared>>
    tpu.wait_dma2 semaphore(%arg16 : memref<!tpu.dma_semaphore, #tpu.memory_space<semaphore_mem>>) src(%dma_wait3A_1123 : memref<1024xf32, #tpu.memory_space<vmem_shared>>) dst(%dma_wait3A_1122 : memref<1024xf32, #tpu.memory_space<hbm>>)
    %dma_wait3A_1124 = arith.constant 0 : i32
    %dma_wait3A_1125 = tpu.memref_slice %arg8[%add3A_372, %dma_wait3A_1124] : memref<512x1024xf32, #tpu.memory_space<hbm>> -> memref<1x1024xf32, #tpu.memory_space<hbm>>
    %dma_wait3A_1126 = tpu.memref_squeeze %dma_wait3A_1125 : memref<1x1024xf32, #tpu.memory_space<hbm>> -> memref<1024xf32, #tpu.memory_space<hbm>>
    %dma_wait3A_1127 = tpu.memref_slice %arg15[%mul3A_371] : memref<1048592xf32, #tpu.memory_space<vmem_shared>> -> memref<1024xf32, #tpu.memory_space<vmem_shared>>
    tpu.wait_dma2 semaphore(%arg16 : memref<!tpu.dma_semaphore, #tpu.memory_space<semaphore_mem>>) src(%dma_wait3A_1127 : memref<1024xf32, #tpu.memory_space<vmem_shared>>) dst(%dma_wait3A_1126 : memref<1024xf32, #tpu.memory_space<hbm>>)
    %dma_wait3A_1128 = arith.constant 0 : i32
    %dma_wait3A_1129 = tpu.memref_slice %arg8[%add3A_383, %dma_wait3A_1128] : memref<512x1024xf32, #tpu.memory_space<hbm>> -> memref<1x1024xf32, #tpu.memory_space<hbm>>
    %dma_wait3A_1130 = tpu.memref_squeeze %dma_wait3A_1129 : memref<1x1024xf32, #tpu.memory_space<hbm>> -> memref<1024xf32, #tpu.memory_space<hbm>>
    %dma_wait3A_1131 = tpu.memref_slice %arg15[%mul3A_382] : memref<1048592xf32, #tpu.memory_space<vmem_shared>> -> memref<1024xf32, #tpu.memory_space<vmem_shared>>
    tpu.wait_dma2 semaphore(%arg16 : memref<!tpu.dma_semaphore, #tpu.memory_space<semaphore_mem>>) src(%dma_wait3A_1131 : memref<1024xf32, #tpu.memory_space<vmem_shared>>) dst(%dma_wait3A_1130 : memref<1024xf32, #tpu.memory_space<hbm>>)
    %dma_wait3A_1132 = arith.constant 0 : i32
    %dma_wait3A_1133 = tpu.memref_slice %arg8[%add3A_394, %dma_wait3A_1132] : memref<512x1024xf32, #tpu.memory_space<hbm>> -> memref<1x1024xf32, #tpu.memory_space<hbm>>
    %dma_wait3A_1134 = tpu.memref_squeeze %dma_wait3A_1133 : memref<1x1024xf32, #tpu.memory_space<hbm>> -> memref<1024xf32, #tpu.memory_space<hbm>>
    %dma_wait3A_1135 = tpu.memref_slice %arg15[%mul3A_393] : memref<1048592xf32, #tpu.memory_space<vmem_shared>> -> memref<1024xf32, #tpu.memory_space<vmem_shared>>
    tpu.wait_dma2 semaphore(%arg16 : memref<!tpu.dma_semaphore, #tpu.memory_space<semaphore_mem>>) src(%dma_wait3A_1135 : memref<1024xf32, #tpu.memory_space<vmem_shared>>) dst(%dma_wait3A_1134 : memref<1024xf32, #tpu.memory_space<hbm>>)
    %dma_wait3A_1136 = arith.constant 0 : i32
    %dma_wait3A_1137 = tpu.memref_slice %arg9[%add3A_664, %dma_wait3A_1136] : memref<1024x1536xf32, #tpu.memory_space<hbm>> -> memref<1x1536xf32, #tpu.memory_space<hbm>>
    %dma_wait3A_1138 = tpu.memref_squeeze %dma_wait3A_1137 : memref<1x1536xf32, #tpu.memory_space<hbm>> -> memref<1536xf32, #tpu.memory_space<hbm>>
    %dma_wait3A_1139 = tpu.memref_slice %arg15[%add3A_663] : memref<1048592xf32, #tpu.memory_space<vmem_shared>> -> memref<1536xf32, #tpu.memory_space<vmem_shared>>
    tpu.wait_dma2 semaphore(%arg16 : memref<!tpu.dma_semaphore, #tpu.memory_space<semaphore_mem>>) src(%dma_wait3A_1139 : memref<1536xf32, #tpu.memory_space<vmem_shared>>) dst(%dma_wait3A_1138 : memref<1536xf32, #tpu.memory_space<hbm>>)
    %dma_wait3A_1140 = arith.constant 0 : i32
    %dma_wait3A_1141 = tpu.memref_slice %arg9[%add3A_677, %dma_wait3A_1140] : memref<1024x1536xf32, #tpu.memory_space<hbm>> -> memref<1x1536xf32, #tpu.memory_space<hbm>>
    %dma_wait3A_1142 = tpu.memref_squeeze %dma_wait3A_1141 : memref<1x1536xf32, #tpu.memory_space<hbm>> -> memref<1536xf32, #tpu.memory_space<hbm>>
    %dma_wait3A_1143 = tpu.memref_slice %arg15[%add3A_676] : memref<1048592xf32, #tpu.memory_space<vmem_shared>> -> memref<1536xf32, #tpu.memory_space<vmem_shared>>
    tpu.wait_dma2 semaphore(%arg16 : memref<!tpu.dma_semaphore, #tpu.memory_space<semaphore_mem>>) src(%dma_wait3A_1143 : memref<1536xf32, #tpu.memory_space<vmem_shared>>) dst(%dma_wait3A_1142 : memref<1536xf32, #tpu.memory_space<hbm>>)
    %dma_wait3A_1144 = arith.constant 0 : i32
    %dma_wait3A_1145 = tpu.memref_slice %arg9[%add3A_690, %dma_wait3A_1144] : memref<1024x1536xf32, #tpu.memory_space<hbm>> -> memref<1x1536xf32, #tpu.memory_space<hbm>>
    %dma_wait3A_1146 = tpu.memref_squeeze %dma_wait3A_1145 : memref<1x1536xf32, #tpu.memory_space<hbm>> -> memref<1536xf32, #tpu.memory_space<hbm>>
    %dma_wait3A_1147 = tpu.memref_slice %arg15[%add3A_689] : memref<1048592xf32, #tpu.memory_space<vmem_shared>> -> memref<1536xf32, #tpu.memory_space<vmem_shared>>
    tpu.wait_dma2 semaphore(%arg16 : memref<!tpu.dma_semaphore, #tpu.memory_space<semaphore_mem>>) src(%dma_wait3A_1147 : memref<1536xf32, #tpu.memory_space<vmem_shared>>) dst(%dma_wait3A_1146 : memref<1536xf32, #tpu.memory_space<hbm>>)
    %dma_wait3A_1148 = arith.constant 0 : i32
    %dma_wait3A_1149 = tpu.memref_slice %arg9[%add3A_703, %dma_wait3A_1148] : memref<1024x1536xf32, #tpu.memory_space<hbm>> -> memref<1x1536xf32, #tpu.memory_space<hbm>>
    %dma_wait3A_1150 = tpu.memref_squeeze %dma_wait3A_1149 : memref<1x1536xf32, #tpu.memory_space<hbm>> -> memref<1536xf32, #tpu.memory_space<hbm>>
    %dma_wait3A_1151 = tpu.memref_slice %arg15[%add3A_702] : memref<1048592xf32, #tpu.memory_space<vmem_shared>> -> memref<1536xf32, #tpu.memory_space<vmem_shared>>
    tpu.wait_dma2 semaphore(%arg16 : memref<!tpu.dma_semaphore, #tpu.memory_space<semaphore_mem>>) src(%dma_wait3A_1151 : memref<1536xf32, #tpu.memory_space<vmem_shared>>) dst(%dma_wait3A_1150 : memref<1536xf32, #tpu.memory_space<hbm>>)
    %dma_wait3A_1152 = arith.constant 0 : i32
    %dma_wait3A_1153 = tpu.memref_slice %arg9[%add3A_716, %dma_wait3A_1152] : memref<1024x1536xf32, #tpu.memory_space<hbm>> -> memref<1x1536xf32, #tpu.memory_space<hbm>>
    %dma_wait3A_1154 = tpu.memref_squeeze %dma_wait3A_1153 : memref<1x1536xf32, #tpu.memory_space<hbm>> -> memref<1536xf32, #tpu.memory_space<hbm>>
    %dma_wait3A_1155 = tpu.memref_slice %arg15[%add3A_715] : memref<1048592xf32, #tpu.memory_space<vmem_shared>> -> memref<1536xf32, #tpu.memory_space<vmem_shared>>
    tpu.wait_dma2 semaphore(%arg16 : memref<!tpu.dma_semaphore, #tpu.memory_space<semaphore_mem>>) src(%dma_wait3A_1155 : memref<1536xf32, #tpu.memory_space<vmem_shared>>) dst(%dma_wait3A_1154 : memref<1536xf32, #tpu.memory_space<hbm>>)
    %dma_wait3A_1156 = arith.constant 0 : i32
    %dma_wait3A_1157 = tpu.memref_slice %arg9[%add3A_729, %dma_wait3A_1156] : memref<1024x1536xf32, #tpu.memory_space<hbm>> -> memref<1x1536xf32, #tpu.memory_space<hbm>>
    %dma_wait3A_1158 = tpu.memref_squeeze %dma_wait3A_1157 : memref<1x1536xf32, #tpu.memory_space<hbm>> -> memref<1536xf32, #tpu.memory_space<hbm>>
    %dma_wait3A_1159 = tpu.memref_slice %arg15[%add3A_728] : memref<1048592xf32, #tpu.memory_space<vmem_shared>> -> memref<1536xf32, #tpu.memory_space<vmem_shared>>
    tpu.wait_dma2 semaphore(%arg16 : memref<!tpu.dma_semaphore, #tpu.memory_space<semaphore_mem>>) src(%dma_wait3A_1159 : memref<1536xf32, #tpu.memory_space<vmem_shared>>) dst(%dma_wait3A_1158 : memref<1536xf32, #tpu.memory_space<hbm>>)
    %dma_wait3A_1160 = arith.constant 0 : i32
    %dma_wait3A_1161 = tpu.memref_slice %arg9[%add3A_742, %dma_wait3A_1160] : memref<1024x1536xf32, #tpu.memory_space<hbm>> -> memref<1x1536xf32, #tpu.memory_space<hbm>>
    %dma_wait3A_1162 = tpu.memref_squeeze %dma_wait3A_1161 : memref<1x1536xf32, #tpu.memory_space<hbm>> -> memref<1536xf32, #tpu.memory_space<hbm>>
    %dma_wait3A_1163 = tpu.memref_slice %arg15[%add3A_741] : memref<1048592xf32, #tpu.memory_space<vmem_shared>> -> memref<1536xf32, #tpu.memory_space<vmem_shared>>
    tpu.wait_dma2 semaphore(%arg16 : memref<!tpu.dma_semaphore, #tpu.memory_space<semaphore_mem>>) src(%dma_wait3A_1163 : memref<1536xf32, #tpu.memory_space<vmem_shared>>) dst(%dma_wait3A_1162 : memref<1536xf32, #tpu.memory_space<hbm>>)
    %dma_wait3A_1164 = arith.constant 0 : i32
    %dma_wait3A_1165 = tpu.memref_slice %arg9[%add3A_755, %dma_wait3A_1164] : memref<1024x1536xf32, #tpu.memory_space<hbm>> -> memref<1x1536xf32, #tpu.memory_space<hbm>>
    %dma_wait3A_1166 = tpu.memref_squeeze %dma_wait3A_1165 : memref<1x1536xf32, #tpu.memory_space<hbm>> -> memref<1536xf32, #tpu.memory_space<hbm>>
    %dma_wait3A_1167 = tpu.memref_slice %arg15[%add3A_754] : memref<1048592xf32, #tpu.memory_space<vmem_shared>> -> memref<1536xf32, #tpu.memory_space<vmem_shared>>
    tpu.wait_dma2 semaphore(%arg16 : memref<!tpu.dma_semaphore, #tpu.memory_space<semaphore_mem>>) src(%dma_wait3A_1167 : memref<1536xf32, #tpu.memory_space<vmem_shared>>) dst(%dma_wait3A_1166 : memref<1536xf32, #tpu.memory_space<hbm>>)
    %dma_wait3A_1168 = arith.constant 0 : i32
    %dma_wait3A_1169 = tpu.memref_slice %arg9[%add3A_768, %dma_wait3A_1168] : memref<1024x1536xf32, #tpu.memory_space<hbm>> -> memref<1x1536xf32, #tpu.memory_space<hbm>>
    %dma_wait3A_1170 = tpu.memref_squeeze %dma_wait3A_1169 : memref<1x1536xf32, #tpu.memory_space<hbm>> -> memref<1536xf32, #tpu.memory_space<hbm>>
    %dma_wait3A_1171 = tpu.memref_slice %arg15[%add3A_767] : memref<1048592xf32, #tpu.memory_space<vmem_shared>> -> memref<1536xf32, #tpu.memory_space<vmem_shared>>
    tpu.wait_dma2 semaphore(%arg16 : memref<!tpu.dma_semaphore, #tpu.memory_space<semaphore_mem>>) src(%dma_wait3A_1171 : memref<1536xf32, #tpu.memory_space<vmem_shared>>) dst(%dma_wait3A_1170 : memref<1536xf32, #tpu.memory_space<hbm>>)
    %dma_wait3A_1172 = arith.constant 0 : i32
    %dma_wait3A_1173 = tpu.memref_slice %arg9[%add3A_781, %dma_wait3A_1172] : memref<1024x1536xf32, #tpu.memory_space<hbm>> -> memref<1x1536xf32, #tpu.memory_space<hbm>>
    %dma_wait3A_1174 = tpu.memref_squeeze %dma_wait3A_1173 : memref<1x1536xf32, #tpu.memory_space<hbm>> -> memref<1536xf32, #tpu.memory_space<hbm>>
    %dma_wait3A_1175 = tpu.memref_slice %arg15[%add3A_780] : memref<1048592xf32, #tpu.memory_space<vmem_shared>> -> memref<1536xf32, #tpu.memory_space<vmem_shared>>
    tpu.wait_dma2 semaphore(%arg16 : memref<!tpu.dma_semaphore, #tpu.memory_space<semaphore_mem>>) src(%dma_wait3A_1175 : memref<1536xf32, #tpu.memory_space<vmem_shared>>) dst(%dma_wait3A_1174 : memref<1536xf32, #tpu.memory_space<hbm>>)
    %dma_wait3A_1176 = arith.constant 0 : i32
    %dma_wait3A_1177 = tpu.memref_slice %arg9[%add3A_794, %dma_wait3A_1176] : memref<1024x1536xf32, #tpu.memory_space<hbm>> -> memref<1x1536xf32, #tpu.memory_space<hbm>>
    %dma_wait3A_1178 = tpu.memref_squeeze %dma_wait3A_1177 : memref<1x1536xf32, #tpu.memory_space<hbm>> -> memref<1536xf32, #tpu.memory_space<hbm>>
    %dma_wait3A_1179 = tpu.memref_slice %arg15[%add3A_793] : memref<1048592xf32, #tpu.memory_space<vmem_shared>> -> memref<1536xf32, #tpu.memory_space<vmem_shared>>
    tpu.wait_dma2 semaphore(%arg16 : memref<!tpu.dma_semaphore, #tpu.memory_space<semaphore_mem>>) src(%dma_wait3A_1179 : memref<1536xf32, #tpu.memory_space<vmem_shared>>) dst(%dma_wait3A_1178 : memref<1536xf32, #tpu.memory_space<hbm>>)
    %dma_wait3A_1180 = arith.constant 0 : i32
    %dma_wait3A_1181 = tpu.memref_slice %arg9[%add3A_807, %dma_wait3A_1180] : memref<1024x1536xf32, #tpu.memory_space<hbm>> -> memref<1x1536xf32, #tpu.memory_space<hbm>>
    %dma_wait3A_1182 = tpu.memref_squeeze %dma_wait3A_1181 : memref<1x1536xf32, #tpu.memory_space<hbm>> -> memref<1536xf32, #tpu.memory_space<hbm>>
    %dma_wait3A_1183 = tpu.memref_slice %arg15[%add3A_806] : memref<1048592xf32, #tpu.memory_space<vmem_shared>> -> memref<1536xf32, #tpu.memory_space<vmem_shared>>
    tpu.wait_dma2 semaphore(%arg16 : memref<!tpu.dma_semaphore, #tpu.memory_space<semaphore_mem>>) src(%dma_wait3A_1183 : memref<1536xf32, #tpu.memory_space<vmem_shared>>) dst(%dma_wait3A_1182 : memref<1536xf32, #tpu.memory_space<hbm>>)
    %dma_wait3A_1184 = arith.constant 0 : i32
    %dma_wait3A_1185 = tpu.memref_slice %arg9[%add3A_820, %dma_wait3A_1184] : memref<1024x1536xf32, #tpu.memory_space<hbm>> -> memref<1x1536xf32, #tpu.memory_space<hbm>>
    %dma_wait3A_1186 = tpu.memref_squeeze %dma_wait3A_1185 : memref<1x1536xf32, #tpu.memory_space<hbm>> -> memref<1536xf32, #tpu.memory_space<hbm>>
    %dma_wait3A_1187 = tpu.memref_slice %arg15[%add3A_819] : memref<1048592xf32, #tpu.memory_space<vmem_shared>> -> memref<1536xf32, #tpu.memory_space<vmem_shared>>
    tpu.wait_dma2 semaphore(%arg16 : memref<!tpu.dma_semaphore, #tpu.memory_space<semaphore_mem>>) src(%dma_wait3A_1187 : memref<1536xf32, #tpu.memory_space<vmem_shared>>) dst(%dma_wait3A_1186 : memref<1536xf32, #tpu.memory_space<hbm>>)
    %dma_wait3A_1188 = arith.constant 0 : i32
    %dma_wait3A_1189 = tpu.memref_slice %arg9[%add3A_833, %dma_wait3A_1188] : memref<1024x1536xf32, #tpu.memory_space<hbm>> -> memref<1x1536xf32, #tpu.memory_space<hbm>>
    %dma_wait3A_1190 = tpu.memref_squeeze %dma_wait3A_1189 : memref<1x1536xf32, #tpu.memory_space<hbm>> -> memref<1536xf32, #tpu.memory_space<hbm>>
    %dma_wait3A_1191 = tpu.memref_slice %arg15[%add3A_832] : memref<1048592xf32, #tpu.memory_space<vmem_shared>> -> memref<1536xf32, #tpu.memory_space<vmem_shared>>
    tpu.wait_dma2 semaphore(%arg16 : memref<!tpu.dma_semaphore, #tpu.memory_space<semaphore_mem>>) src(%dma_wait3A_1191 : memref<1536xf32, #tpu.memory_space<vmem_shared>>) dst(%dma_wait3A_1190 : memref<1536xf32, #tpu.memory_space<hbm>>)
    %dma_wait3A_1192 = arith.constant 0 : i32
    %dma_wait3A_1193 = tpu.memref_slice %arg9[%add3A_846, %dma_wait3A_1192] : memref<1024x1536xf32, #tpu.memory_space<hbm>> -> memref<1x1536xf32, #tpu.memory_space<hbm>>
    %dma_wait3A_1194 = tpu.memref_squeeze %dma_wait3A_1193 : memref<1x1536xf32, #tpu.memory_space<hbm>> -> memref<1536xf32, #tpu.memory_space<hbm>>
    %dma_wait3A_1195 = tpu.memref_slice %arg15[%add3A_845] : memref<1048592xf32, #tpu.memory_space<vmem_shared>> -> memref<1536xf32, #tpu.memory_space<vmem_shared>>
    tpu.wait_dma2 semaphore(%arg16 : memref<!tpu.dma_semaphore, #tpu.memory_space<semaphore_mem>>) src(%dma_wait3A_1195 : memref<1536xf32, #tpu.memory_space<vmem_shared>>) dst(%dma_wait3A_1194 : memref<1536xf32, #tpu.memory_space<hbm>>)
    %dma_wait3A_1196 = arith.constant 0 : i32
    %dma_wait3A_1197 = tpu.memref_slice %arg9[%add3A_859, %dma_wait3A_1196] : memref<1024x1536xf32, #tpu.memory_space<hbm>> -> memref<1x1536xf32, #tpu.memory_space<hbm>>
    %dma_wait3A_1198 = tpu.memref_squeeze %dma_wait3A_1197 : memref<1x1536xf32, #tpu.memory_space<hbm>> -> memref<1536xf32, #tpu.memory_space<hbm>>
    %dma_wait3A_1199 = tpu.memref_slice %arg15[%add3A_858] : memref<1048592xf32, #tpu.memory_space<vmem_shared>> -> memref<1536xf32, #tpu.memory_space<vmem_shared>>
    tpu.wait_dma2 semaphore(%arg16 : memref<!tpu.dma_semaphore, #tpu.memory_space<semaphore_mem>>) src(%dma_wait3A_1199 : memref<1536xf32, #tpu.memory_space<vmem_shared>>) dst(%dma_wait3A_1198 : memref<1536xf32, #tpu.memory_space<hbm>>)
    %dma_wait3A_1200 = arith.constant 0 : i32
    %dma_wait3A_1201 = tpu.memref_slice %arg9[%add3A_872, %dma_wait3A_1200] : memref<1024x1536xf32, #tpu.memory_space<hbm>> -> memref<1x1536xf32, #tpu.memory_space<hbm>>
    %dma_wait3A_1202 = tpu.memref_squeeze %dma_wait3A_1201 : memref<1x1536xf32, #tpu.memory_space<hbm>> -> memref<1536xf32, #tpu.memory_space<hbm>>
    %dma_wait3A_1203 = tpu.memref_slice %arg15[%add3A_871] : memref<1048592xf32, #tpu.memory_space<vmem_shared>> -> memref<1536xf32, #tpu.memory_space<vmem_shared>>
    tpu.wait_dma2 semaphore(%arg16 : memref<!tpu.dma_semaphore, #tpu.memory_space<semaphore_mem>>) src(%dma_wait3A_1203 : memref<1536xf32, #tpu.memory_space<vmem_shared>>) dst(%dma_wait3A_1202 : memref<1536xf32, #tpu.memory_space<hbm>>)
    %dma_wait3A_1204 = arith.constant 0 : i32
    %dma_wait3A_1205 = tpu.memref_slice %arg9[%add3A_885, %dma_wait3A_1204] : memref<1024x1536xf32, #tpu.memory_space<hbm>> -> memref<1x1536xf32, #tpu.memory_space<hbm>>
    %dma_wait3A_1206 = tpu.memref_squeeze %dma_wait3A_1205 : memref<1x1536xf32, #tpu.memory_space<hbm>> -> memref<1536xf32, #tpu.memory_space<hbm>>
    %dma_wait3A_1207 = tpu.memref_slice %arg15[%add3A_884] : memref<1048592xf32, #tpu.memory_space<vmem_shared>> -> memref<1536xf32, #tpu.memory_space<vmem_shared>>
    tpu.wait_dma2 semaphore(%arg16 : memref<!tpu.dma_semaphore, #tpu.memory_space<semaphore_mem>>) src(%dma_wait3A_1207 : memref<1536xf32, #tpu.memory_space<vmem_shared>>) dst(%dma_wait3A_1206 : memref<1536xf32, #tpu.memory_space<hbm>>)
    %dma_wait3A_1208 = arith.constant 0 : i32
    %dma_wait3A_1209 = tpu.memref_slice %arg9[%add3A_898, %dma_wait3A_1208] : memref<1024x1536xf32, #tpu.memory_space<hbm>> -> memref<1x1536xf32, #tpu.memory_space<hbm>>
    %dma_wait3A_1210 = tpu.memref_squeeze %dma_wait3A_1209 : memref<1x1536xf32, #tpu.memory_space<hbm>> -> memref<1536xf32, #tpu.memory_space<hbm>>
    %dma_wait3A_1211 = tpu.memref_slice %arg15[%add3A_897] : memref<1048592xf32, #tpu.memory_space<vmem_shared>> -> memref<1536xf32, #tpu.memory_space<vmem_shared>>
    tpu.wait_dma2 semaphore(%arg16 : memref<!tpu.dma_semaphore, #tpu.memory_space<semaphore_mem>>) src(%dma_wait3A_1211 : memref<1536xf32, #tpu.memory_space<vmem_shared>>) dst(%dma_wait3A_1210 : memref<1536xf32, #tpu.memory_space<hbm>>)
    %dma_wait3A_1212 = arith.constant 0 : i32
    %dma_wait3A_1213 = tpu.memref_slice %arg9[%add3A_911, %dma_wait3A_1212] : memref<1024x1536xf32, #tpu.memory_space<hbm>> -> memref<1x1536xf32, #tpu.memory_space<hbm>>
    %dma_wait3A_1214 = tpu.memref_squeeze %dma_wait3A_1213 : memref<1x1536xf32, #tpu.memory_space<hbm>> -> memref<1536xf32, #tpu.memory_space<hbm>>
    %dma_wait3A_1215 = tpu.memref_slice %arg15[%add3A_910] : memref<1048592xf32, #tpu.memory_space<vmem_shared>> -> memref<1536xf32, #tpu.memory_space<vmem_shared>>
    tpu.wait_dma2 semaphore(%arg16 : memref<!tpu.dma_semaphore, #tpu.memory_space<semaphore_mem>>) src(%dma_wait3A_1215 : memref<1536xf32, #tpu.memory_space<vmem_shared>>) dst(%dma_wait3A_1214 : memref<1536xf32, #tpu.memory_space<hbm>>)
    %dma_wait3A_1216 = arith.constant 0 : i32
    %dma_wait3A_1217 = tpu.memref_slice %arg9[%add3A_924, %dma_wait3A_1216] : memref<1024x1536xf32, #tpu.memory_space<hbm>> -> memref<1x1536xf32, #tpu.memory_space<hbm>>
    %dma_wait3A_1218 = tpu.memref_squeeze %dma_wait3A_1217 : memref<1x1536xf32, #tpu.memory_space<hbm>> -> memref<1536xf32, #tpu.memory_space<hbm>>
    %dma_wait3A_1219 = tpu.memref_slice %arg15[%add3A_923] : memref<1048592xf32, #tpu.memory_space<vmem_shared>> -> memref<1536xf32, #tpu.memory_space<vmem_shared>>
    tpu.wait_dma2 semaphore(%arg16 : memref<!tpu.dma_semaphore, #tpu.memory_space<semaphore_mem>>) src(%dma_wait3A_1219 : memref<1536xf32, #tpu.memory_space<vmem_shared>>) dst(%dma_wait3A_1218 : memref<1536xf32, #tpu.memory_space<hbm>>)
    %dma_wait3A_1220 = arith.constant 0 : i32
    %dma_wait3A_1221 = tpu.memref_slice %arg9[%add3A_937, %dma_wait3A_1220] : memref<1024x1536xf32, #tpu.memory_space<hbm>> -> memref<1x1536xf32, #tpu.memory_space<hbm>>
    %dma_wait3A_1222 = tpu.memref_squeeze %dma_wait3A_1221 : memref<1x1536xf32, #tpu.memory_space<hbm>> -> memref<1536xf32, #tpu.memory_space<hbm>>
    %dma_wait3A_1223 = tpu.memref_slice %arg15[%add3A_936] : memref<1048592xf32, #tpu.memory_space<vmem_shared>> -> memref<1536xf32, #tpu.memory_space<vmem_shared>>
    tpu.wait_dma2 semaphore(%arg16 : memref<!tpu.dma_semaphore, #tpu.memory_space<semaphore_mem>>) src(%dma_wait3A_1223 : memref<1536xf32, #tpu.memory_space<vmem_shared>>) dst(%dma_wait3A_1222 : memref<1536xf32, #tpu.memory_space<hbm>>)
    %dma_wait3A_1224 = arith.constant 0 : i32
    %dma_wait3A_1225 = tpu.memref_slice %arg9[%add3A_950, %dma_wait3A_1224] : memref<1024x1536xf32, #tpu.memory_space<hbm>> -> memref<1x1536xf32, #tpu.memory_space<hbm>>
    %dma_wait3A_1226 = tpu.memref_squeeze %dma_wait3A_1225 : memref<1x1536xf32, #tpu.memory_space<hbm>> -> memref<1536xf32, #tpu.memory_space<hbm>>
    %dma_wait3A_1227 = tpu.memref_slice %arg15[%add3A_949] : memref<1048592xf32, #tpu.memory_space<vmem_shared>> -> memref<1536xf32, #tpu.memory_space<vmem_shared>>
    tpu.wait_dma2 semaphore(%arg16 : memref<!tpu.dma_semaphore, #tpu.memory_space<semaphore_mem>>) src(%dma_wait3A_1227 : memref<1536xf32, #tpu.memory_space<vmem_shared>>) dst(%dma_wait3A_1226 : memref<1536xf32, #tpu.memory_space<hbm>>)
    %dma_wait3A_1228 = arith.constant 0 : i32
    %dma_wait3A_1229 = tpu.memref_slice %arg9[%add3A_963, %dma_wait3A_1228] : memref<1024x1536xf32, #tpu.memory_space<hbm>> -> memref<1x1536xf32, #tpu.memory_space<hbm>>
    %dma_wait3A_1230 = tpu.memref_squeeze %dma_wait3A_1229 : memref<1x1536xf32, #tpu.memory_space<hbm>> -> memref<1536xf32, #tpu.memory_space<hbm>>
    %dma_wait3A_1231 = tpu.memref_slice %arg15[%add3A_962] : memref<1048592xf32, #tpu.memory_space<vmem_shared>> -> memref<1536xf32, #tpu.memory_space<vmem_shared>>
    tpu.wait_dma2 semaphore(%arg16 : memref<!tpu.dma_semaphore, #tpu.memory_space<semaphore_mem>>) src(%dma_wait3A_1231 : memref<1536xf32, #tpu.memory_space<vmem_shared>>) dst(%dma_wait3A_1230 : memref<1536xf32, #tpu.memory_space<hbm>>)
    %dma_wait3A_1232 = arith.constant 0 : i32
    %dma_wait3A_1233 = tpu.memref_slice %arg9[%add3A_976, %dma_wait3A_1232] : memref<1024x1536xf32, #tpu.memory_space<hbm>> -> memref<1x1536xf32, #tpu.memory_space<hbm>>
    %dma_wait3A_1234 = tpu.memref_squeeze %dma_wait3A_1233 : memref<1x1536xf32, #tpu.memory_space<hbm>> -> memref<1536xf32, #tpu.memory_space<hbm>>
    %dma_wait3A_1235 = tpu.memref_slice %arg15[%add3A_975] : memref<1048592xf32, #tpu.memory_space<vmem_shared>> -> memref<1536xf32, #tpu.memory_space<vmem_shared>>
    tpu.wait_dma2 semaphore(%arg16 : memref<!tpu.dma_semaphore, #tpu.memory_space<semaphore_mem>>) src(%dma_wait3A_1235 : memref<1536xf32, #tpu.memory_space<vmem_shared>>) dst(%dma_wait3A_1234 : memref<1536xf32, #tpu.memory_space<hbm>>)
    %dma_wait3A_1236 = arith.constant 0 : i32
    %dma_wait3A_1237 = tpu.memref_slice %arg9[%add3A_989, %dma_wait3A_1236] : memref<1024x1536xf32, #tpu.memory_space<hbm>> -> memref<1x1536xf32, #tpu.memory_space<hbm>>
    %dma_wait3A_1238 = tpu.memref_squeeze %dma_wait3A_1237 : memref<1x1536xf32, #tpu.memory_space<hbm>> -> memref<1536xf32, #tpu.memory_space<hbm>>
    %dma_wait3A_1239 = tpu.memref_slice %arg15[%add3A_988] : memref<1048592xf32, #tpu.memory_space<vmem_shared>> -> memref<1536xf32, #tpu.memory_space<vmem_shared>>
    tpu.wait_dma2 semaphore(%arg16 : memref<!tpu.dma_semaphore, #tpu.memory_space<semaphore_mem>>) src(%dma_wait3A_1239 : memref<1536xf32, #tpu.memory_space<vmem_shared>>) dst(%dma_wait3A_1238 : memref<1536xf32, #tpu.memory_space<hbm>>)
    %dma_wait3A_1240 = arith.constant 0 : i32
    %dma_wait3A_1241 = tpu.memref_slice %arg9[%add3A_1002, %dma_wait3A_1240] : memref<1024x1536xf32, #tpu.memory_space<hbm>> -> memref<1x1536xf32, #tpu.memory_space<hbm>>
    %dma_wait3A_1242 = tpu.memref_squeeze %dma_wait3A_1241 : memref<1x1536xf32, #tpu.memory_space<hbm>> -> memref<1536xf32, #tpu.memory_space<hbm>>
    %dma_wait3A_1243 = tpu.memref_slice %arg15[%add3A_1001] : memref<1048592xf32, #tpu.memory_space<vmem_shared>> -> memref<1536xf32, #tpu.memory_space<vmem_shared>>
    tpu.wait_dma2 semaphore(%arg16 : memref<!tpu.dma_semaphore, #tpu.memory_space<semaphore_mem>>) src(%dma_wait3A_1243 : memref<1536xf32, #tpu.memory_space<vmem_shared>>) dst(%dma_wait3A_1242 : memref<1536xf32, #tpu.memory_space<hbm>>)
    %dma_wait3A_1244 = arith.constant 0 : i32
    %dma_wait3A_1245 = tpu.memref_slice %arg9[%add3A_1015, %dma_wait3A_1244] : memref<1024x1536xf32, #tpu.memory_space<hbm>> -> memref<1x1536xf32, #tpu.memory_space<hbm>>
    %dma_wait3A_1246 = tpu.memref_squeeze %dma_wait3A_1245 : memref<1x1536xf32, #tpu.memory_space<hbm>> -> memref<1536xf32, #tpu.memory_space<hbm>>
    %dma_wait3A_1247 = tpu.memref_slice %arg15[%add3A_1014] : memref<1048592xf32, #tpu.memory_space<vmem_shared>> -> memref<1536xf32, #tpu.memory_space<vmem_shared>>
    tpu.wait_dma2 semaphore(%arg16 : memref<!tpu.dma_semaphore, #tpu.memory_space<semaphore_mem>>) src(%dma_wait3A_1247 : memref<1536xf32, #tpu.memory_space<vmem_shared>>) dst(%dma_wait3A_1246 : memref<1536xf32, #tpu.memory_space<hbm>>)
    %dma_wait3A_1248 = arith.constant 0 : i32
    %dma_wait3A_1249 = tpu.memref_slice %arg9[%add3A_1028, %dma_wait3A_1248] : memref<1024x1536xf32, #tpu.memory_space<hbm>> -> memref<1x1536xf32, #tpu.memory_space<hbm>>
    %dma_wait3A_1250 = tpu.memref_squeeze %dma_wait3A_1249 : memref<1x1536xf32, #tpu.memory_space<hbm>> -> memref<1536xf32, #tpu.memory_space<hbm>>
    %dma_wait3A_1251 = tpu.memref_slice %arg15[%add3A_1027] : memref<1048592xf32, #tpu.memory_space<vmem_shared>> -> memref<1536xf32, #tpu.memory_space<vmem_shared>>
    tpu.wait_dma2 semaphore(%arg16 : memref<!tpu.dma_semaphore, #tpu.memory_space<semaphore_mem>>) src(%dma_wait3A_1251 : memref<1536xf32, #tpu.memory_space<vmem_shared>>) dst(%dma_wait3A_1250 : memref<1536xf32, #tpu.memory_space<hbm>>)
    %dma_wait3A_1252 = arith.constant 0 : i32
    %dma_wait3A_1253 = tpu.memref_slice %arg9[%add3A_1041, %dma_wait3A_1252] : memref<1024x1536xf32, #tpu.memory_space<hbm>> -> memref<1x1536xf32, #tpu.memory_space<hbm>>
    %dma_wait3A_1254 = tpu.memref_squeeze %dma_wait3A_1253 : memref<1x1536xf32, #tpu.memory_space<hbm>> -> memref<1536xf32, #tpu.memory_space<hbm>>
    %dma_wait3A_1255 = tpu.memref_slice %arg15[%add3A_1040] : memref<1048592xf32, #tpu.memory_space<vmem_shared>> -> memref<1536xf32, #tpu.memory_space<vmem_shared>>
    tpu.wait_dma2 semaphore(%arg16 : memref<!tpu.dma_semaphore, #tpu.memory_space<semaphore_mem>>) src(%dma_wait3A_1255 : memref<1536xf32, #tpu.memory_space<vmem_shared>>) dst(%dma_wait3A_1254 : memref<1536xf32, #tpu.memory_space<hbm>>)
    %dma_wait3A_1256 = arith.constant 0 : i32
    %dma_wait3A_1257 = tpu.memref_slice %arg9[%add3A_1054, %dma_wait3A_1256] : memref<1024x1536xf32, #tpu.memory_space<hbm>> -> memref<1x1536xf32, #tpu.memory_space<hbm>>
    %dma_wait3A_1258 = tpu.memref_squeeze %dma_wait3A_1257 : memref<1x1536xf32, #tpu.memory_space<hbm>> -> memref<1536xf32, #tpu.memory_space<hbm>>
    %dma_wait3A_1259 = tpu.memref_slice %arg15[%add3A_1053] : memref<1048592xf32, #tpu.memory_space<vmem_shared>> -> memref<1536xf32, #tpu.memory_space<vmem_shared>>
    tpu.wait_dma2 semaphore(%arg16 : memref<!tpu.dma_semaphore, #tpu.memory_space<semaphore_mem>>) src(%dma_wait3A_1259 : memref<1536xf32, #tpu.memory_space<vmem_shared>>) dst(%dma_wait3A_1258 : memref<1536xf32, #tpu.memory_space<hbm>>)
    %dma_wait3A_1260 = arith.constant 0 : i32
    %dma_wait3A_1261 = tpu.memref_slice %arg9[%add3A_1067, %dma_wait3A_1260] : memref<1024x1536xf32, #tpu.memory_space<hbm>> -> memref<1x1536xf32, #tpu.memory_space<hbm>>
    %dma_wait3A_1262 = tpu.memref_squeeze %dma_wait3A_1261 : memref<1x1536xf32, #tpu.memory_space<hbm>> -> memref<1536xf32, #tpu.memory_space<hbm>>
    %dma_wait3A_1263 = tpu.memref_slice %arg15[%add3A_1066] : memref<1048592xf32, #tpu.memory_space<vmem_shared>> -> memref<1536xf32, #tpu.memory_space<vmem_shared>>
    tpu.wait_dma2 semaphore(%arg16 : memref<!tpu.dma_semaphore, #tpu.memory_space<semaphore_mem>>) src(%dma_wait3A_1263 : memref<1536xf32, #tpu.memory_space<vmem_shared>>) dst(%dma_wait3A_1262 : memref<1536xf32, #tpu.memory_space<hbm>>)
    return
  }
}

module attributes {stable_mosaic.version = 14 : i64} {
  func.func @_tc_body(%arg0: i32, %arg1: memref<256x1024xf32, #tpu.memory_space<vmem>>, %arg2: memref<512x1024xf32, #tpu.memory_space<vmem>>, %arg3: memref<1024x1536xf32, #tpu.memory_space<vmem>>, %arg4: memref<256x1024xf32, #tpu.memory_space<vmem>>) attributes {dimension_semantics = [#tpu.dimension_semantics<arbitrary>], iteration_bounds = array<i64: 4>, scalar_prefetch = 0 : i64, scratch_operands = 0 : i64, tpu.core_type = #tpu.core_type<tc>, window_params = [{transform_indices = @transform_0, window_bounds = array<i64: 256, 1024>}, {pipeline_mode = #tpu.pipeline_mode<synchronous>, transform_indices = @transform_1, window_bounds = array<i64: 512, 1024>}, {pipeline_mode = #tpu.pipeline_mode<synchronous>, transform_indices = @transform_2, window_bounds = array<i64: 1024, 1536>}, {transform_indices = @transform_3, window_bounds = array<i64: 256, 1024>}]} {
    %get3A = arith.constant 0 : index
    %get3A_0 = arith.constant 0 : index
    %get3A_1 = vector.load %arg1[%get3A, %get3A_0] : memref<256x1024xf32, #tpu.memory_space<vmem>>, vector<256x1024xf32>
    %get3A_2 = arith.constant 0 : index
    %get3A_3 = arith.constant 0 : index
    %get3A_4 = vector.load %arg2[%get3A_2, %get3A_3] : memref<512x1024xf32, #tpu.memory_space<vmem>>, vector<512x1024xf32>
    %dot_general3A = arith.constant dense<0.000000e+00> : vector<256x512xf32>
    %dot_general3A_5 = tpu.matmul %get3A_1, %get3A_4, %dot_general3A {dimension_numbers = #tpu.dot_dimension_numbers<[1], [1], [0], [0], [0, 0, 1, 0], [], []>, transpose_lhs_hint = false} : vector<256x1024xf32>, vector<512x1024xf32>, vector<256x512xf32> -> vector<256x512xf32>
    %concatenate3A = tpu.concatenate %get3A_1, %dot_general3A_5 in 1 : vector<256x1024xf32>, vector<256x512xf32> -> vector<256x1536xf32>
    %get3A_6 = arith.constant 0 : index
    %get3A_7 = arith.constant 0 : index
    %get3A_8 = vector.load %arg3[%get3A_6, %get3A_7] : memref<1024x1536xf32, #tpu.memory_space<vmem>>, vector<1024x1536xf32>
    %dot_general3A_9 = arith.constant dense<0.000000e+00> : vector<256x1024xf32>
    %dot_general3A_10 = tpu.matmul %concatenate3A, %get3A_8, %dot_general3A_9 {dimension_numbers = #tpu.dot_dimension_numbers<[1], [1], [0], [0], [0, 0, 1, 0], [], []>, transpose_lhs_hint = false} : vector<256x1536xf32>, vector<1024x1536xf32>, vector<256x1024xf32> -> vector<256x1024xf32>
    %swap3A = arith.constant 0 : index
    %swap3A_11 = arith.constant 0 : index
    %swap3A_12 = vector.load %arg4[%swap3A, %swap3A_11] : memref<256x1024xf32, #tpu.memory_space<vmem>>, vector<256x1024xf32>
    tpu.vector_store %arg4[%swap3A, %swap3A_11], %dot_general3A_10 {strides = array<i32>} : memref<256x1024xf32, #tpu.memory_space<vmem>>, vector<256x1024xf32>,
    return
  }
  func.func @transform_0(%arg0: i32) -> (i32, i32) {
    %c0_i32 = arith.constant 0 : i32
    %c0_i32_0 = arith.constant 0 : i32
    return %arg0, %c0_i32 : i32, i32
  }
  func.func @transform_1(%arg0: i32) -> (i32, i32) {
    %c0_i32 = arith.constant 0 : i32
    %c0_i32_0 = arith.constant 0 : i32
    %c0_i32_1 = arith.constant 0 : i32
    return %c0_i32, %c0_i32_0 : i32, i32
  }
  func.func @transform_2(%arg0: i32) -> (i32, i32) {
    %c0_i32 = arith.constant 0 : i32
    %c0_i32_0 = arith.constant 0 : i32
    %c0_i32_1 = arith.constant 0 : i32
    return %c0_i32, %c0_i32_0 : i32, i32
  }
  func.func @transform_3(%arg0: i32) -> (i32, i32) {
    %c0_i32 = arith.constant 0 : i32
    %c0_i32_0 = arith.constant 0 : i32
    return %arg0, %c0_i32 : i32, i32
  }
}

</mosaic_0001>

<sc_bundles>
// kernel: kernel.4.cloned.1.call-start
scs
__scs_entry_jumppad:
0x0: {  	(pc) =	sbr.rel $0x88, $3  }
0x1: {  	(tag) =	ssettag $0x0;
	lr =	simm.s32 $0x1  }
0x2: {  	[smem:$0x3F9A] =	sst lr;
	_ =	strace $0xD0000000  }
0x3: {  	_ = 	snop  }
0x4: {  	_ = 	snop  }
0x5: {  	_ = 	snop  }
0x6: {  	_ = 	snop  }
0x7: {  	_ = 	snop  }
__scs_overlays_trampoline_lowered:
0x8: {  	[smem:$0x3FA9] =	sst s0  }
0x9: {  	[smem:$0x3FAA] =	sst s1  }
0xa: {  	[smem:$0x3FAB] =	sst s2  }
0xb: {  	[smem:$0x3FAC] =	sst s3  }
0xc: {  	[smem:$0x3FAD] =	sst s4  }
0xd: {  	[smem:$0x3FAE] =	sst s5  }
0xe: {  	[smem:$0x3FAF] =	sst s6  }
0xf: {  	[smem:$0x3FB0] =	sst s7  }
0x10: {  	[smem:$0x3FB1] =	sst s8  }
0x11: {  	[smem:$0x3FB2] =	sst s9;
	s0 =	simm.s32 @!p0 $0x0  }
0x12: {  	s1 =	sld [smem:$0x3F98];
	s0 =	simm.s32 @p0 $0x1  }
0x13: {  	[smem:$0x3FB3] =	sst s0;
	s0 =	simm.s32 @!p1 $0x0  }
0x14: {  	s2 =	sld [smem:$0x3F97];
	s0 =	simm.s32 @p1 $0x1  }
0x15: {  	[smem:$0x3FB4] =	sst s0;
	s0 =	simm.s32 @!p2 $0x0  }
0x16: {  	s3 =	sld [smem:$0x3FDB];
	s0 =	simm.s32 @p2 $0x1  }
0x17: {  	s4 =	simm.s32 $0x1BF5;
	[smem:$0x3FB6] =	sst s0  }
0x18: {  	s0 =	sld [smem:$0x3F99];
	_ =	swait.ge [sflag:s4], $0x0  }
0x19: {  	s7 =	sld [smem:$0x3F9A]  }
0x1a: {  	s8 =	sadd.s32 $0xFFFFE003, lr  }
0x1b: {  	s9 =	sadd.s32 $0xFFFFFEF7, lr;
	s5 =	simm.s32 $0xFFFFFFFF;
	p2 =	slt.u32 s8, $0xFFFFF086  }
0x1c: {  	p1 =	slt.u32 s9, $0xF7A;
	s5 =	simm.s32 @!p2 $0x0  }
0x1d: {  	s5 =	simm.s32 @p1 $0x1;
	p0 =	seq.s32 s7, s2  }
0x1e: {  	s7 =	smul.u32 @!p0 $0xF7A, s2;
	p2 =	seq.s32 @!p0 s5, $0x0  }
0x1f: {  	s9 =	smul.u32 $0xF7A, s1;
	s8 =	simm.s32 @!p0 $0x1BF5;
	p2 =	por !p2, p0  }
0x20: {  	[sflag:s8] =	ssyncset.s32 @!p0 $0xFFFFF086;
	s6 =	sadd.s32 @!p0 s3, s7;
	s7 =	simm.s32 @!p0 $0x108  }
0x21: {  	s3 =	sadd.s32 s3, s9;
	s6 =	sadd.s32 @!p0 $0x88, s6;
	s7 =	simm.s32 @p2 $0x1082  }
0x22: {  	[simem:s7], [sflag:s8] =	dma.local @!p0 [hbm:s6], $0xF7A  }
0x23: {  	s9 =	sor.u32 $0xD0000000, s2;
	s6 =	simm.s32 $0x108;
	_ =	swait.ge @!p0 [sflag:s8], $0x0  }
0x24: {  	s3 =	sadd.s32 $0x88, s3;
	s6 =	simm.s32 @!p1 $0x1082;
	[sflag:s4] =	ssyncset.s32 $0xFFFFF086  }
0x25: {  	[simem:s6], [sflag:s4] =	dma.local [hbm:s3], $0xF7A  }
0x26: {  	[smem:$0x3F9A] =	sst s1;
	(tag) =	ssettag s2;
	_ =	strace s9  }
0x27: {  	s1 =	sld [smem:$0x3FAA]  }
0x28: {  	s2 =	sld [smem:$0x3FAB]  }
0x29: {  	s4 =	sld [smem:$0x3FAD]  }
0x2a: {  	p0 =	seq.s32 s5, $0x0;
	s5 =	sld [smem:$0x3FAE]  }
0x2b: {  	s6 =	sld [smem:$0x3FAF]  }
0x2c: {  	s7 =	sld [smem:$0x3FB0]  }
0x2d: {  	s3 =	simm.s32 $0x108;
	s8 =	sld [smem:$0x3FB1]  }
0x2e: {  	s3 =	simm.s32 @!p0 $0x1082;
	s9 =	sld [smem:$0x3FB2]  }
0x2f: {  	lr =	sadd.s32 s0, s3;
	s0 =	sld [smem:$0x3FA9]  }
0x30: {  	s3 =	sld [smem:$0x3FAC]  }
0x31: {  	[smem:$0x3FB5] =	sst s10  }
0x32: {  	s10 =	sld [smem:$0x3FB3];
	_ =	sdelay $0x3  }
0x33: {  	p0 =	seq.s32 s10, $0x1;
	s10 =	sld [smem:$0x3FB5];
	_ =	sdelay $0x3  }
0x34: {  	[smem:$0x3FB5] =	sst s10  }
0x35: {  	s10 =	sld [smem:$0x3FB4];
	_ =	sdelay $0x3  }
0x36: {  	p1 =	seq.s32 s10, $0x1;
	s10 =	sld [smem:$0x3FB5];
	_ =	sdelay $0x3  }
0x37: {  	[smem:$0x3FB5] =	sst s10  }
0x38: {  	s10 =	sld [smem:$0x3FB6]  }
0x39: {  	_ = 	snop;
	(pc) =	sbr.ind lr, $3  }
0x3a: {  	_ = 	snop  }
0x3b: {  	_ = 	snop  }
0x3c: {  	p2 =	seq.s32 s10, $0x1;
	s10 =	sld [smem:$0x3FB5]  }
0x3d: {  	_ =	shalt  }
0x3e: {  	_ =	shalt  }
0x3f: {  	_ =	shalt  }
0x40: {  	_ =	shalt  }
0x41: {  	_ =	shalt  }
0x42: {  	_ =	shalt  }
0x43: {  	_ =	shalt  }
0x44: {  	_ =	shalt  }
0x45: {  	_ =	shalt  }
0x46: {  	_ =	shalt  }
0x47: {  	_ =	shalt  }
0x48: {  	_ =	shalt  }
0x49: {  	_ =	shalt  }
0x4a: {  	_ =	shalt  }
0x4b: {  	_ =	shalt  }
0x4c: {  	_ =	shalt  }
0x4d: {  	_ =	shalt  }
0x4e: {  	_ =	shalt  }
0x4f: {  	_ =	shalt  }
0x50: {  	_ =	shalt  }
0x51: {  	_ =	shalt  }
0x52: {  	_ =	shalt  }
0x53: {  	_ =	shalt  }
0x54: {  	_ =	shalt  }
0x55: {  	_ =	shalt  }
0x56: {  	_ =	shalt  }
0x57: {  	_ =	shalt  }
0x58: {  	_ =	shalt  }
0x59: {  	_ =	shalt  }
0x5a: {  	_ =	shalt  }
0x5b: {  	_ =	shalt  }
0x5c: {  	_ =	shalt  }
0x5d: {  	_ =	shalt  }
0x5e: {  	_ =	shalt  }
0x5f: {  	_ =	shalt  }
0x60: {  	_ =	shalt  }
0x61: {  	_ =	shalt  }
0x62: {  	_ =	shalt  }
0x63: {  	_ =	shalt  }
0x64: {  	_ =	shalt  }
0x65: {  	_ =	shalt  }
0x66: {  	_ =	shalt  }
0x67: {  	_ =	shalt  }
0x68: {  	_ =	shalt  }
0x69: {  	_ =	shalt  }
0x6a: {  	_ =	shalt  }
0x6b: {  	_ =	shalt  }
0x6c: {  	_ =	shalt  }
0x6d: {  	_ =	shalt  }
0x6e: {  	_ =	shalt  }
0x6f: {  	_ =	shalt  }
0x70: {  	_ =	shalt  }
0x71: {  	_ =	shalt  }
0x72: {  	_ =	shalt  }
0x73: {  	_ =	shalt  }
0x74: {  	_ =	shalt  }
0x75: {  	_ =	shalt  }
0x76: {  	_ =	shalt  }
0x77: {  	_ =	shalt  }
0x78: {  	_ =	shalt  }
0x79: {  	_ =	shalt  }
0x7a: {  	_ =	shalt  }
0x7b: {  	_ =	shalt  }
0x7c: {  	_ =	shalt  }
0x7d: {  	_ =	shalt  }
0x7e: {  	_ =	shalt  }
0x7f: {  	_ =	shalt  }
0x80: {  	_ =	shalt  }
0x81: {  	_ =	shalt  }
0x82: {  	_ =	shalt  }
0x83: {  	_ =	shalt  }
0x84: {  	_ =	shalt  }
0x85: {  	_ =	shalt  }
0x86: {  	_ =	shalt  }
0x87: {  	_ =	shalt  }
.Lfunc_end0:
.L_simem_size_0:
called_computation_lowered:
.L_overlay_start_0:
0x88: {  	s2 =	sld [smem:$0x3FD9]  }
0x89: {  	s3 =	sld [smem:$0x3FFE];
	_ =	sdelay $0x1  }
0x8a: {  	s1 =	srdreg.scid  }
0x8b: {  	s0 =	sand.u32 $0x1, s1  }
0x8c: {  	s17 =	sshll.u32 s0, $0xA;
	s2 =	sadd.s32 s3, s2  }
0x8d: {  	s2 =	sadd.s32 s2, s17  }
0x8e: {  	[smem:$0x3FC1] =	sst s2  }
0x8f: {  	_ = 	snop  }
0x90: {  	s2 =	sld [smem:$0x3FC8]  }
0x91: {  	s18 =	sld [smem:$0x3FC7]  }
0x92: {  	s4 =	sld [smem:$0x3FC6]  }
0x93: {  	s5 =	sld [smem:$0x3FC5]  }
0x94: {  	s6 =	sld [smem:$0x3FC4]  }
0x95: {  	s7 =	sld [smem:$0x3FC3]  }
0x96: {  	s8 =	sld [smem:$0x3FD0];
	(tm) =	ssettm $0x1  }
0x97: {  	s9 =	sld [smem:$0x3FFB];
	_ =	sdelay $0x3  }
0x98: {  	_ =	strace s9  }
0x99: {  	s9 =	sld [smem:$0x3FFC];
	_ =	sdelay $0x3  }
0x9a: {  	_ =	strace s9  }
0x9b: {  	s9 =	sld [smem:$0x3FFD];
	_ =	sdelay $0x3  }
0x9c: {  	_ =	strace s9  }
0x9d: {  	_ =	strace $0x8FFFFFFF  }
0x9e: {  	s19 =	sld [smem:$0x3FDB];
	_ =	sdelay $0x1  }
0x9f: {  	s10 =	simm.s32 $_scs_section_size  }
0xa0: {  	s11 =	simm.s32 $_size__tile_overlayer_lowered;
	s12 =	simm.s32 $_tile_overlayer_lowered  }
0xa1: {  	s22 =	simm.s32 $0x1BFF;
	s21 =	sshll.u32 s12, $0x1;
	s9 =	sadd.s32 s10, s19  }
0xa2: {  	s13 =	simm.s32 $0x0;
	s20 =	sshll.u32 s11, $0x1;
	s11 =	sadd.s32 s21, s9  }
0xa3: {  	[timem:s13], [sflag:s22] =	dma.local [hbm:s11], s20  }
0xa4: {  	_ =	swait.ge [sflag:s22], s20  }
0xa5: {  	s10 =	ssub.s32 $0x0, s20;
	[sflag:s22] =	ssyncset.done $0x0  }
0xa6: {  	[sflag:s22] =	ssyncadd.s32 s10;
	_ =	sdelay $0x1  }
0xa7: {  	s23 =	simm.s32 $0x1B8B  }
0xa8: {  	_ =	swait.ge [sflag:s23], $0x1  }
0xa9: {  	[sflag:s23] =	ssyncset.done $0x0  }
0xaa: {  	s25 =	simm.s32 $0x1B8E;
	s24 =	sld [smem:$0x3FFE];
	[sflag:s23] =	ssyncadd.s32 $0xFFFFFFFF  }
0xab: {  	s26 =	simm.s32 $execute0_lowered;
	[smem:$0x3FD2] =	sst s25  }
0xac: {  	s11 =	sshll.u32 s26, $0x1;
	_ =	strace $0x80000046;
	[dreg:$0x1] =	wrdreg $0xFFFFFFFF  }
0xad: {  	s28 =	simm.s32 $_size_execute0_lowered;
	s9 =	sadd.s32 s9, s11;
	[dreg:$0x0] =	wrdreg $0x0  }
0xae: {  	s11 =	sshll.u32 s28, $0x1;
	[dreg:$0x2] =	wrdreg s9  }
0xaf: {  	[dreg:$0x3] =	wrdreg s11  }
0xb0: {  	[dreg:$0x4] =	wrdreg $0xC0  }
0xb1: {  	_ =	task [dreg:s13], $0x5FFFF  }
0xb2: {  	[dreg:$0x1] =	wrdreg $0xFFFFFFFF  }
0xb3: {  	[dreg:$0x0] =	wrdreg $0x60  }
0xb4: {  	[dreg:$0x2] =	wrdreg s4  }
0xb5: {  	[dreg:$0x3] =	wrdreg s5  }
0xb6: {  	[dreg:$0x4] =	wrdreg s2  }
0xb7: {  	[dreg:$0x5] =	wrdreg s6  }
0xb8: {  	[dreg:$0x6] =	wrdreg s7  }
0xb9: {  	[dreg:$0x7] =	wrdreg s18  }
0xba: {  	[dreg:$0x8] =	wrdreg s8  }
0xbb: {  	[dreg:$0x9] =	wrdreg s24  }
0xbc: {  	[dreg:$0xa] =	wrdreg $0x4A000  }
0xbd: {  	[dreg:$0xb] =	wrdreg $0x9  }
0xbe: {  	_ =	task.clear_ibuf [dreg:s13], $0xCFFFF;
	_ =	strace $0x90000046  }
0xbf: {  	s29 =	simm.s32 $0x9;
	_ =	strace $0x80000048  }
0xc0: {  	_ =	swait.ge [sflag:s29], $0x1  }
0xc1: {  	[sflag:s29] =	ssyncadd.s32 $0xFFFFFFFF  }
0xc2: {  	_ =	strace $0x90000048  }
0xc3: {  	_ =	sfence  }
0xc4: {  	s30 =	sld [smem:$0x0];
	_ =	sdelay $0x2  }
0xc5: {  	s31 =	sshll.u32 s1, $0xD;
	s1 =	sshrl.u32 s1, $0x2  }
0xc6: {  	s3 =	sand.u32 $0x4000, s31;
	s1 =	sadd.s32 s1, s30  }
0xc7: {  	s0 =	sor.u32 s3, s0;
	s1 =	sshll.u32 s1, $0x11  }
0xc8: {  	s0 =	sor.u32 s1, s0  }
0xc9: {  	s0 =	sadd.s32 $0x8F2B, s0  }
0xca: {  	[sflag:s0] =	ssyncadd.remote.s32 $0x1  }
0xcb: {  	_ =	sfence.sel $0xFFFF  }
0xcc: {  	[dreg:$0x0] =	wrdreg $0xFFFFFFFF;
	(pc) =	sbr.abs _section_cstart, $3  }
0xcd: {  	[dreg:$0x1] =	wrdreg $0xFFFFFFFF  }
0xce: {  	_ =	task.clear_ibuf [dreg:s13], $0x2FFFF;
	_ =	strace $0x9FFFFFFF  }
0xcf: {  	(tm) =	ssettm $0x7FFFFFFF  }
tec
execute0_lowered:
.L_overlay_start_1:
0x0: {  	(tag) =	ssettag $0x1  }
0x1: {  	s1 =	rddreg [dreg:$0x3]  }
0x2: {  	s3 =	rddreg [dreg:$0x4]  }
0x3: {  	s0 =	srdreg.scid;
	s5 =	rddreg [dreg:$0x5]  }
0x4: {  	s15 =	stileid.u32;
	s2 =	sand.u32 $0x1, s0;
	s0 =	rddreg [dreg:$0x6]  }
0x5: {  	s14 =	sshll.u32 s15, $0x8;
	s4 =	ssub.s32 $0x2, s2;
	s8 =	sshll.u32 s2, $0x8  }
0x6: {  	s1 =	sadd.s32 s1, s14;
	s16 =	sadd.s32 s3, s14;
	s18 =	sadd.s32 s5, s14  }
0x7: {  	s19 =	sadd.s32 $0x10, s0;
	s9 =	sshll.u32 s2, $0x9;
	s21 =	sadd.s32 $0x20, s0  }
0x8: {  	s23 =	sadd.s32 $0x30, s0;
	s26 =	sadd.s32 $0x40, s0;
	[dreg:$0xa] =	wrdreg s1  }
0x9: {  	s11 =	sadd.s32 $0x50, s0;
	s6 =	sshrl.u32 s4, $0x1;
	[dreg:$0xb] =	wrdreg s16  }
0xa: {  	[dreg:$0xc] =	wrdreg s18;
	s4 =	ssub.s32 s4, s6;
	s6 =	sshll.u32 s15, $0x4  }
0xb: {  	[smem:$0x7C3] =	sst s4;
	s17 =	sor.u32 s6, s8;
	s7 =	sor.u32 $0x9, s6  }
0xc: {  	s10 =	sor.u32 $0xA, s6;
	s12 =	sor.u32 $0xB, s6;
	[smem:$0x7B5] =	sst s7  }
0xd: {  	s14 =	sor.u32 $0xC, s6;
	s16 =	sor.u32 $0xD, s6;
	[smem:$0x7B6] =	sst s10  }
0xe: {  	s1 =	sshll.u32 s17, $0x7;
	s25 =	sor.u32 s8, s7;
	[smem:$0x7B7] =	sst s12  }
0xf: {  	s10 =	sor.u32 s8, s10;
	s13 =	sor.u32 s8, s12;
	[smem:$0x7B8] =	sst s14  }
0x10: {  	[smem:$0x7B9] =	sst s16;
	s20 =	sadd.s32 s1, s19;
	s22 =	sadd.s32 s1, s21  }
0x11: {  	s24 =	sadd.s32 s1, s23;
	s5 =	sshll.u32 s25, $0x7;
	[dreg:$0xd] =	wrdreg s20  }
0x12: {  	s10 =	sshll.u32 s10, $0x7;
	s7 =	sadd.s32 s0, s1;
	[dreg:$0xe] =	wrdreg s22  }
0x13: {  	[dreg:$0xf] =	wrdreg s24;
	s5 =	sand.u32 $0xFC00, s5;
	s10 =	sand.u32 $0xFC00, s10  }
0x14: {  	s20 =	sor.u32 $0xE, s6;
	s24 =	sadd.s32 $0x60, s0;
	[dreg:$0x1a] =	wrdreg s7  }
0x15: {  	s3 =	sadd.s32 s5, s19;
	s2 =	sadd.s32 s10, s21;
	[smem:$0x7BA] =	sst s20  }
0x16: {  	s5 =	sor.u32 s8, s16;
	s21 =	sadd.s32 s1, s26;
	[dreg:$0x10] =	wrdreg s3  }
0x17: {  	s22 =	sor.u32 s8, s20;
	s20 =	simm.s32 $0x0;
	[dreg:$0x11] =	wrdreg s2  }
0x18: {  	s2 =	sshll.u32 s13, $0x7;
	s3 =	sor.u32 s8, s14;
	s18 =	sshll.u32 s5, $0x7  }
0x19: {  	[dreg:$0x14] =	wrdreg s21;
	s21 =	sor.u32 $0x8, s6;
	s2 =	sand.u32 $0xFC00, s2  }
0x1a: {  	[smem:$0x7FF] =	sst s20;
	s3 =	sshll.u32 s3, $0x7;
	s2 =	sadd.s32 s2, s23  }
0x1b: {  	s19 =	sand.u32 $0xFC00, s18;
	s23 =	sadd.s32 s1, s11;
	[dreg:$0x12] =	wrdreg s2  }
0x1c: {  	s17 =	sand.u32 $0xFC00, s3;
	s3 =	sadd.s32 s1, s24;
	[dreg:$0x16] =	wrdreg s23  }
0x1d: {  	s25 =	sor.u32 s8, s21;
	s2 =	sadd.s32 s17, s26;
	[dreg:$0x18] =	wrdreg s3  }
0x1e: {  	s4 =	sshll.u32 s25, $0x7;
	s26 =	sshllo.u32 s15, $0x4;
	[dreg:$0x13] =	wrdreg s2  }
0x1f: {  	s4 =	sadd.s32 s0, s4;
	s0 =	sadd.s32 $0x70, s0;
	[smem:$0x7BB] =	sst s26  }
0x20: {  	s2 =	sadd.s32 s19, s11;
	[dreg:$0x19] =	wrdreg s4;
	s6 =	sor.u32 s8, s26  }
0x21: {  	s19 =	sshll.u32 s15, $0x5;
	s1 =	sadd.s32 s1, s0;
	[dreg:$0x15] =	wrdreg s2  }
0x22: {  	s2 =	sshll.u32 s22, $0x7;
	s18 =	sor.u32 $0x8, s19;
	[dreg:$0x1b] =	wrdreg s1  }
0x23: {  	s11 =	sor.u32 $0x10, s19;
	s12 =	sor.u32 s19, s9;
	s13 =	sor.u32 $0x18, s19  }
0x24: {  	s23 =	sor.u32 $0x9, s19;
	s7 =	sor.u32 $0x11, s19;
	s31 =	sor.u32 $0xB, s19  }
0x25: {  	s29 =	sor.u32 $0x1E, s19;
	s2 =	sand.u32 $0xFC00, s2;
	[smem:$0x7BC] =	sst s11  }
0x26: {  	s10 =	sor.u32 s9, s18;
	s1 =	sor.u32 s9, s11;
	[smem:$0x7BE] =	sst s13  }
0x27: {  	s3 =	sor.u32 s9, s13;
	s17 =	sor.u32 s9, s23;
	[smem:$0x7BD] =	sst s7  }
0x28: {  	s2 =	sadd.s32 s2, s24;
	s1 =	sshrl.u32 s1, $0x3;
	s14 =	sshrl.u32 s3, $0x3  }
0x29: {  	s3 =	rddreg [dreg:$0x7];
	s22 =	sshrl.u32 s17, $0x3;
	s17 =	sor.u32 $0x12, s19  }
0x2a: {  	[dreg:$0x17] =	wrdreg s2;
	s2 =	sshll.u32 s6, $0x7;
	s1 =	smul.u32 $0x600, s1  }
0x2b: {  	s4 =	smul.u32 $0x600, s14;
	s16 =	sadd.s32 $0xE00, s3;
	s26 =	sadd.s32 $0xE10, s3  }
0x2c: {  	s11 =	sor.u32 s9, s17;
	s30 =	sadd.s32 $0xE60, s3;
	s2 =	sand.u32 $0xFC00, s2  }
0x2d: {  	s13 =	sshrl.u32 s11, $0x3;
	s11 =	sor.u32 $0x1B, s19;
	s0 =	sadd.s32 s2, s0  }
0x2e: {  	s2 =	sshrl.u32 s12, $0x3;
	s1 =	sadd.s32 s16, s1;
	[smem:$0x7C1] =	sst s11  }
0x2f: {  	s24 =	sadd.s32 s16, s4;
	s12 =	sor.u32 $0x1A, s19;
	[dreg:$0x1c] =	wrdreg s0  }
0x30: {  	s0 =	sshrl.u32 s10, $0x3;
	s5 =	smul.u32 $0x600, s2;
	[dreg:$0x1e] =	wrdreg s1  }
0x31: {  	[dreg:$0x1f] =	wrdreg s24;
	s24 =	sor.u32 $0xA, s19;
	s2 =	sor.u32 s9, s7  }
0x32: {  	s10 =	sor.u32 $0x19, s19;
	[smem:$0x7C0] =	sst s12;
	s14 =	sor.u32 s9, s12  }
0x33: {  	s0 =	smul.u32 $0x600, s0;
	s6 =	sor.u32 s9, s24;
	[smem:$0x7BF] =	sst s10  }
0x34: {  	s2 =	sshrl.u32 s2, $0x3;
	s4 =	sor.u32 s9, s10;
	s25 =	sadd.s32 s16, s5  }
0x35: {  	s2 =	smul.u32 $0x600, s2;
	s4 =	sshrl.u32 s4, $0x3;
	s1 =	sadd.s32 s5, s26  }
0x36: {  	s0 =	sadd.s32 s16, s0;
	[smem:$0x794] =	sst s25;
	s4 =	smul.u32 $0x600, s4  }
0x37: {  	s16 =	sshrl.u32 s14, $0x3;
	[smem:$0x798] =	sst s1;
	s25 =	sor.u32 s9, s31  }
0x38: {  	s1 =	sadd.s32 $0xE30, s3;
	s14 =	sor.u32 $0x1C, s19;
	[dreg:$0x1d] =	wrdreg s0  }
0x39: {  	s0 =	smul.u32 $0x600, s22;
	s2 =	sadd.s32 s2, s26;
	[smem:$0x7C2] =	sst s14  }
0x3a: {  	s22 =	sadd.s32 $0xE20, s3;
	[smem:$0x796] =	sst s2;
	s4 =	sadd.s32 s4, s26  }
0x3b: {  	s2 =	smul.u32 $0x600, s13;
	s0 =	sadd.s32 s0, s26;
	[smem:$0x797] =	sst s4  }
0x3c: {  	s13 =	sor.u32 $0xC, s19;
	s4 =	smul.u32 $0x600, s16;
	[smem:$0x795] =	sst s0  }
0x3d: {  	s0 =	sshrl.u32 s6, $0x3;
	s26 =	sadd.s32 s2, s22;
	s6 =	sor.u32 s9, s13  }
0x3e: {  	s0 =	smul.u32 $0x600, s0;
	[smem:$0x79A] =	sst s26;
	s2 =	sadd.s32 s4, s22  }
0x3f: {  	s4 =	sadd.s32 s5, s22;
	s7 =	sshrl.u32 s6, $0x3;
	s26 =	sor.u32 $0x14, s19  }
0x40: {  	[smem:$0x79C] =	sst s4;
	s4 =	sor.u32 s9, s11;
	s0 =	sadd.s32 s0, s22  }
0x41: {  	s12 =	sor.u32 s9, s26;
	s4 =	sshrl.u32 s4, $0x3;
	[smem:$0x799] =	sst s0  }
0x42: {  	s0 =	sshrl.u32 s25, $0x3;
	s25 =	sor.u32 $0x13, s19;
	s4 =	smul.u32 $0x600, s4  }
0x43: {  	s6 =	sshrl.u32 s12, $0x3;
	s0 =	smul.u32 $0x600, s0;
	s10 =	sor.u32 s9, s25  }
0x44: {  	[smem:$0x79B] =	sst s2;
	s16 =	smul.u32 $0x600, s6;
	s2 =	sshrl.u32 s10, $0x3  }
0x45: {  	s4 =	sadd.s32 s4, s1;
	s10 =	sor.u32 $0xD, s19;
	s0 =	sadd.s32 s0, s1  }
0x46: {  	s2 =	smul.u32 $0x600, s2;
	[smem:$0x79F] =	sst s4;
	s4 =	sadd.s32 $0xE40, s3  }
0x47: {  	[smem:$0x79D] =	sst s0;
	s0 =	smul.u32 $0x600, s7;
	s7 =	sor.u32 s9, s14  }
0x48: {  	s11 =	sadd.s32 s16, s4;
	s14 =	sor.u32 s9, s10;
	s16 =	sadd.s32 s5, s4  }
0x49: {  	s2 =	sadd.s32 s2, s1;
	s22 =	sshrl.u32 s7, $0x3;
	[smem:$0x7A2] =	sst s11  }
0x4a: {  	s1 =	sadd.s32 s5, s1;
	[smem:$0x7A4] =	sst s16;
	s7 =	sor.u32 $0xE, s19  }
0x4b: {  	s11 =	sadd.s32 $0xE50, s3;
	[smem:$0x79E] =	sst s2;
	s6 =	smul.u32 $0x600, s22  }
0x4c: {  	[smem:$0x7A0] =	sst s1;
	s0 =	sadd.s32 s0, s4;
	s22 =	sor.u32 s9, s7  }
0x4d: {  	[smem:$0x7A1] =	sst s0;
	s0 =	sshrl.u32 s14, $0x3;
	s14 =	sor.u32 $0x15, s19  }
0x4e: {  	s2 =	sshrl.u32 s22, $0x3;
	s22 =	sor.u32 $0x1D, s19;
	s0 =	smul.u32 $0x600, s0  }
0x4f: {  	s12 =	sadd.s32 s6, s4;
	s1 =	sor.u32 s9, s14;
	s2 =	smul.u32 $0x600, s2  }
0x50: {  	s4 =	sor.u32 s9, s22;
	[smem:$0x7A3] =	sst s12;
	s6 =	sshrl.u32 s1, $0x3  }
0x51: {  	s12 =	sshrl.u32 s4, $0x3;
	s28 =	smul.u32 $0x600, s6;
	s0 =	sadd.s32 s0, s11  }
0x52: {  	s16 =	smul.u32 $0x600, s12;
	s2 =	sadd.s32 s2, s30;
	[smem:$0x7A5] =	sst s0  }
0x53: {  	s12 =	sor.u32 $0x16, s19;
	[smem:$0x7A9] =	sst s2;
	s4 =	sadd.s32 s28, s11  }
0x54: {  	s28 =	sor.u32 s9, s12;
	s0 =	sadd.s32 s16, s11;
	[smem:$0x7A6] =	sst s4  }
0x55: {  	s6 =	sor.u32 s9, s29;
	s28 =	sshrl.u32 s28, $0x3;
	[smem:$0x7A7] =	sst s0  }
0x56: {  	s0 =	sshrl.u32 s6, $0x3;
	s4 =	sor.u32 $0xF, s19;
	s1 =	smul.u32 $0x600, s28  }
0x57: {  	s16 =	sadd.s32 s5, s11;
	s28 =	smul.u32 $0x600, s0;
	s11 =	sor.u32 s9, s4  }
0x58: {  	[smem:$0x7A8] =	sst s16;
	s2 =	sshrl.u32 s11, $0x3;
	s6 =	sadd.s32 s1, s30  }
0x59: {  	s16 =	sadd.s32 s28, s30;
	s1 =	sadd.s32 s5, s30;
	s30 =	rddreg [dreg:$0x0]  }
0x5a: {  	s28 =	smul.u32 $0x600, s2;
	s2 =	rddreg [dreg:$0x1]  }
0x5b: {  	s11 =	sor.u32 $0x17, s19;
	[smem:$0x7AA] =	sst s6  }
0x5c: {  	s3 =	sadd.s32 $0xE70, s3;
	s19 =	sor.u32 s9, s11;
	[smem:$0x7AB] =	sst s16  }
0x5d: {  	s5 =	sadd.s32 s5, s3;
	[smem:$0x7AC] =	sst s1;
	s16 =	sshllo.u32 s15, $0x5  }
0x5e: {  	s19 =	sshrl.u32 s19, $0x3;
	[smem:$0x7AD] =	sst s5;
	s6 =	sor.u32 s9, s16  }
0x5f: {  	s1 =	smul.u32 $0x600, s19;
	s19 =	rddreg [dreg:$0x8];
	s0 =	sshrl.u32 s6, $0x3  }
0x60: {  	s5 =	sadd.s32 s28, s3;
	s6 =	rddreg [dreg:$0x2];
	s0 =	smul.u32 $0x600, s0  }
0x61: {  	[smem:$0x7AE] =	sst s5;
	s1 =	sadd.s32 s1, s3  }
0x62: {  	[smem:$0x7AF] =	sst s1;
	s0 =	sadd.s32 s0, s3;
	s3 =	sshll.u32 s15, $0x6  }
0x63: {  	[smem:$0x7B0] =	sst s0;
	s5 =	sadd.s32 s30, s3  }
0x64: {  	s1 =	sadd.s32 s2, s3;
	_ =	strace $0x80000047;
	[smem:$0x7B1] =	sst s5  }
0x65: {  	[smem:$0x7B2] =	sst s1  }
0x66: {  	s5 =	sshll.u32 s21, $0xA;
	[smem:$0x7B3] =	sst s3;
	s21 =	sadd.s32 s6, s3  }
0x67: {  	s2 =	sshll.u32 s15, $0x10;
	[smem:$0x7B4] =	sst s21  }
0x68: {  	s28 =	sadd.s32 s2, s19;
	s0 =	sshrl.u32 s2, $0x2;
	s2 =	sld [smem:$0x7B5]  }
0x69: {  	s3 =	sld [smem:$0x7B6]  }
0x6a: {  	s1 =	sadd.s32 s5, s19;
	s5 =	sld [smem:$0x7B7]  }
0x6b: {  	s30 =	sadd.s32 s0, s19;
	[smem:$0x7CC] =	sst s1;
	s0 =	sshll.u32 s2, $0xA  }
0x6c: {  	s1 =	sshll.u32 s3, $0xA;
	s3 =	smul.u32 $0x30000, s15;
	s15 =	sld [smem:$0x7BB]  }
0x6d: {  	s2 =	sshll.u32 s5, $0xA;
	s6 =	sadd.s32 s1, s19;
	s1 =	sld [smem:$0x7B8]  }
0x6e: {  	s0 =	sadd.s32 s0, s19;
	s21 =	sadd.s32 s2, s19;
	s2 =	sld [smem:$0x7B9]  }
0x6f: {  	[smem:$0x7CE] =	sst s0  }
0x70: {  	[smem:$0x7D0] =	sst s6  }
0x71: {  	s18 =	smul.u32 $0x1800, s18;
	s6 =	sld [smem:$0x7BA]  }
0x72: {  	[smem:$0x7D2] =	sst s21;
	s0 =	sshll.u32 s1, $0xA;
	s1 =	sshll.u32 s2, $0xA  }
0x73: {  	s2 =	sshrl.u32 s3, $0x2;
	s3 =	sld [smem:$0x7BC];
	s0 =	sadd.s32 s0, s19  }
0x74: {  	s5 =	sadd.s32 s1, s19;
	[smem:$0x7D4] =	sst s0;
	s0 =	sshll.u32 s6, $0xA  }
0x75: {  	s1 =	sshll.u32 s15, $0xA;
	[smem:$0x7D6] =	sst s5;
	s0 =	sadd.s32 s0, s19  }
0x76: {  	s21 =	sadd.s32 s1, s19;
	[smem:$0x7D8] =	sst s0;
	s0 =	sadd.s32 s2, s19  }
0x77: {  	[smem:$0x7DA] =	sst s21;
	s2 =	smul.u32 $0x1800, s23;
	s23 =	sadd.s32 $0x40000, s0  }
0x78: {  	s29 =	smul.u32 $0x1800, s29;
	s5 =	sadd.s32 $0x40600, s0;
	[smem:$0x7DC] =	sst s23  }
0x79: {  	s4 =	smul.u32 $0x1800, s4;
	s6 =	sadd.s32 $0x40C00, s0;
	[smem:$0x7DE] =	sst s5  }
0x7a: {  	s11 =	smul.u32 $0x1800, s11;
	s15 =	sadd.s32 $0x41200, s0;
	[smem:$0x7E0] =	sst s6  }
0x7b: {  	s1 =	sshrl.u32 s18, $0x2;
	s18 =	sadd.s32 $0x41800, s0;
	[smem:$0x7E2] =	sst s15  }
0x7c: {  	s21 =	sadd.s32 $0x41E00, s0;
	[smem:$0x7E4] =	sst s18;
	s6 =	smul.u32 $0x1800, s24  }
0x7d: {  	[smem:$0x7E6] =	sst s21;
	s23 =	sadd.s32 $0x42400, s0;
	s18 =	smul.u32 $0x1800, s31  }
0x7e: {  	s0 =	sadd.s32 $0x42A00, s0;
	s5 =	sadd.s32 s1, s19;
	s21 =	smul.u32 $0x1800, s13  }
0x7f: {  	s15 =	sshrl.u32 s2, $0x2;
	s13 =	smul.u32 $0x1800, s7;
	[smem:$0x7E8] =	sst s23  }
0x80: {  	s7 =	smul.u32 $0x1800, s17;
	[smem:$0x7EA] =	sst s0;
	s0 =	sadd.s32 $0x40000, s5  }
0x81: {  	s23 =	smul.u32 $0x1800, s10;
	[smem:$0x7EC] =	sst s0;
	s0 =	sadd.s32 s15, s19  }
0x82: {  	s1 =	sshrl.u32 s6, $0x2;
	s2 =	sshrl.u32 s18, $0x2;
	s6 =	sshrl.u32 s21, $0x2  }
0x83: {  	s15 =	sshrl.u32 s13, $0x2;
	s18 =	sshrl.u32 s4, $0x2;
	s4 =	sld [smem:$0x7BD]  }
0x84: {  	s1 =	sadd.s32 s1, s19;
	s0 =	sadd.s32 $0x40000, s0;
	s24 =	sadd.s32 s2, s19  }
0x85: {  	s10 =	sshrl.u32 s23, $0x2;
	[smem:$0x7EE] =	sst s0;
	s31 =	sadd.s32 $0x40000, s1  }
0x86: {  	s2 =	sadd.s32 s10, s19;
	s0 =	sadd.s32 s15, s19;
	s15 =	smul.u32 $0x1800, s25  }
0x87: {  	s1 =	sadd.s32 s6, s19;
	s21 =	sadd.s32 $0x40000, s2;
	s2 =	smul.u32 $0x1800, s3  }
0x88: {  	s23 =	sadd.s32 $0x40000, s24;
	s24 =	sadd.s32 $0x40000, s1;
	s3 =	smul.u32 $0x1800, s4  }
0x89: {  	s1 =	sadd.s32 s18, s19;
	s18 =	sadd.s32 $0x40000, s0;
	s4 =	smul.u32 $0x1800, s14  }
0x8a: {  	s23 =	sshrl.u32 s23, $0x3;
	s13 =	sadd.s32 $0x40000, s1;
	s1 =	sshrl.u32 s15, $0x2  }
0x8b: {  	[smem:$0x7F1] =	sst s23;
	s18 =	sshrl.u32 s18, $0x3;
	s5 =	sshrl.u32 s2, $0x2  }
0x8c: {  	s6 =	sshrl.u32 s3, $0x2;
	s2 =	sshrl.u32 s7, $0x2;
	s3 =	smul.u32 $0x1800, s26  }
0x8d: {  	s1 =	sadd.s32 s1, s19;
	s14 =	sshrl.u32 s4, $0x2;
	s26 =	sld [smem:$0x7BE]  }
0x8e: {  	s4 =	sshrl.u32 s11, $0x2;
	[smem:$0x7F4] =	sst s18;
	s0 =	sadd.s32 s5, s19  }
0x8f: {  	s10 =	sadd.s32 s6, s19;
	s5 =	smul.u32 $0x1800, s12;
	s7 =	sadd.s32 $0x40000, s1  }
0x90: {  	s1 =	sadd.s32 s14, s19;
	s17 =	sadd.s32 $0x40000, s0;
	s25 =	sadd.s32 $0x40000, s10  }
0x91: {  	s0 =	sadd.s32 s2, s19;
	s2 =	sshrl.u32 s3, $0x2;
	s6 =	sadd.s32 $0x40000, s1  }
0x92: {  	s7 =	sshrl.u32 s7, $0x3;
	s10 =	sadd.s32 $0x40000, s0;
	s15 =	sshrl.u32 s5, $0x2  }
0x93: {  	s12 =	sadd.s32 s2, s19;
	s2 =	sadd.s32 s15, s19;
	s15 =	sld [smem:$0x7C0]  }
0x94: {  	s3 =	smul.u32 $0x1800, s26;
	s0 =	sadd.s32 s4, s19;
	[smem:$0x7F9] =	sst s7  }
0x95: {  	s23 =	sshrl.u32 s17, $0x3;
	s5 =	sadd.s32 $0x40000, s12;
	s12 =	sld [smem:$0x7BF]  }
0x96: {  	s26 =	sadd.s32 $0x40000, s2;
	s2 =	smul.u32 $0x1800, s15;
	s15 =	sld [smem:$0x7C1]  }
0x97: {  	s4 =	sadd.s32 $0x40000, s0;
	[smem:$0x7F6] =	sst s23;
	s11 =	sshrl.u32 s3, $0x2  }
0x98: {  	s10 =	sshrl.u32 s10, $0x3;
	s1 =	sadd.s32 s11, s19;
	s14 =	smul.u32 $0x1800, s12  }
0x99: {  	s3 =	sadd.s32 $0x40000, s1;
	s1 =	smul.u32 $0x1800, s15;
	s15 =	sld [smem:$0x7C2]  }
0x9a: {  	[smem:$0x7F8] =	sst s10;
	s5 =	sshrl.u32 s5, $0x3;
	s4 =	sshrl.u32 s4, $0x3  }
0x9b: {  	[smem:$0x7FA] =	sst s5;
	s11 =	sshrl.u32 s14, $0x2;
	s14 =	sshrl.u32 s2, $0x2  }
0x9c: {  	s0 =	sadd.s32 s11, s19;
	s11 =	sadd.s32 s14, s19;
	s14 =	smul.u32 $0x1800, s15  }
0x9d: {  	s2 =	sadd.s32 $0x40000, s0;
	s0 =	sshrl.u32 s1, $0x2;
	s15 =	sadd.s32 $0x40000, s11  }
0x9e: {  	s11 =	sadd.s32 s0, s19;
	s0 =	smul.u32 $0x1800, s16;
	s14 =	sshrl.u32 s14, $0x2  }
0x9f: {  	s26 =	sshrl.u32 s26, $0x3;
	s1 =	smul.u32 $0x1800, s22;
	s14 =	sadd.s32 s14, s19  }
0xa0: {  	s22 =	sadd.s32 $0x40000, s11;
	s11 =	sadd.s32 $0x40000, s14;
	s14 =	sshrl.u32 s0, $0x2  }
0xa1: {  	s12 =	sshrl.u32 s1, $0x2;
	s0 =	sadd.s32 s14, s19;
	s14 =	sld [smem:$0x7C3]  }
0xa2: {  	[smem:$0x7FD] =	sst s4;
	s1 =	sshrl.u32 s29, $0x2;
	s12 =	sadd.s32 s12, s19  }
0xa3: {  	[smem:$0x7FC] =	sst s26;
	s16 =	sadd.s32 s1, s19;
	s29 =	sadd.s32 $0x40000, s12  }
0xa4: {  	s1 =	sadd.s32 $0x40000, s16;
	s16 =	sadd.s32 $0x400, s30;
	s12 =	smax.u32 s14, $0x1  }
0xa5: {  	s14 =	sadd.s32 $0x800, s30;
	[smem:$0x7C4] =	sst s12;
	s12 =	sshrl.u32 s16, $0x3  }
0xa6: {  	s16 =	sadd.s32 $0xC00, s30;
	[smem:$0x7C5] =	sst s12;
	s12 =	sshrl.u32 s14, $0x3  }
0xa7: {  	s14 =	sshrl.u32 s16, $0x3;
	s16 =	sadd.s32 $0x1000, s30;
	[smem:$0x7C6] =	sst s12  }
0xa8: {  	[smem:$0x7C7] =	sst s14;
	s12 =	sshrl.u32 s16, $0x3;
	s14 =	sadd.s32 $0x1400, s30  }
0xa9: {  	s16 =	sadd.s32 $0x1800, s30;
	[smem:$0x7C8] =	sst s12;
	s12 =	sshrl.u32 s14, $0x3  }
0xaa: {  	s16 =	sshrl.u32 s16, $0x3;
	[smem:$0x7C9] =	sst s12  }
0xab: {  	[smem:$0x7CA] =	sst s16  }
0xac: {  	s14 =	sadd.s32 $0x1C00, s30;
	s16 =	sld [smem:$0x7CC]  }
0xad: {  	s12 =	sshrl.u32 s14, $0x3;
	s14 =	sld [smem:$0x7CE]  }
0xae: {  	[smem:$0x7CB] =	sst s12  }
0xaf: {  	s12 =	sshrl.u32 s16, $0x3;
	s16 =	sld [smem:$0x7D0]  }
0xb0: {  	[smem:$0x7CD] =	sst s12  }
0xb1: {  	s12 =	sshrl.u32 s14, $0x3;
	s14 =	sld [smem:$0x7D2]  }
0xb2: {  	[smem:$0x7CF] =	sst s12  }
0xb3: {  	s12 =	sshrl.u32 s16, $0x3;
	s16 =	sld [smem:$0x7D4]  }
0xb4: {  	[smem:$0x7D1] =	sst s12  }
0xb5: {  	s12 =	sshrl.u32 s14, $0x3;
	s14 =	sld [smem:$0x7D6]  }
0xb6: {  	[smem:$0x7D3] =	sst s12  }
0xb7: {  	s12 =	sshrl.u32 s16, $0x3;
	s16 =	sld [smem:$0x7D8]  }
0xb8: {  	[smem:$0x7D5] =	sst s12  }
0xb9: {  	s12 =	sshrl.u32 s14, $0x3;
	s14 =	sld [smem:$0x7DA]  }
0xba: {  	[smem:$0x7D7] =	sst s12  }
0xbb: {  	s12 =	sshrl.u32 s16, $0x3;
	s16 =	sld [smem:$0x7DC]  }
0xbc: {  	[smem:$0x7D9] =	sst s12  }
0xbd: {  	s12 =	sshrl.u32 s14, $0x3;
	s14 =	sld [smem:$0x7DE]  }
0xbe: {  	[smem:$0x7DB] =	sst s12  }
0xbf: {  	s12 =	sshrl.u32 s16, $0x3;
	s16 =	sld [smem:$0x7E0]  }
0xc0: {  	[smem:$0x7DD] =	sst s12  }
0xc1: {  	s12 =	sshrl.u32 s14, $0x3;
	s14 =	sld [smem:$0x7E2]  }
0xc2: {  	[smem:$0x7DF] =	sst s12  }
0xc3: {  	s12 =	sshrl.u32 s16, $0x3;
	s16 =	sld [smem:$0x7E4]  }
0xc4: {  	[smem:$0x7E1] =	sst s12  }
0xc5: {  	s12 =	sshrl.u32 s14, $0x3;
	s14 =	sld [smem:$0x7E6]  }
0xc6: {  	[smem:$0x7E3] =	sst s12  }
0xc7: {  	s12 =	sshrl.u32 s16, $0x3;
	s16 =	sld [smem:$0x7E8]  }
0xc8: {  	[smem:$0x7E5] =	sst s12  }
0xc9: {  	s7 =	simm.s32 $0x10;
	s12 =	sshrl.u32 s14, $0x3;
	s14 =	sld [smem:$0x7EA]  }
0xca: {  	s23 =	sadd.s32 $0x4000, s28;
	s10 =	sadd.s32 $0x100, s8;
	[smem:$0x7E7] =	sst s12  }
0xcb: {  	s4 =	simm.s32 $0x2;
	s12 =	sshrl.u32 s16, $0x3;
	s16 =	sld [smem:$0x7EC]  }
0xcc: {  	s5 =	simm.s32 $0x80;
	s26 =	sadd.s32 $0x8000, s28;
	[smem:$0x7E9] =	sst s12  }
0xcd: {  	s17 =	sshrl.u32 s29, $0x3;
	s12 =	sshrl.u32 s14, $0x3;
	s14 =	sld [smem:$0x7EE]  }
0xce: {  	s18 =	sshrl.u32 s1, $0x3;
	[smem:$0x7EB] =	sst s12;
	s12 =	sshrl.u32 s16, $0x3  }
0xcf: {  	s29 =	sadd.s32 $0xA000, s28;
	s16 =	sshrl.u32 s31, $0x3;
	[smem:$0x7ED] =	sst s12  }
0xd0: {  	s1 =	simm.s32 $0x1400;
	s12 =	sshrl.u32 s14, $0x3;
	[smem:$0x7F0] =	sst s16  }
0xd1: {  	s0 =	sadd.s32 $0x40000, s0;
	s14 =	sshrl.u32 s24, $0x3;
	[smem:$0x7EF] =	sst s12  }
0xd2: {  	s31 =	sadd.s32 $0xE000, s28;
	s16 =	sshrl.u32 s21, $0x3;
	[smem:$0x7F2] =	sst s14  }
0xd3: {  	s21 =	sshrl.u32 s13, $0x3;
	s24 =	sshrl.u32 s25, $0x3;
	[smem:$0x7F3] =	sst s16  }
0xd4: {  	s25 =	sshrl.u32 s6, $0x3;
	s13 =	sshrl.u32 s2, $0x3;
	[smem:$0x7F5] =	sst s21  }
0xd5: {  	s2 =	simm.s32 $0x1600;
	s6 =	simm.s32 $0x3;
	[smem:$0x7F7] =	sst s24  }
0xd6: {  	[smem:$0x7FB] =	sst s25;
	s12 =	sshrl.u32 s3, $0x3;
	s14 =	sshrl.u32 s15, $0x3  }
0xd7: {  	v5 =	vlaneseq.u32;
	s15 =	sshrl.u32 s22, $0x3;
	s16 =	sshrl.u32 s11, $0x3;
	s21 =	sshrl.u32 s0, $0x3  }
0xd8: {  	v4 =	vimm.f32 $0.0e+00;
	v5 =	vor.u32 $0x100000, v5;
	v0 =	vmov s8;
	s22 =	sadd.s32 $0x2000, s28;
	s25 =	sadd.s32 $0x6000, s28;
	s11 =	sadd.s32 $0x200, s9  }
0xd9: {  	v2 =	vmov s9;
	v1 =	vmov s10;
	s24 =	sadd.s32 $0xC000, s28;
	s0 =	simm.s32 $0x2A00;
	s3 =	simm.s32 $0x1;
	v3 =	vmov s11  }
.LBB2_1:
0xda: {  	s8 =	simm.s32 $0x0;
	s9 =	simm.s32 $0x200  }
.LBB2_2:
0xdb: {  	p0 =	sne.s32 s9, $0x7E00;
	[tilespmem:s8+$0x2A70] =	vst v4  }
0xdc: {  	[tilespmem:s8+$0x2A00] =	vst v4  }
0xdd: {  	[tilespmem:s8+$0x2A10] =	vst v4  }
.Ltmp0:
0xde: {  	[tilespmem:s8+$0x2A20] =	vst v4;
	(pc) =	sbr.rel @p0 .LBB2_2-.Ltmp0, $4  }
0xdf: {  	[tilespmem:s8+$0x2A30] =	vst v4  }
0xe0: {  	[tilespmem:s8+$0x2A40] =	vst v4  }
0xe1: {  	[tilespmem:s8+$0x2A50] =	vst v4  }
0xe2: {  	[tilespmem:s8+$0x2A60] =	vst v4;
	s8 =	sshra.s32 s9, $0x2;
	s9 =	sadd.s32 $0x200, s9  }
0xe3: {  	[tilespmem:s8+$0x2A70] =	vst v4  }
0xe4: {  	[tilespmem:s8+$0x2A00] =	vst v4  }
0xe5: {  	[tilespmem:s8+$0x2A10] =	vst v4  }
0xe6: {  	[tilespmem:s8+$0x2A20] =	vst v4  }
0xe7: {  	[tilespmem:s8+$0x2A30] =	vst v4  }
0xe8: {  	[tilespmem:s8+$0x2A40] =	vst v4  }
0xe9: {  	[tilespmem:s8+$0x2A50] =	vst v4  }
0xea: {  	[tilespmem:s8+$0x2A60] =	vst v4  }
0xeb: {  	[spmem:s28] =	stream.linear.scatter [tilespmem:s0], [sflag:$0x2], $0x2000, $0x38;
	[tilespmem:$0x14A08] =	vst v63  }
0xec: {  	_ = 	snop  }
0xed: {  	[spmem:s22] =	stream.linear.scatter [tilespmem:s0], [sflag:$0x2], $0x2000, $0x38;
	[tilespmem:$0x14A08] =	vst v63  }
0xee: {  	_ = 	snop  }
0xef: {  	[spmem:s23] =	stream.linear.scatter [tilespmem:s0], [sflag:$0x2], $0x2000, $0x38;
	[tilespmem:$0x14A08] =	vst v63  }
0xf0: {  	_ = 	snop  }
0xf1: {  	[spmem:s25] =	stream.linear.scatter [tilespmem:s0], [sflag:$0x2], $0x2000, $0x38;
	[tilespmem:$0x14A08] =	vst v63  }
0xf2: {  	_ = 	snop  }
0xf3: {  	[spmem:s26] =	stream.linear.scatter [tilespmem:s0], [sflag:$0x2], $0x2000, $0x38;
	[tilespmem:$0x14A08] =	vst v63  }
0xf4: {  	_ = 	snop  }
0xf5: {  	[spmem:s29] =	stream.linear.scatter [tilespmem:s0], [sflag:$0x2], $0x2000, $0x38;
	[tilespmem:$0x14A08] =	vst v63  }
0xf6: {  	_ = 	snop  }
0xf7: {  	[spmem:s24] =	stream.linear.scatter [tilespmem:s0], [sflag:$0x2], $0x2000, $0x38;
	[tilespmem:$0x14A08] =	vst v63  }
0xf8: {  	s9 =	sld [smem:$0x7B1]  }
0xf9: {  	[spmem:s31] =	stream.linear.scatter [tilespmem:s0], [sflag:$0x2], $0x2000, $0x38;
	[tilespmem:$0x14A08] =	vst v63  }
0xfa: {  	s8 =	simm.s32 $0x0;
	s11 =	sld [smem:$0x7B2]  }
0xfb: {  	[tilespmem:s8], [sflag:$0x1] =	stream.linear.gather [hbm4b:s9+s8], $0x200, $0x38;
	[tilespmem:$0x14A08] =	vst v63  }
0xfc: {  	s10 =	simm.s32 $0xA00  }
0xfd: {  	[tilespmem:s10], [sflag:$0x1] =	stream.linear.gather [hbm4b:s11+s8], $0x200, $0x38;
	[tilespmem:$0x14A08] =	vst v63  }
0xfe: {  	s11 =	sld [smem:$0x7B4];
	_ =	sdelay $0x2  }
0xff: {  	[tilespmem:s1], [sflag:$0x1] =	stream.linear.gather [hbm4b:s11+s8], $0x200, $0x38;
	[tilespmem:$0x14A08] =	vst v63  }
0x100: {  	s10 =	rddreg [dreg:$0xa];
	s11 =	simm.s32 $0x200  }
0x101: {  	[tilespmem:s11], [sflag:$0x1] =	stream.linear.gather [hbm4b:s10+s8], $0x800, $0x38;
	[tilespmem:$0x14A08] =	vst v63  }
0x102: {  	s10 =	rddreg [dreg:$0xb];
	s11 =	simm.s32 $0xC00  }
0x103: {  	[tilespmem:s11], [sflag:$0x1] =	stream.linear.gather [hbm4b:s10+s8], $0x800, $0x38;
	[tilespmem:$0x14A08] =	vst v63  }
0x104: {  	s11 =	rddreg [dreg:$0xc]  }
0x105: {  	[tilespmem:s2], [sflag:$0x1] =	stream.linear.gather [hbm4b:s11+s8], $0x800, $0x38;
	[tilespmem:$0x14A08] =	vst v63  }
0x106: {  	_ =	swait.ge [sflag:s3], $0x200  }
0x107: {  	[sflag:s3] =	ssyncset.done $0x0  }
0x108: {  	[sflag:s3] =	ssyncadd.s32 $0xFFFFFE00  }
0x109: {  	_ =	swait.ge [sflag:s3], $0x200  }
0x10a: {  	[sflag:s3] =	ssyncset.done $0x0  }
0x10b: {  	[sflag:s3] =	ssyncadd.s32 $0xFFFFFE00  }
0x10c: {  	_ =	swait.ge [sflag:s3], $0x200  }
0x10d: {  	[sflag:s3] =	ssyncset.done $0x0  }
0x10e: {  	[sflag:s3] =	ssyncadd.s32 $0xFFFFFE00  }
0x10f: {  	_ =	swait.ge [sflag:s3], $0x800  }
0x110: {  	[sflag:s3] =	ssyncset.done $0x0  }
0x111: {  	[sflag:s3] =	ssyncadd.s32 $0xFFFFF800  }
0x112: {  	_ =	swait.ge [sflag:s3], $0x800  }
0x113: {  	[sflag:s3] =	ssyncset.done $0x0  }
0x114: {  	[sflag:s3] =	ssyncadd.s32 $0xFFFFF800  }
0x115: {  	_ =	swait.ge [sflag:s3], $0x800  }
0x116: {  	[sflag:s3] =	ssyncset.done $0x0  }
0x117: {  	s8 =	simm.s32 $0x0;
	[sflag:s3] =	ssyncadd.s32 $0xFFFFF800  }
0x118: {  	v6 =	vld [tilespmem:s8+$0x70]  }
0x119: {  	v7 =	vld [tilespmem:s8+$0x0]  }
0x11a: {  	v9 =	vld [tilespmem:s8+$0x10]  }
0x11b: {  	v10 =	vld [tilespmem:s8+$0x20]  }
0x11c: {  	v11 =	vld [tilespmem:s8+$0x30]  }
0x11d: {  	v13 =	vld [tilespmem:s8+$0x40]  }
0x11e: {  	v12 =	vsub.s32 v6, v0  }
0x11f: {  	v8 =	vld [tilespmem:s8+$0xA70];
	vm0 =	vge.s32 v6, v0;
	vm1 =	vlt.s32 v6, v1;
	v14 =	vsub.s32 v7, v0  }
0x120: {  	v16 =	vld [tilespmem:s8+$0xA00];
	v15 =	vsub.s32 v9, v0;
	v17 =	vsub.s32 v10, v0;
	vm2 =	vge.s32 v9, v0  }
0x121: {  	v18 =	vld [tilespmem:s8+$0xA10];
	vm3 =	vlt.s32 v9, v1;
	vm4 =	vge.s32 v10, v0;
	vm5 =	vlt.s32 v10, v1  }
0x122: {  	v19 =	vld [tilespmem:s8+$0xA20];
	vm6 =	vge.s32 v11, v0;
	vm11 =	vlt.s32 v11, v1;
	vm7 =	vge.s32 v13, v0  }
0x123: {  	vm8 =	vlt.s32 v13, v1;
	v6 =	vshll.u32 v12, $0xA;
	v12 =	vld [tilespmem:s8+$0x50];
	vm0 =	vmand vm0, vm1  }
0x124: {  	v22 =	vld [tilespmem:s8+$0xA40];
	v14 =	vshll.u32 v14, $0xA;
	v15 =	vshll.u32 v15, $0xA;
	v6 =	vadd.s32 v8, v6  }
0x125: {  	vm1 =	vlt.s32 v7, v1;
	v17 =	vshll.u32 v17, $0xA;
	v8 =	vld [tilespmem:s8+$0x60];
	v6 =	vsel vm0, v6, v5  }
0x126: {  	v9 =	vld [tilespmem:s8+$0xA30];
	v14 =	vadd.s32 v16, v14;
	vm0 =	vge.s32 v7, v0;
	[tilespmem:s8+$0x1E70] =	vst v6;
	v6 =	vsub.s32 v11, v0  }
0x127: {  	v10 =	vld [tilespmem:s8+$0xA50];
	v20 =	vshll.u32 v6, $0xA;
	v6 =	vsub.s32 v13, v0;
	v13 =	vadd.s32 v19, v17  }
0x128: {  	v11 =	vld [tilespmem:s8+$0xA60];
	v21 =	vshll.u32 v6, $0xA;
	v6 =	vsub.s32 v12, v0;
	vm9 =	vge.s32 v12, v0  }
0x129: {  	vm12 =	vlt.s32 v12, v1;
	v12 =	vadd.s32 v18, v15;
	v6 =	vshll.u32 v6, $0xA  }
0x12a: {  	v7 =	vsub.s32 v8, v0;
	vm10 =	vge.s32 v8, v0;
	vm13 =	vlt.s32 v8, v1  }
0x12b: {  	s9 =	simm.s32 $0x80;
	s10 =	simm.s32 $0x0;
	s11 =	simm.s32 $0x400;
	v8 =	vadd.s32 v9, v20;
	v9 =	vadd.s32 v22, v21;
	v7 =	vshll.u32 v7, $0xA  }
.LBB2_4:
0x12c: {  	p0 =	sne.s32 s11, $0x600;
	v15 =	vld [tilespmem:s9+$0x70];
	vm0 =	vmand vm0, vm1;
	vm1 =	vmand vm2, vm3;
	v6 =	vadd.s32 v10, v6  }
0x12d: {  	vm2 =	vmand vm4, vm5;
	vm3 =	vmand vm6, vm11;
	v10 =	vld [tilespmem:s9+$0x0];
	v7 =	vadd.s32 v11, v7  }
0x12e: {  	vm4 =	vmand vm7, vm8;
	vm5 =	vmand vm9, vm12;
	vm6 =	vmand vm10, vm13;
	v11 =	vld [tilespmem:s9+$0xA70]  }
0x12f: {  	v14 =	vsel vm0, v14, v5;
	v12 =	vsel vm1, v12, v5;
	v13 =	vsel vm2, v13, v5;
	v16 =	vld [tilespmem:s9+$0x10]  }
0x130: {  	v8 =	vsel vm3, v8, v5;
	v9 =	vsel vm4, v9, v5;
	v6 =	vsel vm5, v6, v5;
	v17 =	vld [tilespmem:s9+$0x20];
	[tilespmem:s10+$0x1E00] =	vst v14  }
0x131: {  	v7 =	vsel vm6, v7, v5;
	v14 =	vld [tilespmem:s9+$0x30];
	v18 =	vsub.s32 v15, v0;
	[tilespmem:s10+$0x1E10] =	vst v12  }
0x132: {  	vm0 =	vge.s32 v15, v0;
	vm1 =	vlt.s32 v15, v1;
	v12 =	vld [tilespmem:s9+$0x40];
	v15 =	vshll.u32 v18, $0xA;
	[tilespmem:s10+$0x1E20] =	vst v13  }
0x133: {  	v13 =	vsub.s32 v10, v0;
	vm0 =	vmand vm0, vm1;
	v18 =	vld [tilespmem:s9+$0x50];
	v11 =	vadd.s32 v11, v15;
	[tilespmem:s10+$0x1E30] =	vst v8  }
0x134: {  	v8 =	vshll.u32 v13, $0xA;
	v13 =	vsub.s32 v16, v0;
	v15 =	vld [tilespmem:s9+$0x60];
	v11 =	vsel vm0, v11, v5;
	[tilespmem:s10+$0x1E40] =	vst v9  }
0x135: {  	vm0 =	vge.s32 v10, v0;
	v9 =	vld [tilespmem:s9+$0xA00];
	v13 =	vshll.u32 v13, $0xA;
	v19 =	vsub.s32 v17, v0;
	[tilespmem:s9+$0x1E70] =	vst v11  }
0x136: {  	vm1 =	vlt.s32 v10, v1;
	v20 =	vld [tilespmem:s9+$0xA10];
	v19 =	vshll.u32 v19, $0xA;
	v10 =	vsub.s32 v14, v0;
	[tilespmem:s10+$0x1E50] =	vst v6  }
0x137: {  	vm2 =	vge.s32 v16, v0;
	v21 =	vld [tilespmem:s9+$0xA20];
	v22 =	vshll.u32 v10, $0xA;
	v6 =	vsub.s32 v12, v0;
	[tilespmem:s10+$0x1E60] =	vst v7;
	s10 =	smov.u32 s9  }
0x138: {  	vm3 =	vlt.s32 v16, v1;
	v16 =	vld [tilespmem:s10+$0xA30];
	v23 =	vshll.u32 v6, $0xA;
	v6 =	vsub.s32 v18, v0  }
0x139: {  	vm4 =	vge.s32 v17, v0;
	v24 =	vld [tilespmem:s10+$0xA40];
	v6 =	vshll.u32 v6, $0xA;
	v7 =	vsub.s32 v15, v0  }
.Ltmp1:
0x13a: {  	vm5 =	vlt.s32 v17, v1;
	vm6 =	vge.s32 v14, v0;
	v10 =	vld [tilespmem:s10+$0xA50];
	v7 =	vshll.u32 v7, $0xA;
	(pc) =	sbr.rel @p0 .LBB2_4-.Ltmp1, $4  }
0x13b: {  	vm11 =	vlt.s32 v14, v1;
	vm7 =	vge.s32 v12, v0;
	vm8 =	vlt.s32 v12, v1;
	v11 =	vld [tilespmem:s10+$0xA60]  }
0x13c: {  	vm9 =	vge.s32 v18, v0;
	vm12 =	vlt.s32 v18, v1;
	vm10 =	vge.s32 v15, v0  }
0x13d: {  	vm13 =	vlt.s32 v15, v1;
	v14 =	vadd.s32 v9, v8;
	v12 =	vadd.s32 v20, v13  }
0x13e: {  	s9 =	sshra.s32 s11, $0x2;
	s11 =	sadd.s32 $0x200, s11;
	v13 =	vadd.s32 v21, v19;
	v8 =	vadd.s32 v16, v22;
	v9 =	vadd.s32 v24, v23  }
0x13f: {  	v15 =	vld [tilespmem:s9+$0x70]  }
0x140: {  	v16 =	vld [tilespmem:s9+$0x0];
	vm0 =	vmand vm0, vm1;
	v6 =	vadd.s32 v10, v6  }
0x141: {  	v18 =	vld [tilespmem:s9+$0x10];
	vm1 =	vmand vm6, vm11;
	v14 =	vsel vm0, v14, v5;
	vm0 =	vmand vm2, vm3  }
0x142: {  	v19 =	vld [tilespmem:s9+$0x20];
	v7 =	vadd.s32 v11, v7;
	vm2 =	vmand vm7, vm8;
	vm3 =	vmand vm9, vm12  }
0x143: {  	v17 =	vld [tilespmem:s9+$0xA70];
	v8 =	vsel vm1, v8, v5;
	[tilespmem:s10+$0x1E00] =	vst v14;
	v10 =	vsel vm0, v12, v5;
	vm0 =	vmand vm4, vm5  }
0x144: {  	v9 =	vsel vm2, v9, v5;
	v12 =	vld [tilespmem:s9+$0x30];
	[tilespmem:s10+$0x1E10] =	vst v10;
	v10 =	vsel vm0, v13, v5;
	vm0 =	vmand vm10, vm13  }
0x145: {  	v6 =	vsel vm3, v6, v5;
	v11 =	vld [tilespmem:s9+$0x40];
	[tilespmem:s10+$0x1E20] =	vst v10;
	v7 =	vsel vm0, v7, v5;
	v10 =	vsub.s32 v15, v0  }
0x146: {  	v13 =	vld [tilespmem:s9+$0x50];
	vm0 =	vge.s32 v15, v0;
	vm1 =	vlt.s32 v15, v1;
	[tilespmem:s10+$0x1E30] =	vst v8;
	v8 =	vsub.s32 v16, v0  }
0x147: {  	v15 =	vsub.s32 v18, v0;
	v52 =	vsub.s32 v19, v0;
	vm2 =	vge.s32 v18, v0  }
0x148: {  	vm3 =	vlt.s32 v18, v1;
	vm4 =	vge.s32 v19, v0;
	vm5 =	vlt.s32 v19, v1  }
0x149: {  	v10 =	vshll.u32 v10, $0xA;
	vm0 =	vmand vm0, vm1;
	v8 =	vshll.u32 v8, $0xA  }
0x14a: {  	v15 =	vshll.u32 v15, $0xA;
	vm1 =	vlt.s32 v16, v1;
	v10 =	vadd.s32 v17, v10  }
0x14b: {  	v14 =	vld [tilespmem:s9+$0x60];
	[tilespmem:s10+$0x1E40] =	vst v9;
	vm2 =	vmand vm2, vm3;
	v10 =	vsel vm0, v10, v5;
	vm0 =	vge.s32 v16, v0  }
0x14c: {  	v9 =	vld [tilespmem:s9+$0xA00];
	v53 =	vsub.s32 v12, v0;
	vm6 =	vge.s32 v12, v0;
	vm7 =	vlt.s32 v12, v1;
	[tilespmem:s9+$0x1E70] =	vst v10  }
0x14d: {  	v54 =	vld [tilespmem:s9+$0xA10];
	v10 =	vshll.u32 v52, $0xA;
	v16 =	vshll.u32 v53, $0xA;
	v20 =	vsub.s32 v11, v0;
	[tilespmem:s10+$0x1E50] =	vst v6  }
0x14e: {  	vm8 =	vge.s32 v11, v0;
	vm9 =	vlt.s32 v11, v1;
	vm0 =	vmand vm0, vm1;
	v56 =	vld [tilespmem:s9+$0xA20];
	[tilespmem:s10+$0x1E60] =	vst v7  }
0x14f: {  	v6 =	vshll.u32 v20, $0xA;
	v55 =	vsub.s32 v13, v0;
	vm10 =	vge.s32 v13, v0;
	v57 =	vld [tilespmem:s9+$0xA30]  }
0x150: {  	vm11 =	vlt.s32 v13, v1;
	v18 =	vshll.u32 v55, $0xA;
	v21 =	vsub.s32 v14, v0;
	v11 =	vld [tilespmem:s9+$0xA40]  }
0x151: {  	vm12 =	vge.s32 v14, v0;
	vm1 =	vlt.s32 v14, v1;
	v12 =	vld [tilespmem:s9+$0xA50];
	v8 =	vadd.s32 v9, v8  }
0x152: {  	v7 =	vshll.u32 v21, $0xA;
	v9 =	vadd.s32 v54, v15;
	v13 =	vld [tilespmem:s9+$0xA60];
	v8 =	vsel vm0, v8, v5  }
0x153: {  	vm0 =	vmand vm4, vm5;
	v9 =	vsel vm2, v9, v5;
	[tilespmem:s9+$0x1E00] =	vst v8;
	v10 =	vadd.s32 v56, v10  }
0x154: {  	vm2 =	vmand vm6, vm7;
	[tilespmem:s9+$0x1E10] =	vst v9;
	v8 =	vadd.s32 v57, v16;
	v10 =	vsel vm0, v10, v5  }
0x155: {  	v6 =	vadd.s32 v11, v6;
	vm0 =	vmand vm8, vm9;
	v8 =	vsel vm2, v8, v5;
	[tilespmem:s9+$0x1E20] =	vst v10  }
0x156: {  	v9 =	vadd.s32 v12, v18;
	vm2 =	vmand vm10, vm11;
	v6 =	vsel vm0, v6, v5;
	[tilespmem:s9+$0x1E30] =	vst v8  }
0x157: {  	v7 =	vadd.s32 v13, v7;
	vm0 =	vmand vm12, vm1;
	v8 =	vsel vm2, v9, v5;
	[tilespmem:s9+$0x1E40] =	vst v6  }
0x158: {  	v6 =	vsel vm0, v7, v5;
	[tilespmem:s9+$0x1E50] =	vst v8  }
0x159: {  	[tilespmem:s9+$0x1E60] =	vst v6  }
0x15a: {  	v6 =	vld [tilespmem:s8+$0x270]  }
0x15b: {  	v7 =	vld [tilespmem:s8+$0x200]  }
0x15c: {  	v10 =	vld [tilespmem:s8+$0x220]  }
0x15d: {  	v11 =	vld [tilespmem:s8+$0x230]  }
0x15e: {  	v13 =	vld [tilespmem:s8+$0x240]  }
0x15f: {  	v15 =	vld [tilespmem:s8+$0x250]  }
0x160: {  	v58 =	vld [tilespmem:s8+$0x260]  }
0x161: {  	v9 =	vld [tilespmem:s8+$0xC70];
	v12 =	vsub.s32 v6, v2  }
0x162: {  	v8 =	vld [tilespmem:s8+$0x210];
	vm0 =	vge.s32 v7, v2;
	v14 =	vsub.s32 v7, v2;
	vm1 =	vlt.s32 v7, v3  }
0x163: {  	vm2 =	vge.s32 v6, v2;
	vm3 =	vlt.s32 v6, v3;
	v60 =	vsub.s32 v11, v2  }
0x164: {  	v62 =	vsub.s32 v13, v2;
	v63 =	vsub.s32 v15, v2;
	v12 =	vmul.u32 $0x600, v12  }
0x165: {  	v59 =	vld [tilespmem:s8+$0xC10];
	v22 =	vsub.s32 v58, v2;
	vm4 =	vge.s32 v10, v2;
	vm7 =	vlt.s32 v10, v3  }
0x166: {  	vm5 =	vge.s32 v11, v2;
	vm10 =	vlt.s32 v11, v3;
	v6 =	vadd.s32 v12, v9;
	v9 =	vld [tilespmem:s8+$0xC00]  }
0x167: {  	v61 =	vld [tilespmem:s8+$0xC20];
	vm8 =	vge.s32 v13, v2;
	v7 =	vmul.u32 $0x600, v14;
	v14 =	vsub.s32 v8, v2  }
0x168: {  	vm2 =	vmand vm2, vm3;
	v12 =	vsub.s32 v10, v2;
	v10 =	vld [tilespmem:s8+$0xC60];
	v6 =	vadd.s32 $0x40000, v6  }
0x169: {  	vm3 =	vlt.s32 v8, v3;
	v6 =	vsel vm2, v6, v5;
	vm2 =	vge.s32 v8, v2;
	v8 =	vld [tilespmem:s8+$0xC40]  }
0x16a: {  	vm12 =	vlt.s32 v13, v3;
	vm6 =	vge.s32 v15, v2;
	vm11 =	vlt.s32 v15, v3;
	[tilespmem:s8+$0x2070] =	vst v6;
	v6 =	vld [tilespmem:s8+$0xC30]  }
0x16b: {  	vm9 =	vge.s32 v58, v2;
	vm13 =	vlt.s32 v58, v3;
	v7 =	vadd.s32 v7, v9;
	v9 =	vld [tilespmem:s8+$0xC50]  }
0x16c: {  	v18 =	vmul.u32 $0x600, v60;
	v14 =	vmul.u32 $0x600, v14;
	v12 =	vmul.u32 $0x600, v12  }
0x16d: {  	v20 =	vmul.u32 $0x600, v62;
	v21 =	vmul.u32 $0x600, v63;
	v22 =	vmul.u32 $0x600, v22  }
0x16e: {  	v14 =	vadd.s32 v14, v59;
	v12 =	vadd.s32 v12, v61;
	v11 =	vadd.s32 $0x40000, v7  }
0x16f: {  	v13 =	vadd.s32 v20, v8;
	v8 =	vadd.s32 $0x40000, v12;
	v12 =	vadd.s32 v22, v10  }
0x170: {  	v6 =	vadd.s32 v18, v6;
	v7 =	vadd.s32 $0x40000, v13;
	v15 =	vadd.s32 v21, v9  }
0x171: {  	s10 =	simm.s32 $0x400;
	s9 =	simm.s32 $0x80;
	v10 =	vadd.s32 $0x40000, v6;
	v9 =	vadd.s32 $0x40000, v14;
	v6 =	vadd.s32 $0x40000, v15  }
.LBB2_6:
0x172: {  	p0 =	sne.s32 s10, $0x1E00;
	v13 =	vld [tilespmem:s9+$0x270];
	vm0 =	vmand vm0, vm1;
	vm1 =	vmand vm2, vm3;
	v12 =	vadd.s32 $0x40000, v12  }
0x173: {  	vm2 =	vmand vm4, vm7;
	vm3 =	vmand vm5, vm10;
	vm4 =	vmand vm8, vm12;
	v14 =	vld [tilespmem:s9+$0x200]  }
0x174: {  	vm5 =	vmand vm9, vm13;
	v11 =	vsel vm0, v11, v5;
	vm0 =	vmand vm6, vm11;
	v15 =	vld [tilespmem:s9+$0x210]  }
0x175: {  	v9 =	vsel vm1, v9, v5;
	v8 =	vsel vm2, v8, v5;
	v10 =	vsel vm3, v10, v5;
	v16 =	vld [tilespmem:s9+$0xC70];
	[tilespmem:s8+$0x2000] =	vst v11  }
0x176: {  	v7 =	vsel vm4, v7, v5;
	v6 =	vsel vm0, v6, v5;
	v11 =	vld [tilespmem:s9+$0x220];
	[tilespmem:s8+$0x2010] =	vst v9;
	v9 =	vsel vm5, v12, v5  }
0x177: {  	v12 =	vld [tilespmem:s9+$0x230];
	v17 =	vsub.s32 v13, v2;
	[tilespmem:s8+$0x2020] =	vst v8  }
0x178: {  	vm0 =	vge.s32 v14, v2;
	v8 =	vsub.s32 v14, v2;
	v18 =	vld [tilespmem:s9+$0x240];
	v17 =	vmul.u32 $0x600, v17;
	[tilespmem:s8+$0x2030] =	vst v10  }
0x179: {  	vm1 =	vlt.s32 v14, v3;
	v8 =	vmul.u32 $0x600, v8;
	v10 =	vsub.s32 v15, v2;
	v14 =	vld [tilespmem:s9+$0x250];
	[tilespmem:s8+$0x2040] =	vst v7  }
0x17a: {  	vm2 =	vge.s32 v13, v2;
	vm3 =	vlt.s32 v13, v3;
	v7 =	vld [tilespmem:s9+$0x260];
	v13 =	vadd.s32 v17, v16;
	[tilespmem:s8+$0x2050] =	vst v6  }
0x17b: {  	vm2 =	vmand vm2, vm3;
	v6 =	vld [tilespmem:s9+$0xC00];
	v16 =	vsub.s32 v11, v2;
	v13 =	vadd.s32 $0x40000, v13;
	[tilespmem:s8+$0x2060] =	vst v9;
	s8 =	smov.u32 s9  }
0x17c: {  	v10 =	vmul.u32 $0x600, v10;
	v9 =	vld [tilespmem:s8+$0xC10];
	v17 =	vsub.s32 v12, v2;
	v13 =	vsel vm2, v13, v5  }
0x17d: {  	v16 =	vmul.u32 $0x600, v16;
	v19 =	vld [tilespmem:s8+$0xC20];
	v17 =	vmul.u32 $0x600, v17;
	v20 =	vsub.s32 v18, v2;
	[tilespmem:s8+$0x2070] =	vst v13  }
0x17e: {  	vm2 =	vge.s32 v15, v2;
	v13 =	vld [tilespmem:s8+$0xC30];
	v20 =	vmul.u32 $0x600, v20;
	v21 =	vsub.s32 v14, v2  }
0x17f: {  	vm3 =	vlt.s32 v15, v3;
	v15 =	vld [tilespmem:s8+$0xC40];
	v21 =	vmul.u32 $0x600, v21;
	v22 =	vsub.s32 v7, v2  }
0x180: {  	vm4 =	vge.s32 v11, v2;
	v6 =	vadd.s32 v8, v6;
	v8 =	vld [tilespmem:s8+$0xC50];
	v22 =	vmul.u32 $0x600, v22  }
0x181: {  	vm7 =	vlt.s32 v11, v3;
	vm5 =	vge.s32 v12, v2;
	v9 =	vadd.s32 v10, v9;
	v10 =	vld [tilespmem:s8+$0xC60]  }
0x182: {  	vm10 =	vlt.s32 v12, v3;
	vm8 =	vge.s32 v18, v2;
	v16 =	vadd.s32 v16, v19  }
.Ltmp2:
0x183: {  	vm12 =	vlt.s32 v18, v3;
	vm6 =	vge.s32 v14, v2;
	v13 =	vadd.s32 v17, v13;
	(pc) =	sbr.rel @p0 .LBB2_6-.Ltmp2, $4  }
0x184: {  	vm11 =	vlt.s32 v14, v3;
	vm9 =	vge.s32 v7, v2;
	v15 =	vadd.s32 v20, v15  }
0x185: {  	vm13 =	vlt.s32 v7, v3;
	v11 =	vadd.s32 $0x40000, v6;
	v6 =	vadd.s32 v21, v8  }
0x186: {  	v9 =	vadd.s32 $0x40000, v9;
	v8 =	vadd.s32 $0x40000, v16;
	v12 =	vadd.s32 v22, v10  }
0x187: {  	s9 =	sshra.s32 s10, $0x2;
	s10 =	sadd.s32 $0x200, s10;
	v7 =	vadd.s32 $0x40000, v15;
	v10 =	vadd.s32 $0x40000, v13;
	v6 =	vadd.s32 $0x40000, v6  }
0x188: {  	v13 =	vld [tilespmem:s9+$0x270]  }
0x189: {  	v14 =	vld [tilespmem:s9+$0x200];
	vm0 =	vmand vm0, vm1;
	vm15 =	vmand vm2, vm3;
	vm4 =	vmand vm4, vm7  }
0x18a: {  	v15 =	vld [tilespmem:s9+$0x210];
	vm7 =	vmand vm5, vm10;
	vm10 =	vmand vm8, vm12;
	v12 =	vadd.s32 $0x40000, v12  }
0x18b: {  	vm11 =	vmand vm6, vm11;
	vm12 =	vmand vm9, vm13;
	v11 =	vsel vm0, v11, v5  }
0x18c: {  	v16 =	vld [tilespmem:s9+$0xC70];
	v9 =	vsel vm15, v9, v5;
	v8 =	vsel vm4, v8, v5;
	v49 =	vsel vm7, v10, v5;
	[tilespmem:s8+$0x2000] =	vst v11  }
0x18d: {  	v7 =	vsel vm10, v7, v5;
	v6 =	vsel vm11, v6, v5;
	v12 =	vsel vm12, v12, v5;
	v11 =	vld [tilespmem:s9+$0x220];
	[tilespmem:s8+$0x2010] =	vst v9  }
0x18e: {  	v9 =	vld [tilespmem:s9+$0x230];
	[tilespmem:s8+$0x2020] =	vst v8;
	v18 =	vsub.s32 v14, v2;
	vm0 =	vge.s32 v14, v2;
	vm1 =	vlt.s32 v14, v3  }
0x18f: {  	v50 =	vld [tilespmem:s9+$0x240];
	[tilespmem:s8+$0x2030] =	vst v49;
	vm13 =	vge.s32 v13, v2;
	vm14 =	vlt.s32 v13, v3;
	v52 =	vsub.s32 v15, v2  }
0x190: {  	vm3 =	vlt.s32 v15, v3;
	v8 =	vld [tilespmem:s9+$0x250];
	[tilespmem:s8+$0x2040] =	vst v7;
	v7 =	vsub.s32 v13, v2;
	vm2 =	vmand vm13, vm14  }
0x191: {  	vm0 =	vmand vm0, vm1;
	v17 =	vld [tilespmem:s9+$0x260];
	v7 =	vmul.u32 $0x600, v7;
	[tilespmem:s8+$0x2050] =	vst v6;
	v6 =	vmul.u32 $0x600, v18  }
0x192: {  	v51 =	vld [tilespmem:s9+$0xC00];
	[tilespmem:s8+$0x2060] =	vst v12;
	v54 =	vsub.s32 v11, v2;
	v12 =	vmul.u32 $0x600, v52;
	vm4 =	vge.s32 v11, v2  }
0x193: {  	vm5 =	vlt.s32 v11, v3;
	v7 =	vadd.s32 v7, v16;
	v55 =	vsub.s32 v9, v2  }
0x194: {  	v16 =	vmul.u32 $0x600, v54;
	vm6 =	vge.s32 v9, v2;
	vm7 =	vlt.s32 v9, v3  }
0x195: {  	vm5 =	vmand vm4, vm5;
	v7 =	vadd.s32 $0x40000, v7;
	v18 =	vmul.u32 $0x600, v55  }
0x196: {  	vm8 =	vge.s32 v50, v2;
	vm9 =	vlt.s32 v50, v3;
	vm7 =	vmand vm6, vm7  }
0x197: {  	v53 =	vld [tilespmem:s9+$0xC10];
	v7 =	vsel vm2, v7, v5;
	vm2 =	vge.s32 v15, v2;
	v21 =	vsub.s32 v8, v2  }
0x198: {  	v19 =	vld [tilespmem:s9+$0xC20];
	vm10 =	vge.s32 v8, v2;
	vm11 =	vlt.s32 v8, v3;
	vm9 =	vmand vm8, vm9  }
0x199: {  	v57 =	vld [tilespmem:s9+$0xC50];
	[tilespmem:s9+$0x2070] =	vst v7;
	v7 =	vsub.s32 v50, v2;
	v21 =	vmul.u32 $0x600, v21;
	v22 =	vsub.s32 v17, v2  }
0x19a: {  	v20 =	vld [tilespmem:s9+$0xC30];
	vm12 =	vge.s32 v17, v2;
	vm13 =	vlt.s32 v17, v3;
	vm15 =	vmand vm2, vm3  }
0x19b: {  	v56 =	vld [tilespmem:s9+$0xC40];
	vm14 =	vmand vm10, vm11;
	v7 =	vmul.u32 $0x600, v7;
	v6 =	vadd.s32 v6, v51  }
0x19c: {  	v59 =	vld [tilespmem:s9+$0xC60];
	v22 =	vmul.u32 $0x600, v22;
	v12 =	vadd.s32 v12, v53;
	v6 =	vadd.s32 $0x40000, v6  }
0x19d: {  	v58 =	vadd.s32 v16, v19;
	v62 =	vadd.s32 $0x40000, v12;
	v6 =	vsel vm0, v6, v5  }
0x19e: {  	v61 =	vadd.s32 v21, v57;
	v11 =	vadd.s32 $0x40000, v58;
	[tilespmem:s9+$0x2000] =	vst v6;
	v6 =	vsel vm15, v62, v5  }
0x19f: {  	v60 =	vadd.s32 v18, v20;
	v8 =	vadd.s32 $0x40000, v61;
	v11 =	vsel vm5, v11, v5;
	[tilespmem:s9+$0x2010] =	vst v6  }
0x1a0: {  	v7 =	vadd.s32 v7, v56;
	v63 =	vadd.s32 $0x40000, v60;
	v8 =	vsel vm14, v8, v5;
	[tilespmem:s9+$0x2020] =	vst v11  }
0x1a1: {  	v9 =	vadd.s32 v22, v59;
	v6 =	vadd.s32 $0x40000, v7;
	v7 =	vsel vm7, v63, v5;
	[tilespmem:s9+$0x2050] =	vst v8  }
0x1a2: {  	vm15 =	vmand vm12, vm13;
	v6 =	vsel vm9, v6, v5;
	[tilespmem:s9+$0x2030] =	vst v7;
	v7 =	vadd.s32 $0x40000, v9  }
0x1a3: {  	[tilespmem:s9+$0x2040] =	vst v6;
	v6 =	vsel vm15, v7, v5  }
0x1a4: {  	[tilespmem:s9+$0x2060] =	vst v6  }
0x1a5: {  	_ =	swait.ge [sflag:s4], $0x2000  }
0x1a6: {  	[sflag:s4] =	ssyncset.done $0x0  }
0x1a7: {  	[sflag:s4] =	ssyncadd.s32 $0xFFFFE000  }
0x1a8: {  	_ =	swait.ge [sflag:s4], $0x2000  }
0x1a9: {  	[sflag:s4] =	ssyncset.done $0x0  }
0x1aa: {  	[sflag:s4] =	ssyncadd.s32 $0xFFFFE000  }
0x1ab: {  	_ =	swait.ge [sflag:s4], $0x2000  }
0x1ac: {  	[sflag:s4] =	ssyncset.done $0x0  }
0x1ad: {  	[sflag:s4] =	ssyncadd.s32 $0xFFFFE000  }
0x1ae: {  	_ =	swait.ge [sflag:s4], $0x2000  }
0x1af: {  	[sflag:s4] =	ssyncset.done $0x0  }
0x1b0: {  	[sflag:s4] =	ssyncadd.s32 $0xFFFFE000  }
0x1b1: {  	_ =	swait.ge [sflag:s4], $0x2000  }
0x1b2: {  	[sflag:s4] =	ssyncset.done $0x0  }
0x1b3: {  	[sflag:s4] =	ssyncadd.s32 $0xFFFFE000  }
0x1b4: {  	_ =	swait.ge [sflag:s4], $0x2000  }
0x1b5: {  	[sflag:s4] =	ssyncset.done $0x0  }
0x1b6: {  	[sflag:s4] =	ssyncadd.s32 $0xFFFFE000  }
0x1b7: {  	_ =	swait.ge [sflag:s4], $0x2000  }
0x1b8: {  	[sflag:s4] =	ssyncset.done $0x0  }
0x1b9: {  	[sflag:s4] =	ssyncadd.s32 $0xFFFFE000  }
0x1ba: {  	_ =	swait.ge [sflag:s4], $0x2000  }
0x1bb: {  	[sflag:s4] =	ssyncset.done $0x0  }
0x1bc: {  	[sflag:s4] =	ssyncadd.s32 $0xFFFFE000  }
0x1bd: {  	s9 =	simm.s32 $0x1E00;
	[bflag:$0x0] =	sbarrier.arrive $0xFFFF  }
0x1be: {  	[spmem:s19] =	stream.indirect.scatter.add.f32 [tilespmem:s1], [sflag:$0x3], $0x1, s9, s5, $0xb8;
	[tilespmem:$0x14A08] =	vst v63  }
0x1bf: {  	s10 =	simm.s32 $0x1E80;
	s11 =	simm.s32 $0x1480  }
0x1c0: {  	[spmem:s19] =	stream.indirect.scatter.add.f32 [tilespmem:s11], [sflag:$0x3], $0x1, s10, s5, $0xb8;
	[tilespmem:$0x14A08] =	vst v63  }
0x1c1: {  	s10 =	simm.s32 $0x1F00;
	s11 =	simm.s32 $0x1500  }
0x1c2: {  	[spmem:s19] =	stream.indirect.scatter.add.f32 [tilespmem:s11], [sflag:$0x3], $0x1, s10, s5, $0xb8;
	[tilespmem:$0x14A08] =	vst v63  }
0x1c3: {  	s10 =	simm.s32 $0x1F80;
	s11 =	simm.s32 $0x1580  }
0x1c4: {  	[spmem:s19] =	stream.indirect.scatter.add.f32 [tilespmem:s11], [sflag:$0x3], $0x1, s10, s5, $0xb8;
	[tilespmem:$0x14A08] =	vst v63  }
0x1c5: {  	_ =	swait.ge [sflag:s6], $0x80  }
0x1c6: {  	[sflag:s6] =	ssyncset.done $0x0  }
0x1c7: {  	[sflag:s6] =	ssyncadd.s32 $0xFFFFFF80  }
0x1c8: {  	_ =	swait.ge [sflag:s6], $0x80  }
0x1c9: {  	[sflag:s6] =	ssyncset.done $0x0  }
0x1ca: {  	[sflag:s6] =	ssyncadd.s32 $0xFFFFFF80  }
0x1cb: {  	_ =	swait.ge [sflag:s6], $0x80  }
0x1cc: {  	[sflag:s6] =	ssyncset.done $0x0  }
0x1cd: {  	[sflag:s6] =	ssyncadd.s32 $0xFFFFFF80  }
0x1ce: {  	_ =	swait.ge [sflag:s6], $0x80  }
0x1cf: {  	[sflag:s6] =	ssyncset.done $0x0  }
0x1d0: {  	[sflag:s6] =	ssyncadd.s32 $0xFFFFFF80  }
0x1d1: {  	[bflag:$0x0] =	sbarrier.arrive $0xFFFF  }
0x1d2: {  	s10 =	sld [smem:$0x7B3];
	_ =	sdelay $0x2  }
0x1d3: {  	s11 =	sshrl.u32 s30, $0x3;
	s8 =	sor.u32 $0x1C01, s10;
	s10 =	rddreg [dreg:$0x1a]  }
0x1d4: {  	[hbm:s10@s5], [sflag:s8] =	dma.strided [spmem:s11@s7], $0x80, s3, $0x10   }
0x1d5: {  	s10 =	sld [smem:$0x7C5];
	_ =	sdelay $0x1  }
0x1d6: {  	s9 =	rddreg [dreg:$0xd]  }
0x1d7: {  	[hbm:s9@s5], [sflag:s8] =	dma.strided [spmem:s10@s7], $0x80, s3, $0x10   }
0x1d8: {  	s10 =	sld [smem:$0x7C6];
	_ =	sdelay $0x1  }
0x1d9: {  	s9 =	rddreg [dreg:$0xe]  }
0x1da: {  	[hbm:s9@s5], [sflag:s8] =	dma.strided [spmem:s10@s7], $0x80, s3, $0x10   }
0x1db: {  	s10 =	sld [smem:$0x7C7];
	_ =	sdelay $0x1  }
0x1dc: {  	s9 =	rddreg [dreg:$0xf]  }
0x1dd: {  	[hbm:s9@s5], [sflag:s8] =	dma.strided [spmem:s10@s7], $0x80, s3, $0x10   }
0x1de: {  	s10 =	sld [smem:$0x7C8];
	_ =	sdelay $0x1  }
0x1df: {  	s9 =	rddreg [dreg:$0x14]  }
0x1e0: {  	[hbm:s9@s5], [sflag:s8] =	dma.strided [spmem:s10@s7], $0x80, s3, $0x10   }
0x1e1: {  	s10 =	sld [smem:$0x7C9];
	_ =	sdelay $0x1  }
0x1e2: {  	s9 =	rddreg [dreg:$0x16]  }
0x1e3: {  	[hbm:s9@s5], [sflag:s8] =	dma.strided [spmem:s10@s7], $0x80, s3, $0x10   }
0x1e4: {  	s10 =	sld [smem:$0x7CA];
	_ =	sdelay $0x1  }
0x1e5: {  	s9 =	rddreg [dreg:$0x18]  }
0x1e6: {  	[hbm:s9@s5], [sflag:s8] =	dma.strided [spmem:s10@s7], $0x80, s3, $0x10   }
0x1e7: {  	s10 =	sld [smem:$0x7CB];
	_ =	sdelay $0x1  }
0x1e8: {  	s9 =	rddreg [dreg:$0x1b]  }
0x1e9: {  	[hbm:s9@s5], [sflag:s8] =	dma.strided [spmem:s10@s7], $0x80, s3, $0x10   }
0x1ea: {  	s10 =	sld [smem:$0x7CD];
	_ =	sdelay $0x1  }
0x1eb: {  	s9 =	rddreg [dreg:$0x19]  }
0x1ec: {  	[hbm:s9@s5], [sflag:s8] =	dma.strided [spmem:s10@s7], $0x80, s3, $0x10   }
0x1ed: {  	s10 =	sld [smem:$0x7CF];
	_ =	sdelay $0x1  }
0x1ee: {  	s9 =	rddreg [dreg:$0x10]  }
0x1ef: {  	[hbm:s9@s5], [sflag:s8] =	dma.strided [spmem:s10@s7], $0x80, s3, $0x10   }
0x1f0: {  	s10 =	sld [smem:$0x7D1];
	_ =	sdelay $0x1  }
0x1f1: {  	s9 =	rddreg [dreg:$0x11]  }
0x1f2: {  	[hbm:s9@s5], [sflag:s8] =	dma.strided [spmem:s10@s7], $0x80, s3, $0x10   }
0x1f3: {  	s10 =	sld [smem:$0x7D3];
	_ =	sdelay $0x1  }
0x1f4: {  	s9 =	rddreg [dreg:$0x12]  }
0x1f5: {  	[hbm:s9@s5], [sflag:s8] =	dma.strided [spmem:s10@s7], $0x80, s3, $0x10   }
0x1f6: {  	s10 =	sld [smem:$0x7D5];
	_ =	sdelay $0x1  }
0x1f7: {  	s9 =	rddreg [dreg:$0x13]  }
0x1f8: {  	[hbm:s9@s5], [sflag:s8] =	dma.strided [spmem:s10@s7], $0x80, s3, $0x10   }
0x1f9: {  	s10 =	sld [smem:$0x7D7];
	_ =	sdelay $0x1  }
0x1fa: {  	s9 =	rddreg [dreg:$0x15]  }
0x1fb: {  	[hbm:s9@s5], [sflag:s8] =	dma.strided [spmem:s10@s7], $0x80, s3, $0x10   }
0x1fc: {  	s10 =	sld [smem:$0x7D9];
	_ =	sdelay $0x1  }
0x1fd: {  	s9 =	rddreg [dreg:$0x17]  }
0x1fe: {  	[hbm:s9@s5], [sflag:s8] =	dma.strided [spmem:s10@s7], $0x80, s3, $0x10   }
0x1ff: {  	s10 =	sld [smem:$0x7DB];
	_ =	sdelay $0x1  }
0x200: {  	s11 =	simm.s32 $0x2000;
	s9 =	rddreg [dreg:$0x1c]  }
0x201: {  	[hbm:s9@s5], [sflag:s8] =	dma.strided [spmem:s10@s7], $0x80, s3, $0x10   }
0x202: {  	[spmem:s19] =	stream.indirect.scatter.add.f32 [tilespmem:s2], [sflag:$0x3], $0x1, s11, s5, $0xb8;
	[tilespmem:$0x14A08] =	vst v63  }
0x203: {  	s10 =	simm.s32 $0x2080;
	s11 =	simm.s32 $0x1680  }
0x204: {  	[spmem:s19] =	stream.indirect.scatter.add.f32 [tilespmem:s11], [sflag:$0x3], $0x1, s10, s5, $0xb8;
	[tilespmem:$0x14A08] =	vst v63  }
0x205: {  	s10 =	simm.s32 $0x2100;
	s11 =	simm.s32 $0x1700  }
0x206: {  	[spmem:s19] =	stream.indirect.scatter.add.f32 [tilespmem:s11], [sflag:$0x3], $0x1, s10, s5, $0xb8;
	[tilespmem:$0x14A08] =	vst v63  }
0x207: {  	s10 =	simm.s32 $0x2180;
	s11 =	simm.s32 $0x1780  }
0x208: {  	[spmem:s19] =	stream.indirect.scatter.add.f32 [tilespmem:s11], [sflag:$0x3], $0x1, s10, s5, $0xb8;
	[tilespmem:$0x14A08] =	vst v63  }
0x209: {  	s10 =	simm.s32 $0x2200;
	s11 =	simm.s32 $0x1800  }
0x20a: {  	[spmem:s19] =	stream.indirect.scatter.add.f32 [tilespmem:s11], [sflag:$0x3], $0x1, s10, s5, $0xb8;
	[tilespmem:$0x14A08] =	vst v63  }
0x20b: {  	s10 =	simm.s32 $0x2280;
	s11 =	simm.s32 $0x1880  }
0x20c: {  	[spmem:s19] =	stream.indirect.scatter.add.f32 [tilespmem:s11], [sflag:$0x3], $0x1, s10, s5, $0xb8;
	[tilespmem:$0x14A08] =	vst v63  }
0x20d: {  	s10 =	simm.s32 $0x2300;
	s11 =	simm.s32 $0x1900  }
0x20e: {  	[spmem:s19] =	stream.indirect.scatter.add.f32 [tilespmem:s11], [sflag:$0x3], $0x1, s10, s5, $0xb8;
	[tilespmem:$0x14A08] =	vst v63  }
0x20f: {  	s10 =	simm.s32 $0x2380;
	s11 =	simm.s32 $0x1980  }
0x210: {  	[spmem:s19] =	stream.indirect.scatter.add.f32 [tilespmem:s11], [sflag:$0x3], $0x1, s10, s5, $0xb8;
	[tilespmem:$0x14A08] =	vst v63  }
0x211: {  	s10 =	simm.s32 $0x2400;
	s11 =	simm.s32 $0x1A00  }
0x212: {  	[spmem:s19] =	stream.indirect.scatter.add.f32 [tilespmem:s11], [sflag:$0x3], $0x1, s10, s5, $0xb8;
	[tilespmem:$0x14A08] =	vst v63  }
0x213: {  	s10 =	simm.s32 $0x2480;
	s11 =	simm.s32 $0x1A80  }
0x214: {  	[spmem:s19] =	stream.indirect.scatter.add.f32 [tilespmem:s11], [sflag:$0x3], $0x1, s10, s5, $0xb8;
	[tilespmem:$0x14A08] =	vst v63  }
0x215: {  	s10 =	simm.s32 $0x2500;
	s11 =	simm.s32 $0x1B00  }
0x216: {  	[spmem:s19] =	stream.indirect.scatter.add.f32 [tilespmem:s11], [sflag:$0x3], $0x1, s10, s5, $0xb8;
	[tilespmem:$0x14A08] =	vst v63  }
0x217: {  	s10 =	simm.s32 $0x2580;
	s11 =	simm.s32 $0x1B80  }
0x218: {  	[spmem:s19] =	stream.indirect.scatter.add.f32 [tilespmem:s11], [sflag:$0x3], $0x1, s10, s5, $0xb8;
	[tilespmem:$0x14A08] =	vst v63  }
0x219: {  	s10 =	simm.s32 $0x2600;
	s11 =	simm.s32 $0x1C00  }
0x21a: {  	[spmem:s19] =	stream.indirect.scatter.add.f32 [tilespmem:s11], [sflag:$0x3], $0x1, s10, s5, $0xb8;
	[tilespmem:$0x14A08] =	vst v63  }
0x21b: {  	s10 =	simm.s32 $0x2680;
	s11 =	simm.s32 $0x1C80  }
0x21c: {  	[spmem:s19] =	stream.indirect.scatter.add.f32 [tilespmem:s11], [sflag:$0x3], $0x1, s10, s5, $0xb8;
	[tilespmem:$0x14A08] =	vst v63  }
0x21d: {  	s10 =	simm.s32 $0x2700;
	s11 =	simm.s32 $0x1D00  }
0x21e: {  	[spmem:s19] =	stream.indirect.scatter.add.f32 [tilespmem:s11], [sflag:$0x3], $0x1, s10, s5, $0xb8;
	[tilespmem:$0x14A08] =	vst v63  }
0x21f: {  	s10 =	simm.s32 $0x2780;
	s11 =	simm.s32 $0x1D80  }
0x220: {  	[spmem:s19] =	stream.indirect.scatter.add.f32 [tilespmem:s11], [sflag:$0x3], $0x1, s10, s5, $0xb8;
	[tilespmem:$0x14A08] =	vst v63  }
0x221: {  	_ =	swait.ge [sflag:s6], $0x80  }
0x222: {  	[sflag:s6] =	ssyncset.done $0x0  }
0x223: {  	[sflag:s6] =	ssyncadd.s32 $0xFFFFFF80  }
0x224: {  	_ =	swait.ge [sflag:s6], $0x80  }
0x225: {  	[sflag:s6] =	ssyncset.done $0x0  }
0x226: {  	[sflag:s6] =	ssyncadd.s32 $0xFFFFFF80  }
0x227: {  	_ =	swait.ge [sflag:s6], $0x80  }
0x228: {  	[sflag:s6] =	ssyncset.done $0x0  }
0x229: {  	[sflag:s6] =	ssyncadd.s32 $0xFFFFFF80  }
0x22a: {  	_ =	swait.ge [sflag:s6], $0x80  }
0x22b: {  	[sflag:s6] =	ssyncset.done $0x0  }
0x22c: {  	[sflag:s6] =	ssyncadd.s32 $0xFFFFFF80  }
0x22d: {  	_ =	swait.ge [sflag:s6], $0x80  }
0x22e: {  	[sflag:s6] =	ssyncset.done $0x0  }
0x22f: {  	[sflag:s6] =	ssyncadd.s32 $0xFFFFFF80  }
0x230: {  	_ =	swait.ge [sflag:s6], $0x80  }
0x231: {  	[sflag:s6] =	ssyncset.done $0x0  }
0x232: {  	[sflag:s6] =	ssyncadd.s32 $0xFFFFFF80  }
0x233: {  	_ =	swait.ge [sflag:s6], $0x80  }
0x234: {  	[sflag:s6] =	ssyncset.done $0x0  }
0x235: {  	[sflag:s6] =	ssyncadd.s32 $0xFFFFFF80  }
0x236: {  	_ =	swait.ge [sflag:s6], $0x80  }
0x237: {  	[sflag:s6] =	ssyncset.done $0x0  }
0x238: {  	[sflag:s6] =	ssyncadd.s32 $0xFFFFFF80  }
0x239: {  	_ =	swait.ge [sflag:s6], $0x80  }
0x23a: {  	[sflag:s6] =	ssyncset.done $0x0  }
0x23b: {  	[sflag:s6] =	ssyncadd.s32 $0xFFFFFF80  }
0x23c: {  	_ =	swait.ge [sflag:s6], $0x80  }
0x23d: {  	[sflag:s6] =	ssyncset.done $0x0  }
0x23e: {  	[sflag:s6] =	ssyncadd.s32 $0xFFFFFF80  }
0x23f: {  	_ =	swait.ge [sflag:s6], $0x80  }
0x240: {  	[sflag:s6] =	ssyncset.done $0x0  }
0x241: {  	[sflag:s6] =	ssyncadd.s32 $0xFFFFFF80  }
0x242: {  	_ =	swait.ge [sflag:s6], $0x80  }
0x243: {  	[sflag:s6] =	ssyncset.done $0x0  }
0x244: {  	[sflag:s6] =	ssyncadd.s32 $0xFFFFFF80  }
0x245: {  	_ =	swait.ge [sflag:s6], $0x80  }
0x246: {  	[sflag:s6] =	ssyncset.done $0x0  }
0x247: {  	[sflag:s6] =	ssyncadd.s32 $0xFFFFFF80  }
0x248: {  	_ =	swait.ge [sflag:s6], $0x80  }
0x249: {  	[sflag:s6] =	ssyncset.done $0x0  }
0x24a: {  	[sflag:s6] =	ssyncadd.s32 $0xFFFFFF80  }
0x24b: {  	_ =	swait.ge [sflag:s6], $0x80  }
0x24c: {  	[sflag:s6] =	ssyncset.done $0x0  }
0x24d: {  	[sflag:s6] =	ssyncadd.s32 $0xFFFFFF80  }
0x24e: {  	_ =	swait.ge [sflag:s6], $0x80  }
0x24f: {  	[sflag:s6] =	ssyncset.done $0x0  }
0x250: {  	[sflag:s6] =	ssyncadd.s32 $0xFFFFFF80  }
0x251: {  	[bflag:$0x0] =	sbarrier.arrive $0xFFFF  }
0x252: {  	s10 =	sld [smem:$0x794]  }
0x253: {  	s11 =	sld [smem:$0x7DD];
	_ =	sdelay $0x2  }
0x254: {  	[hbm:s10@s5], [sflag:s8] =	dma.strided [spmem:s11@s7], $0xC0, s3, $0x10   }
0x255: {  	s9 =	sld [smem:$0x798]  }
0x256: {  	s10 =	sld [smem:$0x7DF];
	_ =	sdelay $0x2  }
0x257: {  	[hbm:s9@s5], [sflag:s8] =	dma.strided [spmem:s10@s7], $0xC0, s3, $0x10   }
0x258: {  	s9 =	sld [smem:$0x79C]  }
0x259: {  	s10 =	sld [smem:$0x7E1];
	_ =	sdelay $0x2  }
0x25a: {  	[hbm:s9@s5], [sflag:s8] =	dma.strided [spmem:s10@s7], $0xC0, s3, $0x10   }
0x25b: {  	s9 =	sld [smem:$0x7A0]  }
0x25c: {  	s10 =	sld [smem:$0x7E3];
	_ =	sdelay $0x2  }
0x25d: {  	[hbm:s9@s5], [sflag:s8] =	dma.strided [spmem:s10@s7], $0xC0, s3, $0x10   }
0x25e: {  	s9 =	sld [smem:$0x7A4]  }
0x25f: {  	s10 =	sld [smem:$0x7E5];
	_ =	sdelay $0x2  }
0x260: {  	[hbm:s9@s5], [sflag:s8] =	dma.strided [spmem:s10@s7], $0xC0, s3, $0x10   }
0x261: {  	s9 =	sld [smem:$0x7A8]  }
0x262: {  	s10 =	sld [smem:$0x7E7];
	_ =	sdelay $0x2  }
0x263: {  	[hbm:s9@s5], [sflag:s8] =	dma.strided [spmem:s10@s7], $0xC0, s3, $0x10   }
0x264: {  	s9 =	sld [smem:$0x7AC]  }
0x265: {  	s10 =	sld [smem:$0x7E9];
	_ =	sdelay $0x2  }
0x266: {  	[hbm:s9@s5], [sflag:s8] =	dma.strided [spmem:s10@s7], $0xC0, s3, $0x10   }
0x267: {  	s9 =	sld [smem:$0x7AD]  }
0x268: {  	s10 =	sld [smem:$0x7EB];
	_ =	sdelay $0x2  }
0x269: {  	[hbm:s9@s5], [sflag:s8] =	dma.strided [spmem:s10@s7], $0xC0, s3, $0x10   }
0x26a: {  	s10 =	sld [smem:$0x7ED];
	_ =	sdelay $0x1  }
0x26b: {  	s9 =	rddreg [dreg:$0x1d]  }
0x26c: {  	[hbm:s9@s5], [sflag:s8] =	dma.strided [spmem:s10@s7], $0xC0, s3, $0x10   }
0x26d: {  	s9 =	sld [smem:$0x795]  }
0x26e: {  	s10 =	sld [smem:$0x7EF];
	_ =	sdelay $0x2  }
0x26f: {  	[hbm:s9@s5], [sflag:s8] =	dma.strided [spmem:s10@s7], $0xC0, s3, $0x10   }
0x270: {  	s9 =	sld [smem:$0x799]  }
0x271: {  	s10 =	sld [smem:$0x7F0];
	_ =	sdelay $0x2  }
0x272: {  	[hbm:s9@s5], [sflag:s8] =	dma.strided [spmem:s10@s7], $0xC0, s3, $0x10   }
0x273: {  	s9 =	sld [smem:$0x79D]  }
0x274: {  	s10 =	sld [smem:$0x7F1];
	_ =	sdelay $0x2  }
0x275: {  	[hbm:s9@s5], [sflag:s8] =	dma.strided [spmem:s10@s7], $0xC0, s3, $0x10   }
0x276: {  	s9 =	sld [smem:$0x7A1]  }
0x277: {  	s10 =	sld [smem:$0x7F2];
	_ =	sdelay $0x2  }
0x278: {  	[hbm:s9@s5], [sflag:s8] =	dma.strided [spmem:s10@s7], $0xC0, s3, $0x10   }
0x279: {  	s9 =	sld [smem:$0x7A5]  }
0x27a: {  	s10 =	sld [smem:$0x7F3];
	_ =	sdelay $0x2  }
0x27b: {  	[hbm:s9@s5], [sflag:s8] =	dma.strided [spmem:s10@s7], $0xC0, s3, $0x10   }
0x27c: {  	s9 =	sld [smem:$0x7A9]  }
0x27d: {  	s10 =	sld [smem:$0x7F4];
	_ =	sdelay $0x2  }
0x27e: {  	[hbm:s9@s5], [sflag:s8] =	dma.strided [spmem:s10@s7], $0xC0, s3, $0x10   }
0x27f: {  	s9 =	sld [smem:$0x7AE]  }
0x280: {  	s10 =	sld [smem:$0x7F5];
	_ =	sdelay $0x2  }
0x281: {  	[hbm:s9@s5], [sflag:s8] =	dma.strided [spmem:s10@s7], $0xC0, s3, $0x10   }
0x282: {  	s10 =	sld [smem:$0x7F6];
	_ =	sdelay $0x1  }
0x283: {  	s9 =	rddreg [dreg:$0x1e]  }
0x284: {  	[hbm:s9@s5], [sflag:s8] =	dma.strided [spmem:s10@s7], $0xC0, s3, $0x10   }
0x285: {  	s9 =	sld [smem:$0x796]  }
0x286: {  	s10 =	sld [smem:$0x7F7];
	_ =	sdelay $0x2  }
0x287: {  	[hbm:s9@s5], [sflag:s8] =	dma.strided [spmem:s10@s7], $0xC0, s3, $0x10   }
0x288: {  	s9 =	sld [smem:$0x79A]  }
0x289: {  	s10 =	sld [smem:$0x7F8];
	_ =	sdelay $0x2  }
0x28a: {  	[hbm:s9@s5], [sflag:s8] =	dma.strided [spmem:s10@s7], $0xC0, s3, $0x10   }
0x28b: {  	s9 =	sld [smem:$0x79E]  }
0x28c: {  	s10 =	sld [smem:$0x7F9];
	_ =	sdelay $0x2  }
0x28d: {  	[hbm:s9@s5], [sflag:s8] =	dma.strided [spmem:s10@s7], $0xC0, s3, $0x10   }
0x28e: {  	s9 =	sld [smem:$0x7A2]  }
0x28f: {  	s10 =	sld [smem:$0x7FA];
	_ =	sdelay $0x2  }
0x290: {  	[hbm:s9@s5], [sflag:s8] =	dma.strided [spmem:s10@s7], $0xC0, s3, $0x10   }
0x291: {  	s9 =	sld [smem:$0x7A6]  }
0x292: {  	s10 =	sld [smem:$0x7FB];
	_ =	sdelay $0x2  }
0x293: {  	[hbm:s9@s5], [sflag:s8] =	dma.strided [spmem:s10@s7], $0xC0, s3, $0x10   }
0x294: {  	s9 =	sld [smem:$0x7AA]  }
0x295: {  	s10 =	sld [smem:$0x7FC];
	_ =	sdelay $0x2  }
0x296: {  	[hbm:s9@s5], [sflag:s8] =	dma.strided [spmem:s10@s7], $0xC0, s3, $0x10   }
0x297: {  	s9 =	sld [smem:$0x7AF]  }
0x298: {  	s10 =	sld [smem:$0x7FD];
	_ =	sdelay $0x2  }
0x299: {  	[hbm:s9@s5], [sflag:s8] =	dma.strided [spmem:s10@s7], $0xC0, s3, $0x10   }
0x29a: {  	s9 =	rddreg [dreg:$0x1f]  }
0x29b: {  	[hbm:s9@s5], [sflag:s8] =	dma.strided [spmem:s12@s7], $0xC0, s3, $0x10   }
0x29c: {  	s9 =	sld [smem:$0x797];
	_ =	sdelay $0x2  }
0x29d: {  	[hbm:s9@s5], [sflag:s8] =	dma.strided [spmem:s13@s7], $0xC0, s3, $0x10   }
0x29e: {  	s9 =	sld [smem:$0x79B];
	_ =	sdelay $0x2  }
0x29f: {  	[hbm:s9@s5], [sflag:s8] =	dma.strided [spmem:s14@s7], $0xC0, s3, $0x10   }
0x2a0: {  	s9 =	sld [smem:$0x79F];
	_ =	sdelay $0x2  }
0x2a1: {  	[hbm:s9@s5], [sflag:s8] =	dma.strided [spmem:s15@s7], $0xC0, s3, $0x10   }
0x2a2: {  	s9 =	sld [smem:$0x7A3];
	_ =	sdelay $0x2  }
0x2a3: {  	[hbm:s9@s5], [sflag:s8] =	dma.strided [spmem:s16@s7], $0xC0, s3, $0x10   }
0x2a4: {  	s9 =	sld [smem:$0x7A7];
	_ =	sdelay $0x2  }
0x2a5: {  	[hbm:s9@s5], [sflag:s8] =	dma.strided [spmem:s17@s7], $0xC0, s3, $0x10   }
0x2a6: {  	s9 =	sld [smem:$0x7AB];
	_ =	sdelay $0x2  }
0x2a7: {  	[hbm:s9@s5], [sflag:s8] =	dma.strided [spmem:s18@s7], $0xC0, s3, $0x10   }
0x2a8: {  	s9 =	sld [smem:$0x7B0];
	_ =	sdelay $0x2  }
0x2a9: {  	[hbm:s9@s5], [sflag:s8] =	dma.strided [spmem:s21@s7], $0xC0, s3, $0x10   }
0x2aa: {  	_ =	swait.ge [sflag:s3], $0x80  }
0x2ab: {  	[sflag:s3] =	ssyncset.done $0x0  }
0x2ac: {  	[sflag:s3] =	ssyncadd.s32 $0xFFFFFF80  }
0x2ad: {  	_ =	swait.ge [sflag:s3], $0x80  }
0x2ae: {  	[sflag:s3] =	ssyncset.done $0x0  }
0x2af: {  	[sflag:s3] =	ssyncadd.s32 $0xFFFFFF80  }
0x2b0: {  	_ =	swait.ge [sflag:s3], $0x80  }
0x2b1: {  	[sflag:s3] =	ssyncset.done $0x0  }
0x2b2: {  	[sflag:s3] =	ssyncadd.s32 $0xFFFFFF80  }
0x2b3: {  	_ =	swait.ge [sflag:s3], $0x80  }
0x2b4: {  	[sflag:s3] =	ssyncset.done $0x0  }
0x2b5: {  	[sflag:s3] =	ssyncadd.s32 $0xFFFFFF80  }
0x2b6: {  	_ =	swait.ge [sflag:s3], $0x80  }
0x2b7: {  	[sflag:s3] =	ssyncset.done $0x0  }
0x2b8: {  	[sflag:s3] =	ssyncadd.s32 $0xFFFFFF80  }
0x2b9: {  	_ =	swait.ge [sflag:s3], $0x80  }
0x2ba: {  	[sflag:s3] =	ssyncset.done $0x0  }
0x2bb: {  	[sflag:s3] =	ssyncadd.s32 $0xFFFFFF80  }
0x2bc: {  	_ =	swait.ge [sflag:s3], $0x80  }
0x2bd: {  	[sflag:s3] =	ssyncset.done $0x0  }
0x2be: {  	[sflag:s3] =	ssyncadd.s32 $0xFFFFFF80  }
0x2bf: {  	_ =	swait.ge [sflag:s3], $0x80  }
0x2c0: {  	[sflag:s3] =	ssyncset.done $0x0  }
0x2c1: {  	[sflag:s3] =	ssyncadd.s32 $0xFFFFFF80  }
0x2c2: {  	_ =	swait.ge [sflag:s3], $0x80  }
0x2c3: {  	[sflag:s3] =	ssyncset.done $0x0  }
0x2c4: {  	[sflag:s3] =	ssyncadd.s32 $0xFFFFFF80  }
0x2c5: {  	_ =	swait.ge [sflag:s3], $0x80  }
0x2c6: {  	[sflag:s3] =	ssyncset.done $0x0  }
0x2c7: {  	[sflag:s3] =	ssyncadd.s32 $0xFFFFFF80  }
0x2c8: {  	_ =	swait.ge [sflag:s3], $0x80  }
0x2c9: {  	[sflag:s3] =	ssyncset.done $0x0  }
0x2ca: {  	[sflag:s3] =	ssyncadd.s32 $0xFFFFFF80  }
0x2cb: {  	_ =	swait.ge [sflag:s3], $0x80  }
0x2cc: {  	[sflag:s3] =	ssyncset.done $0x0  }
0x2cd: {  	[sflag:s3] =	ssyncadd.s32 $0xFFFFFF80  }
0x2ce: {  	_ =	swait.ge [sflag:s3], $0x80  }
0x2cf: {  	[sflag:s3] =	ssyncset.done $0x0  }
0x2d0: {  	[sflag:s3] =	ssyncadd.s32 $0xFFFFFF80  }
0x2d1: {  	_ =	swait.ge [sflag:s3], $0x80  }
0x2d2: {  	[sflag:s3] =	ssyncset.done $0x0  }
0x2d3: {  	[sflag:s3] =	ssyncadd.s32 $0xFFFFFF80  }
0x2d4: {  	_ =	swait.ge [sflag:s3], $0x80  }
0x2d5: {  	[sflag:s3] =	ssyncset.done $0x0  }
0x2d6: {  	[sflag:s3] =	ssyncadd.s32 $0xFFFFFF80  }
0x2d7: {  	_ =	swait.ge [sflag:s3], $0x80  }
0x2d8: {  	[sflag:s3] =	ssyncset.done $0x0  }
0x2d9: {  	[sflag:s3] =	ssyncadd.s32 $0xFFFFFF80  }
0x2da: {  	_ =	swait.ge [sflag:s3], $0xC0  }
0x2db: {  	[sflag:s3] =	ssyncset.done $0x0  }
0x2dc: {  	[sflag:s3] =	ssyncadd.s32 $0xFFFFFF40  }
0x2dd: {  	_ =	swait.ge [sflag:s3], $0xC0  }
0x2de: {  	[sflag:s3] =	ssyncset.done $0x0  }
0x2df: {  	[sflag:s3] =	ssyncadd.s32 $0xFFFFFF40  }
0x2e0: {  	_ =	swait.ge [sflag:s3], $0xC0  }
0x2e1: {  	[sflag:s3] =	ssyncset.done $0x0  }
0x2e2: {  	[sflag:s3] =	ssyncadd.s32 $0xFFFFFF40  }
0x2e3: {  	_ =	swait.ge [sflag:s3], $0xC0  }
0x2e4: {  	[sflag:s3] =	ssyncset.done $0x0  }
0x2e5: {  	[sflag:s3] =	ssyncadd.s32 $0xFFFFFF40  }
0x2e6: {  	_ =	swait.ge [sflag:s3], $0xC0  }
0x2e7: {  	[sflag:s3] =	ssyncset.done $0x0  }
0x2e8: {  	[sflag:s3] =	ssyncadd.s32 $0xFFFFFF40  }
0x2e9: {  	_ =	swait.ge [sflag:s3], $0xC0  }
0x2ea: {  	[sflag:s3] =	ssyncset.done $0x0  }
0x2eb: {  	[sflag:s3] =	ssyncadd.s32 $0xFFFFFF40  }
0x2ec: {  	_ =	swait.ge [sflag:s3], $0xC0  }
0x2ed: {  	[sflag:s3] =	ssyncset.done $0x0  }
0x2ee: {  	[sflag:s3] =	ssyncadd.s32 $0xFFFFFF40  }
0x2ef: {  	_ =	swait.ge [sflag:s3], $0xC0  }
0x2f0: {  	[sflag:s3] =	ssyncset.done $0x0  }
0x2f1: {  	[sflag:s3] =	ssyncadd.s32 $0xFFFFFF40  }
0x2f2: {  	_ =	swait.ge [sflag:s3], $0xC0  }
0x2f3: {  	[sflag:s3] =	ssyncset.done $0x0  }
0x2f4: {  	[sflag:s3] =	ssyncadd.s32 $0xFFFFFF40  }
0x2f5: {  	_ =	swait.ge [sflag:s3], $0xC0  }
0x2f6: {  	[sflag:s3] =	ssyncset.done $0x0  }
0x2f7: {  	[sflag:s3] =	ssyncadd.s32 $0xFFFFFF40  }
0x2f8: {  	_ =	swait.ge [sflag:s3], $0xC0  }
0x2f9: {  	[sflag:s3] =	ssyncset.done $0x0  }
0x2fa: {  	[sflag:s3] =	ssyncadd.s32 $0xFFFFFF40  }
0x2fb: {  	_ =	swait.ge [sflag:s3], $0xC0  }
0x2fc: {  	[sflag:s3] =	ssyncset.done $0x0  }
0x2fd: {  	[sflag:s3] =	ssyncadd.s32 $0xFFFFFF40  }
0x2fe: {  	_ =	swait.ge [sflag:s3], $0xC0  }
0x2ff: {  	[sflag:s3] =	ssyncset.done $0x0  }
0x300: {  	[sflag:s3] =	ssyncadd.s32 $0xFFFFFF40  }
0x301: {  	_ =	swait.ge [sflag:s3], $0xC0  }
0x302: {  	[sflag:s3] =	ssyncset.done $0x0  }
0x303: {  	[sflag:s3] =	ssyncadd.s32 $0xFFFFFF40  }
0x304: {  	_ =	swait.ge [sflag:s3], $0xC0  }
0x305: {  	[sflag:s3] =	ssyncset.done $0x0  }
0x306: {  	[sflag:s3] =	ssyncadd.s32 $0xFFFFFF40  }
0x307: {  	_ =	swait.ge [sflag:s3], $0xC0  }
0x308: {  	[sflag:s3] =	ssyncset.done $0x0  }
0x309: {  	[sflag:s3] =	ssyncadd.s32 $0xFFFFFF40  }
0x30a: {  	_ =	swait.ge [sflag:s3], $0xC0  }
0x30b: {  	[sflag:s3] =	ssyncset.done $0x0  }
0x30c: {  	[sflag:s3] =	ssyncadd.s32 $0xFFFFFF40  }
0x30d: {  	_ =	swait.ge [sflag:s3], $0xC0  }
0x30e: {  	[sflag:s3] =	ssyncset.done $0x0  }
0x30f: {  	[sflag:s3] =	ssyncadd.s32 $0xFFFFFF40  }
0x310: {  	_ =	swait.ge [sflag:s3], $0xC0  }
0x311: {  	[sflag:s3] =	ssyncset.done $0x0  }
0x312: {  	[sflag:s3] =	ssyncadd.s32 $0xFFFFFF40  }
0x313: {  	_ =	swait.ge [sflag:s3], $0xC0  }
0x314: {  	[sflag:s3] =	ssyncset.done $0x0  }
0x315: {  	[sflag:s3] =	ssyncadd.s32 $0xFFFFFF40  }
0x316: {  	_ =	swait.ge [sflag:s3], $0xC0  }
0x317: {  	[sflag:s3] =	ssyncset.done $0x0  }
0x318: {  	[sflag:s3] =	ssyncadd.s32 $0xFFFFFF40  }
0x319: {  	_ =	swait.ge [sflag:s3], $0xC0  }
0x31a: {  	[sflag:s3] =	ssyncset.done $0x0  }
0x31b: {  	[sflag:s3] =	ssyncadd.s32 $0xFFFFFF40  }
0x31c: {  	_ =	swait.ge [sflag:s3], $0xC0  }
0x31d: {  	[sflag:s3] =	ssyncset.done $0x0  }
0x31e: {  	[sflag:s3] =	ssyncadd.s32 $0xFFFFFF40  }
0x31f: {  	_ =	swait.ge [sflag:s3], $0xC0  }
0x320: {  	[sflag:s3] =	ssyncset.done $0x0  }
0x321: {  	[sflag:s3] =	ssyncadd.s32 $0xFFFFFF40  }
0x322: {  	_ =	swait.ge [sflag:s3], $0xC0  }
0x323: {  	[sflag:s3] =	ssyncset.done $0x0  }
0x324: {  	[sflag:s3] =	ssyncadd.s32 $0xFFFFFF40  }
0x325: {  	_ =	swait.ge [sflag:s3], $0xC0  }
0x326: {  	[sflag:s3] =	ssyncset.done $0x0  }
0x327: {  	[sflag:s3] =	ssyncadd.s32 $0xFFFFFF40  }
0x328: {  	_ =	swait.ge [sflag:s3], $0xC0  }
0x329: {  	[sflag:s3] =	ssyncset.done $0x0  }
0x32a: {  	[sflag:s3] =	ssyncadd.s32 $0xFFFFFF40  }
0x32b: {  	_ =	swait.ge [sflag:s3], $0xC0  }
0x32c: {  	[sflag:s3] =	ssyncset.done $0x0  }
0x32d: {  	[sflag:s3] =	ssyncadd.s32 $0xFFFFFF40  }
0x32e: {  	_ =	swait.ge [sflag:s3], $0xC0  }
0x32f: {  	[sflag:s3] =	ssyncset.done $0x0  }
0x330: {  	[sflag:s3] =	ssyncadd.s32 $0xFFFFFF40  }
0x331: {  	_ =	swait.ge [sflag:s3], $0xC0  }
0x332: {  	[sflag:s3] =	ssyncset.done $0x0  }
0x333: {  	[sflag:s3] =	ssyncadd.s32 $0xFFFFFF40  }
0x334: {  	_ =	swait.ge [sflag:s3], $0xC0  }
0x335: {  	[sflag:s3] =	ssyncset.done $0x0  }
0x336: {  	[sflag:s3] =	ssyncadd.s32 $0xFFFFFF40  }
0x337: {  	_ =	swait.ge [sflag:s3], $0xC0  }
0x338: {  	s11 =	sld [smem:$0x7C4];
	_ =	sdelay $0x1  }
0x339: {  	s20 =	sadd.s32 $0x1, s20  }
0x33a: {  	p0 =	sne.s32 s20, s11  }
.Ltmp3:
0x33b: {  	_ = 	snop;
	(pc) =	sbr.rel @p0 .LBB2_1-.Ltmp3, $3  }
0x33c: {  	_ =	sdelay $0x1  }
0x33d: {  	[sflag:s3] =	ssyncset.done $0x0  }
0x33e: {  	[sflag:s3] =	ssyncadd.s32 $0xFFFFFF40  }
0x33f: {  	_ =	sfence.sel $0x180000  }
0x340: {  	[bflag:$0x0] =	sbarrier.arrive $0xFFFF  }
0x341: {  	_ =	strace $0x90000047  }
0x342: {  	s0 =	stileid.u32;
	[bflag:$0x2] =	sbarrier.arrive $0xFFFF  }
0x343: {  	p0 =	sne.s32 s0, $0x0;
	s0 =	rddreg [dreg:$0x9]  }
0x344: {  	s0 =	sadd.s32 @!p0 $0x100000, s0  }
0x345: {  	[sflag:s0] =	ssyncadd.tile.s32 @!p0 $0x1;
	_ =	shalt  }
.Lfunc_end2:
_tile_overlayer_lowered:
.L_overlay_start_2:
0x346: {  	(tag) =	ssettag $0x2  }
0x347: {  	s0 =	rddreg [dreg:$0x0];
	s2 =	stileid.u32  }
0x348: {  	s1 =	rddreg [dreg:$0x1];
	p0 =	sne.s32 s2, $0x0  }
0x349: {  	s3 =	rddreg [dreg:$0x2];
	[bflag:$0x3] =	sbarrier.arrive $0xFFFF;
	s2 =	simm.s32 @!p0 $0x1C04  }
0x34a: {  	[timem:s3], [sflag:s2] =	dma.local @!p0 [hbm:s0], s1  }
0x34b: {  	s0 =	simm.s32 @!p0 $0x4  }
0x34c: {  	_ =	swait.ge @!p0 [sflag:s0], s1  }
0x34d: {  	s1 =	ssub.s32 @!p0 $0x0, s1;
	[sflag:s0] =	ssyncset.done @!p0 $0x0  }
0x34e: {  	[sflag:s0] =	ssyncadd.s32 @!p0 s1  }
0x34f: {  	[bflag:$0x3] =	sbarrier.arrive $0xFFFF  }
0x350: {  	_ =	shalt  }

</sc_bundles>
